<compile_context>
chip_gen: v7x
topology: tpu7x:2x2x1
jax: 0.10.2.dev20260603
libtpu: 0.0.44.dev20260713+nightly
codegen_flags: <defaults>
</compile_context>

<pallas_src>
import jax
import jax.numpy as jnp
from jax import lax
from jax.experimental import pallas as pl
from jax.experimental.pallas import tpu as pltpu
from jax.experimental.pallas import tpu_sc as plsc

UNITS = 128
DICT = 256
NC = 2
NS = 16
NW = NC * NS
L = 16
WPR = UNITS // 2

B, T = 1024, 200
N = B * T
PER_W = N // NW
CHUNK = 160
NCHUNK = PER_W // CHUNK
GROUPS = CHUNK // L
NBUF = 4

_ILV = plsc.PackFormat.INTERLEAVED


def _body(x_hbm, w_hbm, out_hbm, wp_v, dp_v, xin, out_v, insems, outsems):
    wid = lax.axis_index("s") * NC + lax.axis_index("c")
    base = wid * PER_W

    lane = lax.iota(jnp.int32, L)

    def in_copy(k, p):
        return pltpu.make_async_copy(
            x_hbm.at[pl.ds(base + k * CHUNK, CHUNK)], xin[p], insems[p]
        )

    def out_copy(k, p):
        return pltpu.make_async_copy(
            out_v[p], out_hbm.at[pl.ds(base + k * CHUNK, CHUNK)], outsems[p]
        )

    for p in range(NBUF):
        in_copy(p, p).start()

    HALF = CHUNK
    BASE1 = 152
    stage_lo = pltpu.make_async_copy(
        w_hbm.at[pl.ds(0, HALF)], out_v[0], outsems[0]
    )
    stage_hi = pltpu.make_async_copy(
        w_hbm.at[pl.ds(BASE1, DICT - BASE1)],
        out_v[1].at[pl.ds(0, DICT - BASE1)],
        outsems[1],
    )
    stage_lo.start()
    stage_hi.start()
    stage_lo.wait()
    stage_hi.wait()

    def build_row(stage, r, rl, r1l):
        for q in range(WPR // L):
            lo0 = stage[rl, pl.ds(q * L, L)]
            hi0 = stage[rl, pl.ds(WPR + q * L, L)]
            lo1 = stage[r1l, pl.ds(q * L, L)]
            hi1 = stage[r1l, pl.ds(WPR + q * L, L)]
            wp_v[pl.ds(r * WPR + q * L, L)] = plsc.bitcast(
                plsc.pack(lo0, hi0, format=_ILV), jnp.int32
            )
            dp_v[pl.ds(r * WPR + q * L, L)] = plsc.bitcast(
                plsc.pack(lo1 - lo0, hi1 - hi0, format=_ILV), jnp.int32
            )

    @plsc.parallel_loop(0, HALF - 1)
    def build_lo(r):
        build_row(out_v[0], r, r, r + 1)

    @plsc.parallel_loop(HALF - 1, DICT)
    def build_hi(r):
        rl = r - BASE1
        build_row(out_v[1], r, rl, jnp.minimum(rl + 1, DICT - 1 - BASE1))

    def chunk_quad(q, _):
        for p in range(NBUF):
            k = NBUF * q + p
            in_copy(k, p).wait()

            @pl.when(q >= 1)
            def _wait_out():
                out_copy(k, p).wait()

            @plsc.parallel_loop(0, GROUPS)
            def group_body(g):
                xv = xin[p][pl.ds(g * L, L)]
                i0v = xv.astype(jnp.int32)
                afv = xv - i0v.astype(jnp.float32)
                a0v = i0v * WPR

                @plsc.parallel_loop(0, L, unroll=8)
                def token_body(j):
                    jv = lax.broadcast_in_dim(j, (L,), ())
                    av = jnp.take_along_axis(afv, jv, axis=0)
                    avbf = plsc.pack(av, av, format=_ILV)
                    b0 = jnp.take_along_axis(a0v, jv, axis=0) + lane
                    t = g * L + j
                    ews = [
                        plsc.load_gather(
                            wp_v.at[pl.ds(c * L, DICT * WPR - c * L)], [b0]
                        )
                        for c in range(WPR // L)
                    ]
                    dws = [
                        plsc.load_gather(
                            dp_v.at[pl.ds(c * L, DICT * WPR - c * L)], [b0]
                        )
                        for c in range(WPR // L)
                    ]
                    for c in range(WPR // L):
                        ebf = plsc.bitcast(ews[c], jnp.bfloat16)
                        dbf = plsc.bitcast(dws[c], jnp.bfloat16)
                        olo, ohi = plsc.unpack(ebf + avbf * dbf, format=_ILV)
                        out_v[p][t, pl.ds(c * L, L)] = olo
                        out_v[p][t, pl.ds(WPR + c * L, L)] = ohi

            out_copy(k, p).start()

            @pl.when(q < NCHUNK // NBUF - 1)
            def _prefetch():
                in_copy(k + NBUF, p).start()
        return _

    lax.fori_loop(0, NCHUNK // NBUF, chunk_quad, None)
    for p in range(NBUF):
        out_copy(NCHUNK - NBUF + p, p).wait()


@jax.jit
def _run(x_flat, w):
    mesh = plsc.VectorSubcoreMesh(
        core_axis_name="c", subcore_axis_name="s", num_cores=NC, num_subcores=NS
    )
    return pl.kernel(
        _body,
        out_type=jax.ShapeDtypeStruct((N, UNITS), jnp.float32),
        mesh=mesh,
        compiler_params=pltpu.CompilerParams(needs_layout_passes=False),
        scratch_types=[
            pltpu.VMEM((DICT * WPR,), jnp.int32),
            pltpu.VMEM((DICT * WPR,), jnp.int32),
            [pltpu.VMEM((CHUNK,), jnp.float32) for _ in range(NBUF)],
            [pltpu.VMEM((CHUNK, UNITS), jnp.float32) for _ in range(NBUF)],
            [pltpu.SemaphoreType.DMA for _ in range(NBUF)],
            [pltpu.SemaphoreType.DMA for _ in range(NBUF)],
        ],
    )(x_flat, w)


def kernel(inputs, w):
    x_flat = inputs.reshape(N)
    out = _run(x_flat, w)
    return out.reshape(B, T, 1, UNITS)

# --- scband reference (transcript-rebuilt; emitter-appended) ---
"""Pipeline reference for scband-diff-embed-79336635892367 (READ-ONLY COPY).

The authoritative reference and input builder live on the scoring server;
editing this copy changes nothing except your own understanding.
"""

import jax, jax.numpy as jnp
import numpy as np

UNITS = 128
DICT_SIZE = 256

def setup_inputs(seed: int = 0) -> dict:
    key = jax.random.key(seed)
    k1, k2 = jax.random.split(key)
    # float-valued 'byte' inputs in [0, 255): integer part is the codebook index,
    # fractional part is the interpolation weight alpha
    inputs = jax.random.uniform(k1, (1024, 200, 1), dtype=jnp.float32, minval=0.0, maxval=255.0)
    # learned embedding table, per init_kwargs (dict_size=256, units=128)
    w = jax.random.normal(k2, (DICT_SIZE, UNITS), dtype=jnp.float32) * 0.05
    return {"inputs": inputs, "w": w}

def reference(inputs, w):
    # alpha = fractional part of inputs
    alpha = inputs - jnp.floor(inputs)
    alpha = jnp.expand_dims(alpha, axis=-1)
    alpha = jnp.tile(alpha, (1, 1, 1, UNITS))
    idx = inputs.astype(jnp.int32)
    # linear interpolation between embedding row idx and idx+1 (clipped to 255)
    e0 = jnp.take(w, idx, axis=0)
    e1 = jnp.take(w, jnp.clip(idx + 1, 0, 255), axis=0)
    M = (1.0 - alpha) * e0 + alpha * e1
    return M

if __name__ == "__main__":
    import jax
    _d = setup_inputs()
    print(jax.jit(kernel)(*tuple(_d.values())))

</pallas_src>

<mosaic_0001>
#map = affine_map<(d0, d1) -> (0)>
#map1 = affine_map<(d0, d1) -> (0, 0)>
module attributes {stable_mosaic.version = 14 : i64} {
  func.func @_body(%arg0: i32, %arg1: i32, %arg2: memref<204800xf32, #tpu.memory_space<hbm>>, %arg3: memref<256x128xf32, #tpu.memory_space<hbm>>, %arg4: memref<204800x128xf32, #tpu.memory_space<hbm>>, %arg5: memref<16384xi32, #tpu.memory_space<vmem>>, %arg6: memref<16384xi32, #tpu.memory_space<vmem>>, %arg7: memref<160xf32, #tpu.memory_space<vmem>>, %arg8: memref<160xf32, #tpu.memory_space<vmem>>, %arg9: memref<160xf32, #tpu.memory_space<vmem>>, %arg10: memref<160xf32, #tpu.memory_space<vmem>>, %arg11: memref<160x128xf32, #tpu.memory_space<vmem>>, %arg12: memref<160x128xf32, #tpu.memory_space<vmem>>, %arg13: memref<160x128xf32, #tpu.memory_space<vmem>>, %arg14: memref<160x128xf32, #tpu.memory_space<vmem>>, %arg15: memref<!tpu.dma_semaphore, #tpu.memory_space<semaphore_mem>>, %arg16: memref<!tpu.dma_semaphore, #tpu.memory_space<semaphore_mem>>, %arg17: memref<!tpu.dma_semaphore, #tpu.memory_space<semaphore_mem>>, %arg18: memref<!tpu.dma_semaphore, #tpu.memory_space<semaphore_mem>>, %arg19: memref<!tpu.dma_semaphore, #tpu.memory_space<semaphore_mem>>, %arg20: memref<!tpu.dma_semaphore, #tpu.memory_space<semaphore_mem>>, %arg21: memref<!tpu.dma_semaphore, #tpu.memory_space<semaphore_mem>>, %arg22: memref<!tpu.dma_semaphore, #tpu.memory_space<semaphore_mem>>) attributes {dimension_semantics = [#tpu.dimension_semantics<core_parallel>, #tpu.dimension_semantics<subcore_parallel>], iteration_bounds = array<i64: 2, 16>, scalar_prefetch = 0 : i64, scratch_operands = 18 : i64, tpu.core_type = #tpu.core_type<sc_vector_subcore>, window_params = [{transform_indices = #map}, {transform_indices = #map1}, {transform_indices = #map1}]} {
    %mul3A = arith.constant 2 : i32
    %mul3A_0 = arith.muli %arg1, %mul3A : i32
    %add3A = arith.addi %mul3A_0, %arg0 : i32
    %mul3A_1 = arith.constant 6400 : i32
    %mul3A_2 = arith.muli %add3A, %mul3A_1 : i32
    %iota3A = tpu.iota {dimensions = array<i32: 0>} : vector<16xi32>
    %add3A_3 = arith.constant 0 : i32
    %add3A_4 = arith.addi %mul3A_2, %add3A_3 : i32
    %dma_start3A = tpu.memref_slice %arg2[%add3A_4] : memref<204800xf32, #tpu.memory_space<hbm>> -> memref<160xf32, #tpu.memory_space<hbm>>
    %dma_start3A_5 = tpu.memref_slice %arg2[%add3A_4] : memref<204800xf32, #tpu.memory_space<hbm>> -> memref<160xf32, #tpu.memory_space<hbm>>
    tpu.enqueue_dma source(%dma_start3A_5 : memref<160xf32, #tpu.memory_space<hbm>>) target(%arg7 : memref<160xf32, #tpu.memory_space<vmem>>) target_semaphore(%arg15 : memref<!tpu.dma_semaphore, #tpu.memory_space<semaphore_mem>>)
    %add3A_6 = arith.constant 160 : i32
    %add3A_7 = arith.addi %mul3A_2, %add3A_6 : i32
    %dma_start3A_8 = tpu.memref_slice %arg2[%add3A_7] : memref<204800xf32, #tpu.memory_space<hbm>> -> memref<160xf32, #tpu.memory_space<hbm>>
    %dma_start3A_9 = tpu.memref_slice %arg2[%add3A_7] : memref<204800xf32, #tpu.memory_space<hbm>> -> memref<160xf32, #tpu.memory_space<hbm>>
    tpu.enqueue_dma source(%dma_start3A_9 : memref<160xf32, #tpu.memory_space<hbm>>) target(%arg8 : memref<160xf32, #tpu.memory_space<vmem>>) target_semaphore(%arg16 : memref<!tpu.dma_semaphore, #tpu.memory_space<semaphore_mem>>)
    %add3A_10 = arith.constant 320 : i32
    %add3A_11 = arith.addi %mul3A_2, %add3A_10 : i32
    %dma_start3A_12 = tpu.memref_slice %arg2[%add3A_11] : memref<204800xf32, #tpu.memory_space<hbm>> -> memref<160xf32, #tpu.memory_space<hbm>>
    %dma_start3A_13 = tpu.memref_slice %arg2[%add3A_11] : memref<204800xf32, #tpu.memory_space<hbm>> -> memref<160xf32, #tpu.memory_space<hbm>>
    tpu.enqueue_dma source(%dma_start3A_13 : memref<160xf32, #tpu.memory_space<hbm>>) target(%arg9 : memref<160xf32, #tpu.memory_space<vmem>>) target_semaphore(%arg17 : memref<!tpu.dma_semaphore, #tpu.memory_space<semaphore_mem>>)
    %add3A_14 = arith.constant 480 : i32
    %add3A_15 = arith.addi %mul3A_2, %add3A_14 : i32
    %dma_start3A_16 = tpu.memref_slice %arg2[%add3A_15] : memref<204800xf32, #tpu.memory_space<hbm>> -> memref<160xf32, #tpu.memory_space<hbm>>
    %dma_start3A_17 = tpu.memref_slice %arg2[%add3A_15] : memref<204800xf32, #tpu.memory_space<hbm>> -> memref<160xf32, #tpu.memory_space<hbm>>
    tpu.enqueue_dma source(%dma_start3A_17 : memref<160xf32, #tpu.memory_space<hbm>>) target(%arg10 : memref<160xf32, #tpu.memory_space<vmem>>) target_semaphore(%arg18 : memref<!tpu.dma_semaphore, #tpu.memory_space<semaphore_mem>>)
    %dma_start3A_18 = arith.constant 0 : i32
    %dma_start3A_19 = arith.constant 0 : i32
    %dma_start3A_20 = tpu.memref_slice %arg3[%dma_start3A_18, %dma_start3A_19] : memref<256x128xf32, #tpu.memory_space<hbm>> -> memref<160x128xf32, #tpu.memory_space<hbm>>
    %dma_start3A_21 = arith.constant 0 : i32
    %dma_start3A_22 = arith.constant 0 : i32
    %dma_start3A_23 = tpu.memref_slice %arg3[%dma_start3A_21, %dma_start3A_22] : memref<256x128xf32, #tpu.memory_space<hbm>> -> memref<160x128xf32, #tpu.memory_space<hbm>>
    tpu.enqueue_dma source(%dma_start3A_23 : memref<160x128xf32, #tpu.memory_space<hbm>>) target(%arg11 : memref<160x128xf32, #tpu.memory_space<vmem>>) target_semaphore(%arg19 : memref<!tpu.dma_semaphore, #tpu.memory_space<semaphore_mem>>)
    %dma_start3A_24 = arith.constant 0 : i32
    %dma_start3A_25 = arith.constant 0 : i32
    %dma_start3A_26 = tpu.memref_slice %arg12[%dma_start3A_24, %dma_start3A_25] : memref<160x128xf32, #tpu.memory_space<vmem>> -> memref<104x128xf32, #tpu.memory_space<vmem>>
    %dma_start3A_27 = arith.constant 152 : i32
    %dma_start3A_28 = arith.constant 0 : i32
    %dma_start3A_29 = tpu.memref_slice %arg3[%dma_start3A_27, %dma_start3A_28] : memref<256x128xf32, #tpu.memory_space<hbm>> -> memref<104x128xf32, #tpu.memory_space<hbm>>
    %dma_start3A_30 = arith.constant 0 : i32
    %dma_start3A_31 = arith.constant 0 : i32
    %dma_start3A_32 = tpu.memref_slice %arg12[%dma_start3A_30, %dma_start3A_31] : memref<160x128xf32, #tpu.memory_space<vmem>> -> memref<104x128xf32, #tpu.memory_space<vmem>>
    %dma_start3A_33 = arith.constant 152 : i32
    %dma_start3A_34 = arith.constant 0 : i32
    %dma_start3A_35 = tpu.memref_slice %arg3[%dma_start3A_33, %dma_start3A_34] : memref<256x128xf32, #tpu.memory_space<hbm>> -> memref<104x128xf32, #tpu.memory_space<hbm>>
    tpu.enqueue_dma source(%dma_start3A_35 : memref<104x128xf32, #tpu.memory_space<hbm>>) target(%dma_start3A_32 : memref<104x128xf32, #tpu.memory_space<vmem>>) target_semaphore(%arg20 : memref<!tpu.dma_semaphore, #tpu.memory_space<semaphore_mem>>)
    %dma_wait3A = arith.constant 0 : i32
    %dma_wait3A_36 = arith.constant 0 : i32
    %dma_wait3A_37 = tpu.memref_slice %arg3[%dma_wait3A, %dma_wait3A_36] : memref<256x128xf32, #tpu.memory_space<hbm>> -> memref<160x128xf32, #tpu.memory_space<hbm>>
    %dma_wait3A_38 = arith.constant 0 : i32
    %dma_wait3A_39 = arith.constant 0 : i32
    %dma_wait3A_40 = tpu.memref_slice %arg3[%dma_wait3A_38, %dma_wait3A_39] : memref<256x128xf32, #tpu.memory_space<hbm>> -> memref<160x128xf32, #tpu.memory_space<hbm>>
    tpu.wait_dma2 semaphore(%arg19 : memref<!tpu.dma_semaphore, #tpu.memory_space<semaphore_mem>>) src(%dma_wait3A_40 : memref<160x128xf32, #tpu.memory_space<hbm>>) dst(%arg11 : memref<160x128xf32, #tpu.memory_space<vmem>>)
    %dma_wait3A_41 = arith.constant 0 : i32
    %dma_wait3A_42 = arith.constant 0 : i32
    %dma_wait3A_43 = tpu.memref_slice %arg12[%dma_wait3A_41, %dma_wait3A_42] : memref<160x128xf32, #tpu.memory_space<vmem>> -> memref<104x128xf32, #tpu.memory_space<vmem>>
    %dma_wait3A_44 = arith.constant 152 : i32
    %dma_wait3A_45 = arith.constant 0 : i32
    %dma_wait3A_46 = tpu.memref_slice %arg3[%dma_wait3A_44, %dma_wait3A_45] : memref<256x128xf32, #tpu.memory_space<hbm>> -> memref<104x128xf32, #tpu.memory_space<hbm>>
    %dma_wait3A_47 = arith.constant 0 : i32
    %dma_wait3A_48 = arith.constant 0 : i32
    %dma_wait3A_49 = tpu.memref_slice %arg12[%dma_wait3A_47, %dma_wait3A_48] : memref<160x128xf32, #tpu.memory_space<vmem>> -> memref<104x128xf32, #tpu.memory_space<vmem>>
    %dma_wait3A_50 = arith.constant 152 : i32
    %dma_wait3A_51 = arith.constant 0 : i32
    %dma_wait3A_52 = tpu.memref_slice %arg3[%dma_wait3A_50, %dma_wait3A_51] : memref<256x128xf32, #tpu.memory_space<hbm>> -> memref<104x128xf32, #tpu.memory_space<hbm>>
    tpu.wait_dma2 semaphore(%arg20 : memref<!tpu.dma_semaphore, #tpu.memory_space<semaphore_mem>>) src(%dma_wait3A_52 : memref<104x128xf32, #tpu.memory_space<hbm>>) dst(%dma_wait3A_49 : memref<104x128xf32, #tpu.memory_space<vmem>>)
    %parallel_loop3A = arith.constant 0 : i32
    %parallel_loop3A_53 = arith.constant 159 : i32
    %parallel_loop3A_54 = arith.constant 1 : i32
    scf.for %parallel_loop3A_86 = %parallel_loop3A to %parallel_loop3A_53 step %parallel_loop3A_54  : i32 {
      %parallel_loop3A_87 = arith.constant 1 : i32
      %parallel_loop3A_88 = arith.addi %parallel_loop3A_86, %parallel_loop3A_87 : i32
      %parallel_loop3A_89 = arith.index_cast %parallel_loop3A_86 : i32 to index
      %parallel_loop3A_90 = arith.constant 0 : index
      %parallel_loop3A_91 = tpu.vector_load %arg11[%parallel_loop3A_89, %parallel_loop3A_90] {strides = array<i32>} : memref<160x128xf32, #tpu.memory_space<vmem>>, vector<16xf32>,
      %parallel_loop3A_92 = arith.index_cast %parallel_loop3A_86 : i32 to index
      %parallel_loop3A_93 = arith.constant 64 : index
      %parallel_loop3A_94 = tpu.vector_load %arg11[%parallel_loop3A_92, %parallel_loop3A_93] {strides = array<i32>} : memref<160x128xf32, #tpu.memory_space<vmem>>, vector<16xf32>,
      %parallel_loop3A_95 = arith.index_cast %parallel_loop3A_88 : i32 to index
      %parallel_loop3A_96 = arith.constant 0 : index
      %parallel_loop3A_97 = tpu.vector_load %arg11[%parallel_loop3A_95, %parallel_loop3A_96] {strides = array<i32>} : memref<160x128xf32, #tpu.memory_space<vmem>>, vector<16xf32>,
      %parallel_loop3A_98 = arith.index_cast %parallel_loop3A_88 : i32 to index
      %parallel_loop3A_99 = arith.constant 64 : index
      %parallel_loop3A_100 = tpu.vector_load %arg11[%parallel_loop3A_98, %parallel_loop3A_99] {strides = array<i32>} : memref<160x128xf32, #tpu.memory_space<vmem>>, vector<16xf32>,
      %parallel_loop3A_101 = tpu.pack_subelements %parallel_loop3A_91, %parallel_loop3A_94 {pack_format = #tpu.pack_format<interleaved>, positions = array<i32: 0, 1>} : vector<16xf32>, vector<16xf32> -> vector<32xbf16>
      %parallel_loop3A_102 = vector.bitcast %parallel_loop3A_101 : vector<32xbf16> to vector<16xi32>
      %parallel_loop3A_103 = arith.constant 64 : i32
      %parallel_loop3A_104 = arith.muli %parallel_loop3A_86, %parallel_loop3A_103 : i32
      %parallel_loop3A_105 = arith.constant 0 : i32
      %parallel_loop3A_106 = arith.addi %parallel_loop3A_104, %parallel_loop3A_105 : i32
      %parallel_loop3A_107 = arith.index_cast %parallel_loop3A_106 : i32 to index
      %parallel_loop3A_108 = tpu.vector_load %arg5[%parallel_loop3A_107] {strides = array<i32>} : memref<16384xi32, #tpu.memory_space<vmem>>, vector<16xi32>,
      tpu.vector_store %arg5[%parallel_loop3A_107], %parallel_loop3A_102 {strides = array<i32>} : memref<16384xi32, #tpu.memory_space<vmem>>, vector<16xi32>,
      %parallel_loop3A_109 = arith.subf %parallel_loop3A_97, %parallel_loop3A_91 : vector<16xf32>
      %parallel_loop3A_110 = arith.subf %parallel_loop3A_100, %parallel_loop3A_94 : vector<16xf32>
      %parallel_loop3A_111 = tpu.pack_subelements %parallel_loop3A_109, %parallel_loop3A_110 {pack_format = #tpu.pack_format<interleaved>, positions = array<i32: 0, 1>} : vector<16xf32>, vector<16xf32> -> vector<32xbf16>
      %parallel_loop3A_112 = vector.bitcast %parallel_loop3A_111 : vector<32xbf16> to vector<16xi32>
      %parallel_loop3A_113 = arith.constant 64 : i32
      %parallel_loop3A_114 = arith.muli %parallel_loop3A_86, %parallel_loop3A_113 : i32
      %parallel_loop3A_115 = arith.constant 0 : i32
      %parallel_loop3A_116 = arith.addi %parallel_loop3A_114, %parallel_loop3A_115 : i32
      %parallel_loop3A_117 = arith.index_cast %parallel_loop3A_116 : i32 to index
      %parallel_loop3A_118 = tpu.vector_load %arg6[%parallel_loop3A_117] {strides = array<i32>} : memref<16384xi32, #tpu.memory_space<vmem>>, vector<16xi32>,
      tpu.vector_store %arg6[%parallel_loop3A_117], %parallel_loop3A_112 {strides = array<i32>} : memref<16384xi32, #tpu.memory_space<vmem>>, vector<16xi32>,
      %parallel_loop3A_119 = arith.index_cast %parallel_loop3A_86 : i32 to index
      %parallel_loop3A_120 = arith.constant 16 : index
      %parallel_loop3A_121 = tpu.vector_load %arg11[%parallel_loop3A_119, %parallel_loop3A_120] {strides = array<i32>} : memref<160x128xf32, #tpu.memory_space<vmem>>, vector<16xf32>,
      %parallel_loop3A_122 = arith.index_cast %parallel_loop3A_86 : i32 to index
      %parallel_loop3A_123 = arith.constant 80 : index
      %parallel_loop3A_124 = tpu.vector_load %arg11[%parallel_loop3A_122, %parallel_loop3A_123] {strides = array<i32>} : memref<160x128xf32, #tpu.memory_space<vmem>>, vector<16xf32>,
      %parallel_loop3A_125 = arith.index_cast %parallel_loop3A_88 : i32 to index
      %parallel_loop3A_126 = arith.constant 16 : index
      %parallel_loop3A_127 = tpu.vector_load %arg11[%parallel_loop3A_125, %parallel_loop3A_126] {strides = array<i32>} : memref<160x128xf32, #tpu.memory_space<vmem>>, vector<16xf32>,
      %parallel_loop3A_128 = arith.index_cast %parallel_loop3A_88 : i32 to index
      %parallel_loop3A_129 = arith.constant 80 : index
      %parallel_loop3A_130 = tpu.vector_load %arg11[%parallel_loop3A_128, %parallel_loop3A_129] {strides = array<i32>} : memref<160x128xf32, #tpu.memory_space<vmem>>, vector<16xf32>,
      %parallel_loop3A_131 = tpu.pack_subelements %parallel_loop3A_121, %parallel_loop3A_124 {pack_format = #tpu.pack_format<interleaved>, positions = array<i32: 0, 1>} : vector<16xf32>, vector<16xf32> -> vector<32xbf16>
      %parallel_loop3A_132 = vector.bitcast %parallel_loop3A_131 : vector<32xbf16> to vector<16xi32>
      %parallel_loop3A_133 = arith.constant 64 : i32
      %parallel_loop3A_134 = arith.muli %parallel_loop3A_86, %parallel_loop3A_133 : i32
      %parallel_loop3A_135 = arith.constant 16 : i32
      %parallel_loop3A_136 = arith.addi %parallel_loop3A_134, %parallel_loop3A_135 : i32
      %parallel_loop3A_137 = arith.index_cast %parallel_loop3A_136 : i32 to index
      %parallel_loop3A_138 = tpu.vector_load %arg5[%parallel_loop3A_137] {strides = array<i32>} : memref<16384xi32, #tpu.memory_space<vmem>>, vector<16xi32>,
      tpu.vector_store %arg5[%parallel_loop3A_137], %parallel_loop3A_132 {strides = array<i32>} : memref<16384xi32, #tpu.memory_space<vmem>>, vector<16xi32>,
      %parallel_loop3A_139 = arith.subf %parallel_loop3A_127, %parallel_loop3A_121 : vector<16xf32>
      %parallel_loop3A_140 = arith.subf %parallel_loop3A_130, %parallel_loop3A_124 : vector<16xf32>
      %parallel_loop3A_141 = tpu.pack_subelements %parallel_loop3A_139, %parallel_loop3A_140 {pack_format = #tpu.pack_format<interleaved>, positions = array<i32: 0, 1>} : vector<16xf32>, vector<16xf32> -> vector<32xbf16>
      %parallel_loop3A_142 = vector.bitcast %parallel_loop3A_141 : vector<32xbf16> to vector<16xi32>
      %parallel_loop3A_143 = arith.constant 64 : i32
      %parallel_loop3A_144 = arith.muli %parallel_loop3A_86, %parallel_loop3A_143 : i32
      %parallel_loop3A_145 = arith.constant 16 : i32
      %parallel_loop3A_146 = arith.addi %parallel_loop3A_144, %parallel_loop3A_145 : i32
      %parallel_loop3A_147 = arith.index_cast %parallel_loop3A_146 : i32 to index
      %parallel_loop3A_148 = tpu.vector_load %arg6[%parallel_loop3A_147] {strides = array<i32>} : memref<16384xi32, #tpu.memory_space<vmem>>, vector<16xi32>,
      tpu.vector_store %arg6[%parallel_loop3A_147], %parallel_loop3A_142 {strides = array<i32>} : memref<16384xi32, #tpu.memory_space<vmem>>, vector<16xi32>,
      %parallel_loop3A_149 = arith.index_cast %parallel_loop3A_86 : i32 to index
      %parallel_loop3A_150 = arith.constant 32 : index
      %parallel_loop3A_151 = tpu.vector_load %arg11[%parallel_loop3A_149, %parallel_loop3A_150] {strides = array<i32>} : memref<160x128xf32, #tpu.memory_space<vmem>>, vector<16xf32>,
      %parallel_loop3A_152 = arith.index_cast %parallel_loop3A_86 : i32 to index
      %parallel_loop3A_153 = arith.constant 96 : index
      %parallel_loop3A_154 = tpu.vector_load %arg11[%parallel_loop3A_152, %parallel_loop3A_153] {strides = array<i32>} : memref<160x128xf32, #tpu.memory_space<vmem>>, vector<16xf32>,
      %parallel_loop3A_155 = arith.index_cast %parallel_loop3A_88 : i32 to index
      %parallel_loop3A_156 = arith.constant 32 : index
      %parallel_loop3A_157 = tpu.vector_load %arg11[%parallel_loop3A_155, %parallel_loop3A_156] {strides = array<i32>} : memref<160x128xf32, #tpu.memory_space<vmem>>, vector<16xf32>,
      %parallel_loop3A_158 = arith.index_cast %parallel_loop3A_88 : i32 to index
      %parallel_loop3A_159 = arith.constant 96 : index
      %parallel_loop3A_160 = tpu.vector_load %arg11[%parallel_loop3A_158, %parallel_loop3A_159] {strides = array<i32>} : memref<160x128xf32, #tpu.memory_space<vmem>>, vector<16xf32>,
      %parallel_loop3A_161 = tpu.pack_subelements %parallel_loop3A_151, %parallel_loop3A_154 {pack_format = #tpu.pack_format<interleaved>, positions = array<i32: 0, 1>} : vector<16xf32>, vector<16xf32> -> vector<32xbf16>
      %parallel_loop3A_162 = vector.bitcast %parallel_loop3A_161 : vector<32xbf16> to vector<16xi32>
      %parallel_loop3A_163 = arith.constant 64 : i32
      %parallel_loop3A_164 = arith.muli %parallel_loop3A_86, %parallel_loop3A_163 : i32
      %parallel_loop3A_165 = arith.constant 32 : i32
      %parallel_loop3A_166 = arith.addi %parallel_loop3A_164, %parallel_loop3A_165 : i32
      %parallel_loop3A_167 = arith.index_cast %parallel_loop3A_166 : i32 to index
      %parallel_loop3A_168 = tpu.vector_load %arg5[%parallel_loop3A_167] {strides = array<i32>} : memref<16384xi32, #tpu.memory_space<vmem>>, vector<16xi32>,
      tpu.vector_store %arg5[%parallel_loop3A_167], %parallel_loop3A_162 {strides = array<i32>} : memref<16384xi32, #tpu.memory_space<vmem>>, vector<16xi32>,
      %parallel_loop3A_169 = arith.subf %parallel_loop3A_157, %parallel_loop3A_151 : vector<16xf32>
      %parallel_loop3A_170 = arith.subf %parallel_loop3A_160, %parallel_loop3A_154 : vector<16xf32>
      %parallel_loop3A_171 = tpu.pack_subelements %parallel_loop3A_169, %parallel_loop3A_170 {pack_format = #tpu.pack_format<interleaved>, positions = array<i32: 0, 1>} : vector<16xf32>, vector<16xf32> -> vector<32xbf16>
      %parallel_loop3A_172 = vector.bitcast %parallel_loop3A_171 : vector<32xbf16> to vector<16xi32>
      %parallel_loop3A_173 = arith.constant 64 : i32
      %parallel_loop3A_174 = arith.muli %parallel_loop3A_86, %parallel_loop3A_173 : i32
      %parallel_loop3A_175 = arith.constant 32 : i32
      %parallel_loop3A_176 = arith.addi %parallel_loop3A_174, %parallel_loop3A_175 : i32
      %parallel_loop3A_177 = arith.index_cast %parallel_loop3A_176 : i32 to index
      %parallel_loop3A_178 = tpu.vector_load %arg6[%parallel_loop3A_177] {strides = array<i32>} : memref<16384xi32, #tpu.memory_space<vmem>>, vector<16xi32>,
      tpu.vector_store %arg6[%parallel_loop3A_177], %parallel_loop3A_172 {strides = array<i32>} : memref<16384xi32, #tpu.memory_space<vmem>>, vector<16xi32>,
      %parallel_loop3A_179 = arith.index_cast %parallel_loop3A_86 : i32 to index
      %parallel_loop3A_180 = arith.constant 48 : index
      %parallel_loop3A_181 = tpu.vector_load %arg11[%parallel_loop3A_179, %parallel_loop3A_180] {strides = array<i32>} : memref<160x128xf32, #tpu.memory_space<vmem>>, vector<16xf32>,
      %parallel_loop3A_182 = arith.index_cast %parallel_loop3A_86 : i32 to index
      %parallel_loop3A_183 = arith.constant 112 : index
      %parallel_loop3A_184 = tpu.vector_load %arg11[%parallel_loop3A_182, %parallel_loop3A_183] {strides = array<i32>} : memref<160x128xf32, #tpu.memory_space<vmem>>, vector<16xf32>,
      %parallel_loop3A_185 = arith.index_cast %parallel_loop3A_88 : i32 to index
      %parallel_loop3A_186 = arith.constant 48 : index
      %parallel_loop3A_187 = tpu.vector_load %arg11[%parallel_loop3A_185, %parallel_loop3A_186] {strides = array<i32>} : memref<160x128xf32, #tpu.memory_space<vmem>>, vector<16xf32>,
      %parallel_loop3A_188 = arith.index_cast %parallel_loop3A_88 : i32 to index
      %parallel_loop3A_189 = arith.constant 112 : index
      %parallel_loop3A_190 = tpu.vector_load %arg11[%parallel_loop3A_188, %parallel_loop3A_189] {strides = array<i32>} : memref<160x128xf32, #tpu.memory_space<vmem>>, vector<16xf32>,
      %parallel_loop3A_191 = tpu.pack_subelements %parallel_loop3A_181, %parallel_loop3A_184 {pack_format = #tpu.pack_format<interleaved>, positions = array<i32: 0, 1>} : vector<16xf32>, vector<16xf32> -> vector<32xbf16>
      %parallel_loop3A_192 = vector.bitcast %parallel_loop3A_191 : vector<32xbf16> to vector<16xi32>
      %parallel_loop3A_193 = arith.constant 64 : i32
      %parallel_loop3A_194 = arith.muli %parallel_loop3A_86, %parallel_loop3A_193 : i32
      %parallel_loop3A_195 = arith.constant 48 : i32
      %parallel_loop3A_196 = arith.addi %parallel_loop3A_194, %parallel_loop3A_195 : i32
      %parallel_loop3A_197 = arith.index_cast %parallel_loop3A_196 : i32 to index
      %parallel_loop3A_198 = tpu.vector_load %arg5[%parallel_loop3A_197] {strides = array<i32>} : memref<16384xi32, #tpu.memory_space<vmem>>, vector<16xi32>,
      tpu.vector_store %arg5[%parallel_loop3A_197], %parallel_loop3A_192 {strides = array<i32>} : memref<16384xi32, #tpu.memory_space<vmem>>, vector<16xi32>,
      %parallel_loop3A_199 = arith.subf %parallel_loop3A_187, %parallel_loop3A_181 : vector<16xf32>
      %parallel_loop3A_200 = arith.subf %parallel_loop3A_190, %parallel_loop3A_184 : vector<16xf32>
      %parallel_loop3A_201 = tpu.pack_subelements %parallel_loop3A_199, %parallel_loop3A_200 {pack_format = #tpu.pack_format<interleaved>, positions = array<i32: 0, 1>} : vector<16xf32>, vector<16xf32> -> vector<32xbf16>
      %parallel_loop3A_202 = vector.bitcast %parallel_loop3A_201 : vector<32xbf16> to vector<16xi32>
      %parallel_loop3A_203 = arith.constant 64 : i32
      %parallel_loop3A_204 = arith.muli %parallel_loop3A_86, %parallel_loop3A_203 : i32
      %parallel_loop3A_205 = arith.constant 48 : i32
      %parallel_loop3A_206 = arith.addi %parallel_loop3A_204, %parallel_loop3A_205 : i32
      %parallel_loop3A_207 = arith.index_cast %parallel_loop3A_206 : i32 to index
      %parallel_loop3A_208 = tpu.vector_load %arg6[%parallel_loop3A_207] {strides = array<i32>} : memref<16384xi32, #tpu.memory_space<vmem>>, vector<16xi32>,
      tpu.vector_store %arg6[%parallel_loop3A_207], %parallel_loop3A_202 {strides = array<i32>} : memref<16384xi32, #tpu.memory_space<vmem>>, vector<16xi32>,
    } {sc.loop_unroll_factor = 1 : i64, sc.parallel_access}
    %parallel_loop3A_55 = arith.constant 159 : i32
    %parallel_loop3A_56 = arith.constant 256 : i32
    %parallel_loop3A_57 = arith.constant 1 : i32
    scf.for %parallel_loop3A_86 = %parallel_loop3A_55 to %parallel_loop3A_56 step %parallel_loop3A_57  : i32 {
      %parallel_loop3A_87 = arith.constant 152 : i32
      %parallel_loop3A_88 = arith.subi %parallel_loop3A_86, %parallel_loop3A_87 : i32
      %parallel_loop3A_89 = arith.constant 1 : i32
      %parallel_loop3A_90 = arith.addi %parallel_loop3A_88, %parallel_loop3A_89 : i32
      %parallel_loop3A_91 = arith.constant 103 : i32
      %parallel_loop3A_92 = arith.minsi %parallel_loop3A_90, %parallel_loop3A_91 : i32
      %parallel_loop3A_93 = arith.index_cast %parallel_loop3A_88 : i32 to index
      %parallel_loop3A_94 = arith.constant 0 : index
      %parallel_loop3A_95 = tpu.vector_load %arg12[%parallel_loop3A_93, %parallel_loop3A_94] {strides = array<i32>} : memref<160x128xf32, #tpu.memory_space<vmem>>, vector<16xf32>,
      %parallel_loop3A_96 = arith.index_cast %parallel_loop3A_88 : i32 to index
      %parallel_loop3A_97 = arith.constant 64 : index
      %parallel_loop3A_98 = tpu.vector_load %arg12[%parallel_loop3A_96, %parallel_loop3A_97] {strides = array<i32>} : memref<160x128xf32, #tpu.memory_space<vmem>>, vector<16xf32>,
      %parallel_loop3A_99 = arith.index_cast %parallel_loop3A_92 : i32 to index
      %parallel_loop3A_100 = arith.constant 0 : index
      %parallel_loop3A_101 = tpu.vector_load %arg12[%parallel_loop3A_99, %parallel_loop3A_100] {strides = array<i32>} : memref<160x128xf32, #tpu.memory_space<vmem>>, vector<16xf32>,
      %parallel_loop3A_102 = arith.index_cast %parallel_loop3A_92 : i32 to index
      %parallel_loop3A_103 = arith.constant 64 : index
      %parallel_loop3A_104 = tpu.vector_load %arg12[%parallel_loop3A_102, %parallel_loop3A_103] {strides = array<i32>} : memref<160x128xf32, #tpu.memory_space<vmem>>, vector<16xf32>,
      %parallel_loop3A_105 = tpu.pack_subelements %parallel_loop3A_95, %parallel_loop3A_98 {pack_format = #tpu.pack_format<interleaved>, positions = array<i32: 0, 1>} : vector<16xf32>, vector<16xf32> -> vector<32xbf16>
      %parallel_loop3A_106 = vector.bitcast %parallel_loop3A_105 : vector<32xbf16> to vector<16xi32>
      %parallel_loop3A_107 = arith.constant 64 : i32
      %parallel_loop3A_108 = arith.muli %parallel_loop3A_86, %parallel_loop3A_107 : i32
      %parallel_loop3A_109 = arith.constant 0 : i32
      %parallel_loop3A_110 = arith.addi %parallel_loop3A_108, %parallel_loop3A_109 : i32
      %parallel_loop3A_111 = arith.index_cast %parallel_loop3A_110 : i32 to index
      %parallel_loop3A_112 = tpu.vector_load %arg5[%parallel_loop3A_111] {strides = array<i32>} : memref<16384xi32, #tpu.memory_space<vmem>>, vector<16xi32>,
      tpu.vector_store %arg5[%parallel_loop3A_111], %parallel_loop3A_106 {strides = array<i32>} : memref<16384xi32, #tpu.memory_space<vmem>>, vector<16xi32>,
      %parallel_loop3A_113 = arith.subf %parallel_loop3A_101, %parallel_loop3A_95 : vector<16xf32>
      %parallel_loop3A_114 = arith.subf %parallel_loop3A_104, %parallel_loop3A_98 : vector<16xf32>
      %parallel_loop3A_115 = tpu.pack_subelements %parallel_loop3A_113, %parallel_loop3A_114 {pack_format = #tpu.pack_format<interleaved>, positions = array<i32: 0, 1>} : vector<16xf32>, vector<16xf32> -> vector<32xbf16>
      %parallel_loop3A_116 = vector.bitcast %parallel_loop3A_115 : vector<32xbf16> to vector<16xi32>
      %parallel_loop3A_117 = arith.constant 64 : i32
      %parallel_loop3A_118 = arith.muli %parallel_loop3A_86, %parallel_loop3A_117 : i32
      %parallel_loop3A_119 = arith.constant 0 : i32
      %parallel_loop3A_120 = arith.addi %parallel_loop3A_118, %parallel_loop3A_119 : i32
      %parallel_loop3A_121 = arith.index_cast %parallel_loop3A_120 : i32 to index
      %parallel_loop3A_122 = tpu.vector_load %arg6[%parallel_loop3A_121] {strides = array<i32>} : memref<16384xi32, #tpu.memory_space<vmem>>, vector<16xi32>,
      tpu.vector_store %arg6[%parallel_loop3A_121], %parallel_loop3A_116 {strides = array<i32>} : memref<16384xi32, #tpu.memory_space<vmem>>, vector<16xi32>,
      %parallel_loop3A_123 = arith.index_cast %parallel_loop3A_88 : i32 to index
      %parallel_loop3A_124 = arith.constant 16 : index
      %parallel_loop3A_125 = tpu.vector_load %arg12[%parallel_loop3A_123, %parallel_loop3A_124] {strides = array<i32>} : memref<160x128xf32, #tpu.memory_space<vmem>>, vector<16xf32>,
      %parallel_loop3A_126 = arith.index_cast %parallel_loop3A_88 : i32 to index
      %parallel_loop3A_127 = arith.constant 80 : index
      %parallel_loop3A_128 = tpu.vector_load %arg12[%parallel_loop3A_126, %parallel_loop3A_127] {strides = array<i32>} : memref<160x128xf32, #tpu.memory_space<vmem>>, vector<16xf32>,
      %parallel_loop3A_129 = arith.index_cast %parallel_loop3A_92 : i32 to index
      %parallel_loop3A_130 = arith.constant 16 : index
      %parallel_loop3A_131 = tpu.vector_load %arg12[%parallel_loop3A_129, %parallel_loop3A_130] {strides = array<i32>} : memref<160x128xf32, #tpu.memory_space<vmem>>, vector<16xf32>,
      %parallel_loop3A_132 = arith.index_cast %parallel_loop3A_92 : i32 to index
      %parallel_loop3A_133 = arith.constant 80 : index
      %parallel_loop3A_134 = tpu.vector_load %arg12[%parallel_loop3A_132, %parallel_loop3A_133] {strides = array<i32>} : memref<160x128xf32, #tpu.memory_space<vmem>>, vector<16xf32>,
      %parallel_loop3A_135 = tpu.pack_subelements %parallel_loop3A_125, %parallel_loop3A_128 {pack_format = #tpu.pack_format<interleaved>, positions = array<i32: 0, 1>} : vector<16xf32>, vector<16xf32> -> vector<32xbf16>
      %parallel_loop3A_136 = vector.bitcast %parallel_loop3A_135 : vector<32xbf16> to vector<16xi32>
      %parallel_loop3A_137 = arith.constant 64 : i32
      %parallel_loop3A_138 = arith.muli %parallel_loop3A_86, %parallel_loop3A_137 : i32
      %parallel_loop3A_139 = arith.constant 16 : i32
      %parallel_loop3A_140 = arith.addi %parallel_loop3A_138, %parallel_loop3A_139 : i32
      %parallel_loop3A_141 = arith.index_cast %parallel_loop3A_140 : i32 to index
      %parallel_loop3A_142 = tpu.vector_load %arg5[%parallel_loop3A_141] {strides = array<i32>} : memref<16384xi32, #tpu.memory_space<vmem>>, vector<16xi32>,
      tpu.vector_store %arg5[%parallel_loop3A_141], %parallel_loop3A_136 {strides = array<i32>} : memref<16384xi32, #tpu.memory_space<vmem>>, vector<16xi32>,
      %parallel_loop3A_143 = arith.subf %parallel_loop3A_131, %parallel_loop3A_125 : vector<16xf32>
      %parallel_loop3A_144 = arith.subf %parallel_loop3A_134, %parallel_loop3A_128 : vector<16xf32>
      %parallel_loop3A_145 = tpu.pack_subelements %parallel_loop3A_143, %parallel_loop3A_144 {pack_format = #tpu.pack_format<interleaved>, positions = array<i32: 0, 1>} : vector<16xf32>, vector<16xf32> -> vector<32xbf16>
      %parallel_loop3A_146 = vector.bitcast %parallel_loop3A_145 : vector<32xbf16> to vector<16xi32>
      %parallel_loop3A_147 = arith.constant 64 : i32
      %parallel_loop3A_148 = arith.muli %parallel_loop3A_86, %parallel_loop3A_147 : i32
      %parallel_loop3A_149 = arith.constant 16 : i32
      %parallel_loop3A_150 = arith.addi %parallel_loop3A_148, %parallel_loop3A_149 : i32
      %parallel_loop3A_151 = arith.index_cast %parallel_loop3A_150 : i32 to index
      %parallel_loop3A_152 = tpu.vector_load %arg6[%parallel_loop3A_151] {strides = array<i32>} : memref<16384xi32, #tpu.memory_space<vmem>>, vector<16xi32>,
      tpu.vector_store %arg6[%parallel_loop3A_151], %parallel_loop3A_146 {strides = array<i32>} : memref<16384xi32, #tpu.memory_space<vmem>>, vector<16xi32>,
      %parallel_loop3A_153 = arith.index_cast %parallel_loop3A_88 : i32 to index
      %parallel_loop3A_154 = arith.constant 32 : index
      %parallel_loop3A_155 = tpu.vector_load %arg12[%parallel_loop3A_153, %parallel_loop3A_154] {strides = array<i32>} : memref<160x128xf32, #tpu.memory_space<vmem>>, vector<16xf32>,
      %parallel_loop3A_156 = arith.index_cast %parallel_loop3A_88 : i32 to index
      %parallel_loop3A_157 = arith.constant 96 : index
      %parallel_loop3A_158 = tpu.vector_load %arg12[%parallel_loop3A_156, %parallel_loop3A_157] {strides = array<i32>} : memref<160x128xf32, #tpu.memory_space<vmem>>, vector<16xf32>,
      %parallel_loop3A_159 = arith.index_cast %parallel_loop3A_92 : i32 to index
      %parallel_loop3A_160 = arith.constant 32 : index
      %parallel_loop3A_161 = tpu.vector_load %arg12[%parallel_loop3A_159, %parallel_loop3A_160] {strides = array<i32>} : memref<160x128xf32, #tpu.memory_space<vmem>>, vector<16xf32>,
      %parallel_loop3A_162 = arith.index_cast %parallel_loop3A_92 : i32 to index
      %parallel_loop3A_163 = arith.constant 96 : index
      %parallel_loop3A_164 = tpu.vector_load %arg12[%parallel_loop3A_162, %parallel_loop3A_163] {strides = array<i32>} : memref<160x128xf32, #tpu.memory_space<vmem>>, vector<16xf32>,
      %parallel_loop3A_165 = tpu.pack_subelements %parallel_loop3A_155, %parallel_loop3A_158 {pack_format = #tpu.pack_format<interleaved>, positions = array<i32: 0, 1>} : vector<16xf32>, vector<16xf32> -> vector<32xbf16>
      %parallel_loop3A_166 = vector.bitcast %parallel_loop3A_165 : vector<32xbf16> to vector<16xi32>
      %parallel_loop3A_167 = arith.constant 64 : i32
      %parallel_loop3A_168 = arith.muli %parallel_loop3A_86, %parallel_loop3A_167 : i32
      %parallel_loop3A_169 = arith.constant 32 : i32
      %parallel_loop3A_170 = arith.addi %parallel_loop3A_168, %parallel_loop3A_169 : i32
      %parallel_loop3A_171 = arith.index_cast %parallel_loop3A_170 : i32 to index
      %parallel_loop3A_172 = tpu.vector_load %arg5[%parallel_loop3A_171] {strides = array<i32>} : memref<16384xi32, #tpu.memory_space<vmem>>, vector<16xi32>,
      tpu.vector_store %arg5[%parallel_loop3A_171], %parallel_loop3A_166 {strides = array<i32>} : memref<16384xi32, #tpu.memory_space<vmem>>, vector<16xi32>,
      %parallel_loop3A_173 = arith.subf %parallel_loop3A_161, %parallel_loop3A_155 : vector<16xf32>
      %parallel_loop3A_174 = arith.subf %parallel_loop3A_164, %parallel_loop3A_158 : vector<16xf32>
      %parallel_loop3A_175 = tpu.pack_subelements %parallel_loop3A_173, %parallel_loop3A_174 {pack_format = #tpu.pack_format<interleaved>, positions = array<i32: 0, 1>} : vector<16xf32>, vector<16xf32> -> vector<32xbf16>
      %parallel_loop3A_176 = vector.bitcast %parallel_loop3A_175 : vector<32xbf16> to vector<16xi32>
      %parallel_loop3A_177 = arith.constant 64 : i32
      %parallel_loop3A_178 = arith.muli %parallel_loop3A_86, %parallel_loop3A_177 : i32
      %parallel_loop3A_179 = arith.constant 32 : i32
      %parallel_loop3A_180 = arith.addi %parallel_loop3A_178, %parallel_loop3A_179 : i32
      %parallel_loop3A_181 = arith.index_cast %parallel_loop3A_180 : i32 to index
      %parallel_loop3A_182 = tpu.vector_load %arg6[%parallel_loop3A_181] {strides = array<i32>} : memref<16384xi32, #tpu.memory_space<vmem>>, vector<16xi32>,
      tpu.vector_store %arg6[%parallel_loop3A_181], %parallel_loop3A_176 {strides = array<i32>} : memref<16384xi32, #tpu.memory_space<vmem>>, vector<16xi32>,
      %parallel_loop3A_183 = arith.index_cast %parallel_loop3A_88 : i32 to index
      %parallel_loop3A_184 = arith.constant 48 : index
      %parallel_loop3A_185 = tpu.vector_load %arg12[%parallel_loop3A_183, %parallel_loop3A_184] {strides = array<i32>} : memref<160x128xf32, #tpu.memory_space<vmem>>, vector<16xf32>,
      %parallel_loop3A_186 = arith.index_cast %parallel_loop3A_88 : i32 to index
      %parallel_loop3A_187 = arith.constant 112 : index
      %parallel_loop3A_188 = tpu.vector_load %arg12[%parallel_loop3A_186, %parallel_loop3A_187] {strides = array<i32>} : memref<160x128xf32, #tpu.memory_space<vmem>>, vector<16xf32>,
      %parallel_loop3A_189 = arith.index_cast %parallel_loop3A_92 : i32 to index
      %parallel_loop3A_190 = arith.constant 48 : index
      %parallel_loop3A_191 = tpu.vector_load %arg12[%parallel_loop3A_189, %parallel_loop3A_190] {strides = array<i32>} : memref<160x128xf32, #tpu.memory_space<vmem>>, vector<16xf32>,
      %parallel_loop3A_192 = arith.index_cast %parallel_loop3A_92 : i32 to index
      %parallel_loop3A_193 = arith.constant 112 : index
      %parallel_loop3A_194 = tpu.vector_load %arg12[%parallel_loop3A_192, %parallel_loop3A_193] {strides = array<i32>} : memref<160x128xf32, #tpu.memory_space<vmem>>, vector<16xf32>,
      %parallel_loop3A_195 = tpu.pack_subelements %parallel_loop3A_185, %parallel_loop3A_188 {pack_format = #tpu.pack_format<interleaved>, positions = array<i32: 0, 1>} : vector<16xf32>, vector<16xf32> -> vector<32xbf16>
      %parallel_loop3A_196 = vector.bitcast %parallel_loop3A_195 : vector<32xbf16> to vector<16xi32>
      %parallel_loop3A_197 = arith.constant 64 : i32
      %parallel_loop3A_198 = arith.muli %parallel_loop3A_86, %parallel_loop3A_197 : i32
      %parallel_loop3A_199 = arith.constant 48 : i32
      %parallel_loop3A_200 = arith.addi %parallel_loop3A_198, %parallel_loop3A_199 : i32
      %parallel_loop3A_201 = arith.index_cast %parallel_loop3A_200 : i32 to index
      %parallel_loop3A_202 = tpu.vector_load %arg5[%parallel_loop3A_201] {strides = array<i32>} : memref<16384xi32, #tpu.memory_space<vmem>>, vector<16xi32>,
      tpu.vector_store %arg5[%parallel_loop3A_201], %parallel_loop3A_196 {strides = array<i32>} : memref<16384xi32, #tpu.memory_space<vmem>>, vector<16xi32>,
      %parallel_loop3A_203 = arith.subf %parallel_loop3A_191, %parallel_loop3A_185 : vector<16xf32>
      %parallel_loop3A_204 = arith.subf %parallel_loop3A_194, %parallel_loop3A_188 : vector<16xf32>
      %parallel_loop3A_205 = tpu.pack_subelements %parallel_loop3A_203, %parallel_loop3A_204 {pack_format = #tpu.pack_format<interleaved>, positions = array<i32: 0, 1>} : vector<16xf32>, vector<16xf32> -> vector<32xbf16>
      %parallel_loop3A_206 = vector.bitcast %parallel_loop3A_205 : vector<32xbf16> to vector<16xi32>
      %parallel_loop3A_207 = arith.constant 64 : i32
      %parallel_loop3A_208 = arith.muli %parallel_loop3A_86, %parallel_loop3A_207 : i32
      %parallel_loop3A_209 = arith.constant 48 : i32
      %parallel_loop3A_210 = arith.addi %parallel_loop3A_208, %parallel_loop3A_209 : i32
      %parallel_loop3A_211 = arith.index_cast %parallel_loop3A_210 : i32 to index
      %parallel_loop3A_212 = tpu.vector_load %arg6[%parallel_loop3A_211] {strides = array<i32>} : memref<16384xi32, #tpu.memory_space<vmem>>, vector<16xi32>,
      tpu.vector_store %arg6[%parallel_loop3A_211], %parallel_loop3A_206 {strides = array<i32>} : memref<16384xi32, #tpu.memory_space<vmem>>, vector<16xi32>,
    } {sc.loop_unroll_factor = 1 : i64, sc.parallel_access}
    %scan3A = arith.constant 0 : i32
    %scan3A_58 = arith.constant 10 : i32
    %scan3A_59 = arith.addi %scan3A, %scan3A_58 : i32
    %scan3A_60 = arith.constant 1 : i32
    scf.for %scan3A_86 = %scan3A to %scan3A_59 step %scan3A_60  : i32 {
      %mul3A_87 = arith.constant 4 : i32
      %mul3A_88 = arith.muli %mul3A_87, %scan3A_86 : i32
      %add3A_89 = arith.constant 0 : i32
      %add3A_90 = arith.addi %mul3A_88, %add3A_89 : i32
      %mul3A_91 = arith.constant 160 : i32
      %mul3A_92 = arith.muli %add3A_90, %mul3A_91 : i32
      %add3A_93 = arith.addi %mul3A_2, %mul3A_92 : i32
      %dma_wait3A_94 = tpu.memref_slice %arg2[%add3A_93] : memref<204800xf32, #tpu.memory_space<hbm>> -> memref<160xf32, #tpu.memory_space<hbm>>
      %dma_wait3A_95 = tpu.memref_slice %arg2[%add3A_93] : memref<204800xf32, #tpu.memory_space<hbm>> -> memref<160xf32, #tpu.memory_space<hbm>>
      tpu.wait_dma2 semaphore(%arg15 : memref<!tpu.dma_semaphore, #tpu.memory_space<semaphore_mem>>) src(%dma_wait3A_95 : memref<160xf32, #tpu.memory_space<hbm>>) dst(%arg7 : memref<160xf32, #tpu.memory_space<vmem>>)
      %ge3A = arith.constant 1 : i32
      %ge3A_96 = arith.cmpi sge, %scan3A_86, %ge3A : i32
      %convert_element_type3A = arith.extui %ge3A_96 : i1 to i32
      %cond3A = arith.constant 0 : i32
      %cond3A_97 = arith.cmpi ne, %convert_element_type3A, %cond3A : i32
      scf.if %cond3A_97 {
        %mul3A_199 = arith.constant 160 : i32
        %mul3A_200 = arith.muli %add3A_90, %mul3A_199 : i32
        %add3A_201 = arith.addi %mul3A_2, %mul3A_200 : i32
        %dma_wait3A_202 = arith.constant 0 : i32
        %dma_wait3A_203 = tpu.memref_slice %arg4[%add3A_201, %dma_wait3A_202] : memref<204800x128xf32, #tpu.memory_space<hbm>> -> memref<160x128xf32, #tpu.memory_space<hbm>>
        %dma_wait3A_204 = arith.constant 0 : i32
        %dma_wait3A_205 = tpu.memref_slice %arg4[%add3A_201, %dma_wait3A_204] : memref<204800x128xf32, #tpu.memory_space<hbm>> -> memref<160x128xf32, #tpu.memory_space<hbm>>
        tpu.wait_dma2 semaphore(%arg19 : memref<!tpu.dma_semaphore, #tpu.memory_space<semaphore_mem>>) src(%arg11 : memref<160x128xf32, #tpu.memory_space<vmem>>) dst(%dma_wait3A_205 : memref<160x128xf32, #tpu.memory_space<hbm>>)
      } else {
      }
      %parallel_loop3A_98 = arith.constant 0 : i32
      %parallel_loop3A_99 = arith.constant 10 : i32
      %parallel_loop3A_100 = arith.constant 1 : i32
      scf.for %parallel_loop3A_199 = %parallel_loop3A_98 to %parallel_loop3A_99 step %parallel_loop3A_100  : i32 {
        %parallel_loop3A_200 = arith.constant 16 : i32
        %parallel_loop3A_201 = arith.muli %parallel_loop3A_199, %parallel_loop3A_200 : i32
        %parallel_loop3A_202 = arith.index_cast %parallel_loop3A_201 : i32 to index
        %parallel_loop3A_203 = tpu.vector_load %arg7[%parallel_loop3A_202] {strides = array<i32>} : memref<160xf32, #tpu.memory_space<vmem>>, vector<16xf32>,
        %parallel_loop3A_204 = arith.fptosi %parallel_loop3A_203 : vector<16xf32> to vector<16xi32>
        %parallel_loop3A_205 = arith.sitofp %parallel_loop3A_204 : vector<16xi32> to vector<16xf32>
        %parallel_loop3A_206 = arith.subf %parallel_loop3A_203, %parallel_loop3A_205 : vector<16xf32>
        %parallel_loop3A_207 = arith.constant 64 : i32
        %parallel_loop3A_208 = vector.broadcast %parallel_loop3A_207 : i32 to vector<16xi32>
        %parallel_loop3A_209 = arith.muli %parallel_loop3A_204, %parallel_loop3A_208 : vector<16xi32>
        %parallel_loop3A_210 = arith.constant 0 : i32
        %parallel_loop3A_211 = arith.constant 16 : i32
        %parallel_loop3A_212 = arith.constant 1 : i32
        scf.for %parallel_loop3A_213 = %parallel_loop3A_210 to %parallel_loop3A_211 step %parallel_loop3A_212  : i32 {
          %parallel_loop3A_214 = vector.broadcast %parallel_loop3A_213 : i32 to vector<16xi32>
          %parallel_loop3A_215 = arith.constant 0 : i32
          %parallel_loop3A_216 = vector.broadcast %parallel_loop3A_215 : i32 to vector<16xi32>
          %parallel_loop3A_217 = arith.cmpi slt, %parallel_loop3A_214, %parallel_loop3A_216 : vector<16xi32>
          %parallel_loop3A_218 = arith.constant 16 : i32
          %parallel_loop3A_219 = vector.broadcast %parallel_loop3A_218 : i32 to vector<16xi32>
          %parallel_loop3A_220 = arith.addi %parallel_loop3A_214, %parallel_loop3A_219 : vector<16xi32>
          %parallel_loop3A_221 = arith.select %parallel_loop3A_217, %parallel_loop3A_220, %parallel_loop3A_214 : vector<16xi1>, vector<16xi32>
          %parallel_loop3A_222 = vector.shape_cast %parallel_loop3A_221 : vector<16xi32> to vector<16x1xi32>
          %parallel_loop3A_223 = vector.shape_cast %parallel_loop3A_222 : vector<16x1xi32> to vector<16xi32>
          %parallel_loop3A_224 = tpu.dynamic_gather %parallel_loop3A_206[%parallel_loop3A_223] in [0] : vector<16xf32>, vector<16xi32> -> vector<16xf32>
          %parallel_loop3A_225 = tpu.pack_subelements %parallel_loop3A_224, %parallel_loop3A_224 {pack_format = #tpu.pack_format<interleaved>, positions = array<i32: 0, 1>} : vector<16xf32>, vector<16xf32> -> vector<32xbf16>
          %parallel_loop3A_226 = arith.constant 0 : i32
          %parallel_loop3A_227 = vector.broadcast %parallel_loop3A_226 : i32 to vector<16xi32>
          %parallel_loop3A_228 = arith.cmpi slt, %parallel_loop3A_214, %parallel_loop3A_227 : vector<16xi32>
          %parallel_loop3A_229 = arith.constant 16 : i32
          %parallel_loop3A_230 = vector.broadcast %parallel_loop3A_229 : i32 to vector<16xi32>
          %parallel_loop3A_231 = arith.addi %parallel_loop3A_214, %parallel_loop3A_230 : vector<16xi32>
          %parallel_loop3A_232 = arith.select %parallel_loop3A_228, %parallel_loop3A_231, %parallel_loop3A_214 : vector<16xi1>, vector<16xi32>
          %parallel_loop3A_233 = vector.shape_cast %parallel_loop3A_232 : vector<16xi32> to vector<16x1xi32>
          %parallel_loop3A_234 = vector.shape_cast %parallel_loop3A_233 : vector<16x1xi32> to vector<16xi32>
          %parallel_loop3A_235 = tpu.dynamic_gather %parallel_loop3A_209[%parallel_loop3A_234] in [0] : vector<16xi32>, vector<16xi32> -> vector<16xi32>
          %parallel_loop3A_236 = arith.addi %parallel_loop3A_235, %iota3A : vector<16xi32>
          %parallel_loop3A_237 = arith.constant 16 : i32
          %parallel_loop3A_238 = arith.muli %parallel_loop3A_199, %parallel_loop3A_237 : i32
          %parallel_loop3A_239 = arith.addi %parallel_loop3A_238, %parallel_loop3A_213 : i32
          %parallel_loop3A_240 = arith.constant 0 : i32
          %parallel_loop3A_241 = tpu.memref_slice %arg5[%parallel_loop3A_240] : memref<16384xi32, #tpu.memory_space<vmem>> -> memref<16384xi32, #tpu.memory_space<vmem>>
          %parallel_loop3A_242 = tpu.vector_load_idx %parallel_loop3A_241[%parallel_loop3A_236] : memref<16384xi32, #tpu.memory_space<vmem>>[vector<16xi32>], vector<16xi32>,
          %parallel_loop3A_243 = arith.constant 16 : i32
          %parallel_loop3A_244 = tpu.memref_slice %arg5[%parallel_loop3A_243] : memref<16384xi32, #tpu.memory_space<vmem>> -> memref<16368xi32, #tpu.memory_space<vmem>>
          %parallel_loop3A_245 = tpu.vector_load_idx %parallel_loop3A_244[%parallel_loop3A_236] : memref<16368xi32, #tpu.memory_space<vmem>>[vector<16xi32>], vector<16xi32>,
          %parallel_loop3A_246 = arith.constant 32 : i32
          %parallel_loop3A_247 = tpu.memref_slice %arg5[%parallel_loop3A_246] : memref<16384xi32, #tpu.memory_space<vmem>> -> memref<16352xi32, #tpu.memory_space<vmem>>
          %parallel_loop3A_248 = tpu.vector_load_idx %parallel_loop3A_247[%parallel_loop3A_236] : memref<16352xi32, #tpu.memory_space<vmem>>[vector<16xi32>], vector<16xi32>,
          %parallel_loop3A_249 = arith.constant 48 : i32
          %parallel_loop3A_250 = tpu.memref_slice %arg5[%parallel_loop3A_249] : memref<16384xi32, #tpu.memory_space<vmem>> -> memref<16336xi32, #tpu.memory_space<vmem>>
          %parallel_loop3A_251 = tpu.vector_load_idx %parallel_loop3A_250[%parallel_loop3A_236] : memref<16336xi32, #tpu.memory_space<vmem>>[vector<16xi32>], vector<16xi32>,
          %parallel_loop3A_252 = arith.constant 0 : i32
          %parallel_loop3A_253 = tpu.memref_slice %arg6[%parallel_loop3A_252] : memref<16384xi32, #tpu.memory_space<vmem>> -> memref<16384xi32, #tpu.memory_space<vmem>>
          %parallel_loop3A_254 = tpu.vector_load_idx %parallel_loop3A_253[%parallel_loop3A_236] : memref<16384xi32, #tpu.memory_space<vmem>>[vector<16xi32>], vector<16xi32>,
          %parallel_loop3A_255 = arith.constant 16 : i32
          %parallel_loop3A_256 = tpu.memref_slice %arg6[%parallel_loop3A_255] : memref<16384xi32, #tpu.memory_space<vmem>> -> memref<16368xi32, #tpu.memory_space<vmem>>
          %parallel_loop3A_257 = tpu.vector_load_idx %parallel_loop3A_256[%parallel_loop3A_236] : memref<16368xi32, #tpu.memory_space<vmem>>[vector<16xi32>], vector<16xi32>,
          %parallel_loop3A_258 = arith.constant 32 : i32
          %parallel_loop3A_259 = tpu.memref_slice %arg6[%parallel_loop3A_258] : memref<16384xi32, #tpu.memory_space<vmem>> -> memref<16352xi32, #tpu.memory_space<vmem>>
          %parallel_loop3A_260 = tpu.vector_load_idx %parallel_loop3A_259[%parallel_loop3A_236] : memref<16352xi32, #tpu.memory_space<vmem>>[vector<16xi32>], vector<16xi32>,
          %parallel_loop3A_261 = arith.constant 48 : i32
          %parallel_loop3A_262 = tpu.memref_slice %arg6[%parallel_loop3A_261] : memref<16384xi32, #tpu.memory_space<vmem>> -> memref<16336xi32, #tpu.memory_space<vmem>>
          %parallel_loop3A_263 = tpu.vector_load_idx %parallel_loop3A_262[%parallel_loop3A_236] : memref<16336xi32, #tpu.memory_space<vmem>>[vector<16xi32>], vector<16xi32>,
          %parallel_loop3A_264 = vector.bitcast %parallel_loop3A_242 : vector<16xi32> to vector<32xbf16>
          %parallel_loop3A_265 = vector.bitcast %parallel_loop3A_254 : vector<16xi32> to vector<32xbf16>
          %parallel_loop3A_266 = arith.mulf %parallel_loop3A_225, %parallel_loop3A_265 : vector<32xbf16>
          %parallel_loop3A_267 = arith.addf %parallel_loop3A_264, %parallel_loop3A_266 : vector<32xbf16>
          %parallel_loop3A_268 = tpu.unpack_subelements %parallel_loop3A_267, 0 {pack_format = #tpu.pack_format<interleaved>} : vector<32xbf16> -> vector<16xf32>
          %parallel_loop3A_269 = tpu.unpack_subelements %parallel_loop3A_267, 1 {pack_format = #tpu.pack_format<interleaved>} : vector<32xbf16> -> vector<16xf32>
          %parallel_loop3A_270 = arith.index_cast %parallel_loop3A_239 : i32 to index
          %parallel_loop3A_271 = arith.constant 0 : index
          %parallel_loop3A_272 = tpu.vector_load %arg11[%parallel_loop3A_270, %parallel_loop3A_271] {strides = array<i32>} : memref<160x128xf32, #tpu.memory_space<vmem>>, vector<16xf32>,
          tpu.vector_store %arg11[%parallel_loop3A_270, %parallel_loop3A_271], %parallel_loop3A_268 {strides = array<i32>} : memref<160x128xf32, #tpu.memory_space<vmem>>, vector<16xf32>,
          %parallel_loop3A_273 = arith.index_cast %parallel_loop3A_239 : i32 to index
          %parallel_loop3A_274 = arith.constant 64 : index
          %parallel_loop3A_275 = tpu.vector_load %arg11[%parallel_loop3A_273, %parallel_loop3A_274] {strides = array<i32>} : memref<160x128xf32, #tpu.memory_space<vmem>>, vector<16xf32>,
          tpu.vector_store %arg11[%parallel_loop3A_273, %parallel_loop3A_274], %parallel_loop3A_269 {strides = array<i32>} : memref<160x128xf32, #tpu.memory_space<vmem>>, vector<16xf32>,
          %parallel_loop3A_276 = vector.bitcast %parallel_loop3A_245 : vector<16xi32> to vector<32xbf16>
          %parallel_loop3A_277 = vector.bitcast %parallel_loop3A_257 : vector<16xi32> to vector<32xbf16>
          %parallel_loop3A_278 = arith.mulf %parallel_loop3A_225, %parallel_loop3A_277 : vector<32xbf16>
          %parallel_loop3A_279 = arith.addf %parallel_loop3A_276, %parallel_loop3A_278 : vector<32xbf16>
          %parallel_loop3A_280 = tpu.unpack_subelements %parallel_loop3A_279, 0 {pack_format = #tpu.pack_format<interleaved>} : vector<32xbf16> -> vector<16xf32>
          %parallel_loop3A_281 = tpu.unpack_subelements %parallel_loop3A_279, 1 {pack_format = #tpu.pack_format<interleaved>} : vector<32xbf16> -> vector<16xf32>
          %parallel_loop3A_282 = arith.index_cast %parallel_loop3A_239 : i32 to index
          %parallel_loop3A_283 = arith.constant 16 : index
          %parallel_loop3A_284 = tpu.vector_load %arg11[%parallel_loop3A_282, %parallel_loop3A_283] {strides = array<i32>} : memref<160x128xf32, #tpu.memory_space<vmem>>, vector<16xf32>,
          tpu.vector_store %arg11[%parallel_loop3A_282, %parallel_loop3A_283], %parallel_loop3A_280 {strides = array<i32>} : memref<160x128xf32, #tpu.memory_space<vmem>>, vector<16xf32>,
          %parallel_loop3A_285 = arith.index_cast %parallel_loop3A_239 : i32 to index
          %parallel_loop3A_286 = arith.constant 80 : index
          %parallel_loop3A_287 = tpu.vector_load %arg11[%parallel_loop3A_285, %parallel_loop3A_286] {strides = array<i32>} : memref<160x128xf32, #tpu.memory_space<vmem>>, vector<16xf32>,
          tpu.vector_store %arg11[%parallel_loop3A_285, %parallel_loop3A_286], %parallel_loop3A_281 {strides = array<i32>} : memref<160x128xf32, #tpu.memory_space<vmem>>, vector<16xf32>,
          %parallel_loop3A_288 = vector.bitcast %parallel_loop3A_248 : vector<16xi32> to vector<32xbf16>
          %parallel_loop3A_289 = vector.bitcast %parallel_loop3A_260 : vector<16xi32> to vector<32xbf16>
          %parallel_loop3A_290 = arith.mulf %parallel_loop3A_225, %parallel_loop3A_289 : vector<32xbf16>
          %parallel_loop3A_291 = arith.addf %parallel_loop3A_288, %parallel_loop3A_290 : vector<32xbf16>
          %parallel_loop3A_292 = tpu.unpack_subelements %parallel_loop3A_291, 0 {pack_format = #tpu.pack_format<interleaved>} : vector<32xbf16> -> vector<16xf32>
          %parallel_loop3A_293 = tpu.unpack_subelements %parallel_loop3A_291, 1 {pack_format = #tpu.pack_format<interleaved>} : vector<32xbf16> -> vector<16xf32>
          %parallel_loop3A_294 = arith.index_cast %parallel_loop3A_239 : i32 to index
          %parallel_loop3A_295 = arith.constant 32 : index
          %parallel_loop3A_296 = tpu.vector_load %arg11[%parallel_loop3A_294, %parallel_loop3A_295] {strides = array<i32>} : memref<160x128xf32, #tpu.memory_space<vmem>>, vector<16xf32>,
          tpu.vector_store %arg11[%parallel_loop3A_294, %parallel_loop3A_295], %parallel_loop3A_292 {strides = array<i32>} : memref<160x128xf32, #tpu.memory_space<vmem>>, vector<16xf32>,
          %parallel_loop3A_297 = arith.index_cast %parallel_loop3A_239 : i32 to index
          %parallel_loop3A_298 = arith.constant 96 : index
          %parallel_loop3A_299 = tpu.vector_load %arg11[%parallel_loop3A_297, %parallel_loop3A_298] {strides = array<i32>} : memref<160x128xf32, #tpu.memory_space<vmem>>, vector<16xf32>,
          tpu.vector_store %arg11[%parallel_loop3A_297, %parallel_loop3A_298], %parallel_loop3A_293 {strides = array<i32>} : memref<160x128xf32, #tpu.memory_space<vmem>>, vector<16xf32>,
          %parallel_loop3A_300 = vector.bitcast %parallel_loop3A_251 : vector<16xi32> to vector<32xbf16>
          %parallel_loop3A_301 = vector.bitcast %parallel_loop3A_263 : vector<16xi32> to vector<32xbf16>
          %parallel_loop3A_302 = arith.mulf %parallel_loop3A_225, %parallel_loop3A_301 : vector<32xbf16>
          %parallel_loop3A_303 = arith.addf %parallel_loop3A_300, %parallel_loop3A_302 : vector<32xbf16>
          %parallel_loop3A_304 = tpu.unpack_subelements %parallel_loop3A_303, 0 {pack_format = #tpu.pack_format<interleaved>} : vector<32xbf16> -> vector<16xf32>
          %parallel_loop3A_305 = tpu.unpack_subelements %parallel_loop3A_303, 1 {pack_format = #tpu.pack_format<interleaved>} : vector<32xbf16> -> vector<16xf32>
          %parallel_loop3A_306 = arith.index_cast %parallel_loop3A_239 : i32 to index
          %parallel_loop3A_307 = arith.constant 48 : index
          %parallel_loop3A_308 = tpu.vector_load %arg11[%parallel_loop3A_306, %parallel_loop3A_307] {strides = array<i32>} : memref<160x128xf32, #tpu.memory_space<vmem>>, vector<16xf32>,
          tpu.vector_store %arg11[%parallel_loop3A_306, %parallel_loop3A_307], %parallel_loop3A_304 {strides = array<i32>} : memref<160x128xf32, #tpu.memory_space<vmem>>, vector<16xf32>,
          %parallel_loop3A_309 = arith.index_cast %parallel_loop3A_239 : i32 to index
          %parallel_loop3A_310 = arith.constant 112 : index
          %parallel_loop3A_311 = tpu.vector_load %arg11[%parallel_loop3A_309, %parallel_loop3A_310] {strides = array<i32>} : memref<160x128xf32, #tpu.memory_space<vmem>>, vector<16xf32>,
          tpu.vector_store %arg11[%parallel_loop3A_309, %parallel_loop3A_310], %parallel_loop3A_305 {strides = array<i32>} : memref<160x128xf32, #tpu.memory_space<vmem>>, vector<16xf32>,
        } {sc.loop_unroll_factor = 8 : i64, sc.parallel_access}
      } {sc.loop_unroll_factor = 1 : i64, sc.parallel_access}
      %mul3A_101 = arith.constant 160 : i32
      %mul3A_102 = arith.muli %add3A_90, %mul3A_101 : i32
      %add3A_103 = arith.addi %mul3A_2, %mul3A_102 : i32
      %dma_start3A_104 = arith.constant 0 : i32
      %dma_start3A_105 = tpu.memref_slice %arg4[%add3A_103, %dma_start3A_104] : memref<204800x128xf32, #tpu.memory_space<hbm>> -> memref<160x128xf32, #tpu.memory_space<hbm>>
      %dma_start3A_106 = arith.constant 0 : i32
      %dma_start3A_107 = tpu.memref_slice %arg4[%add3A_103, %dma_start3A_106] : memref<204800x128xf32, #tpu.memory_space<hbm>> -> memref<160x128xf32, #tpu.memory_space<hbm>>
      tpu.enqueue_dma source(%arg11 : memref<160x128xf32, #tpu.memory_space<vmem>>) target(%dma_start3A_107 : memref<160x128xf32, #tpu.memory_space<hbm>>) target_semaphore(%arg19 : memref<!tpu.dma_semaphore, #tpu.memory_space<semaphore_mem>>)
      %lt3A = arith.constant 9 : i32
      %lt3A_108 = arith.cmpi slt, %scan3A_86, %lt3A : i32
      %convert_element_type3A_109 = arith.extui %lt3A_108 : i1 to i32
      %cond3A_110 = arith.constant 0 : i32
      %cond3A_111 = arith.cmpi ne, %convert_element_type3A_109, %cond3A_110 : i32
      scf.if %cond3A_111 {
        %add3A_199 = arith.constant 4 : i32
        %add3A_200 = arith.addi %add3A_90, %add3A_199 : i32
        %mul3A_201 = arith.constant 160 : i32
        %mul3A_202 = arith.muli %add3A_200, %mul3A_201 : i32
        %add3A_203 = arith.addi %mul3A_2, %mul3A_202 : i32
        %dma_start3A_204 = tpu.memref_slice %arg2[%add3A_203] : memref<204800xf32, #tpu.memory_space<hbm>> -> memref<160xf32, #tpu.memory_space<hbm>>
        %dma_start3A_205 = tpu.memref_slice %arg2[%add3A_203] : memref<204800xf32, #tpu.memory_space<hbm>> -> memref<160xf32, #tpu.memory_space<hbm>>
        tpu.enqueue_dma source(%dma_start3A_205 : memref<160xf32, #tpu.memory_space<hbm>>) target(%arg7 : memref<160xf32, #tpu.memory_space<vmem>>) target_semaphore(%arg15 : memref<!tpu.dma_semaphore, #tpu.memory_space<semaphore_mem>>)
      } else {
      }
      %mul3A_112 = arith.constant 4 : i32
      %mul3A_113 = arith.muli %mul3A_112, %scan3A_86 : i32
      %add3A_114 = arith.constant 1 : i32
      %add3A_115 = arith.addi %mul3A_113, %add3A_114 : i32
      %mul3A_116 = arith.constant 160 : i32
      %mul3A_117 = arith.muli %add3A_115, %mul3A_116 : i32
      %add3A_118 = arith.addi %mul3A_2, %mul3A_117 : i32
      %dma_wait3A_119 = tpu.memref_slice %arg2[%add3A_118] : memref<204800xf32, #tpu.memory_space<hbm>> -> memref<160xf32, #tpu.memory_space<hbm>>
      %dma_wait3A_120 = tpu.memref_slice %arg2[%add3A_118] : memref<204800xf32, #tpu.memory_space<hbm>> -> memref<160xf32, #tpu.memory_space<hbm>>
      tpu.wait_dma2 semaphore(%arg16 : memref<!tpu.dma_semaphore, #tpu.memory_space<semaphore_mem>>) src(%dma_wait3A_120 : memref<160xf32, #tpu.memory_space<hbm>>) dst(%arg8 : memref<160xf32, #tpu.memory_space<vmem>>)
      %ge3A_121 = arith.constant 1 : i32
      %ge3A_122 = arith.cmpi sge, %scan3A_86, %ge3A_121 : i32
      %convert_element_type3A_123 = arith.extui %ge3A_122 : i1 to i32
      %cond3A_124 = arith.constant 0 : i32
      %cond3A_125 = arith.cmpi ne, %convert_element_type3A_123, %cond3A_124 : i32
      scf.if %cond3A_125 {
        %mul3A_199 = arith.constant 160 : i32
        %mul3A_200 = arith.muli %add3A_115, %mul3A_199 : i32
        %add3A_201 = arith.addi %mul3A_2, %mul3A_200 : i32
        %dma_wait3A_202 = arith.constant 0 : i32
        %dma_wait3A_203 = tpu.memref_slice %arg4[%add3A_201, %dma_wait3A_202] : memref<204800x128xf32, #tpu.memory_space<hbm>> -> memref<160x128xf32, #tpu.memory_space<hbm>>
        %dma_wait3A_204 = arith.constant 0 : i32
        %dma_wait3A_205 = tpu.memref_slice %arg4[%add3A_201, %dma_wait3A_204] : memref<204800x128xf32, #tpu.memory_space<hbm>> -> memref<160x128xf32, #tpu.memory_space<hbm>>
        tpu.wait_dma2 semaphore(%arg20 : memref<!tpu.dma_semaphore, #tpu.memory_space<semaphore_mem>>) src(%arg12 : memref<160x128xf32, #tpu.memory_space<vmem>>) dst(%dma_wait3A_205 : memref<160x128xf32, #tpu.memory_space<hbm>>)
      } else {
      }
      %parallel_loop3A_126 = arith.constant 0 : i32
      %parallel_loop3A_127 = arith.constant 10 : i32
      %parallel_loop3A_128 = arith.constant 1 : i32
      scf.for %parallel_loop3A_199 = %parallel_loop3A_126 to %parallel_loop3A_127 step %parallel_loop3A_128  : i32 {
        %parallel_loop3A_200 = arith.constant 16 : i32
        %parallel_loop3A_201 = arith.muli %parallel_loop3A_199, %parallel_loop3A_200 : i32
        %parallel_loop3A_202 = arith.index_cast %parallel_loop3A_201 : i32 to index
        %parallel_loop3A_203 = tpu.vector_load %arg8[%parallel_loop3A_202] {strides = array<i32>} : memref<160xf32, #tpu.memory_space<vmem>>, vector<16xf32>,
        %parallel_loop3A_204 = arith.fptosi %parallel_loop3A_203 : vector<16xf32> to vector<16xi32>
        %parallel_loop3A_205 = arith.sitofp %parallel_loop3A_204 : vector<16xi32> to vector<16xf32>
        %parallel_loop3A_206 = arith.subf %parallel_loop3A_203, %parallel_loop3A_205 : vector<16xf32>
        %parallel_loop3A_207 = arith.constant 64 : i32
        %parallel_loop3A_208 = vector.broadcast %parallel_loop3A_207 : i32 to vector<16xi32>
        %parallel_loop3A_209 = arith.muli %parallel_loop3A_204, %parallel_loop3A_208 : vector<16xi32>
        %parallel_loop3A_210 = arith.constant 0 : i32
        %parallel_loop3A_211 = arith.constant 16 : i32
        %parallel_loop3A_212 = arith.constant 1 : i32
        scf.for %parallel_loop3A_213 = %parallel_loop3A_210 to %parallel_loop3A_211 step %parallel_loop3A_212  : i32 {
          %parallel_loop3A_214 = vector.broadcast %parallel_loop3A_213 : i32 to vector<16xi32>
          %parallel_loop3A_215 = arith.constant 0 : i32
          %parallel_loop3A_216 = vector.broadcast %parallel_loop3A_215 : i32 to vector<16xi32>
          %parallel_loop3A_217 = arith.cmpi slt, %parallel_loop3A_214, %parallel_loop3A_216 : vector<16xi32>
          %parallel_loop3A_218 = arith.constant 16 : i32
          %parallel_loop3A_219 = vector.broadcast %parallel_loop3A_218 : i32 to vector<16xi32>
          %parallel_loop3A_220 = arith.addi %parallel_loop3A_214, %parallel_loop3A_219 : vector<16xi32>
          %parallel_loop3A_221 = arith.select %parallel_loop3A_217, %parallel_loop3A_220, %parallel_loop3A_214 : vector<16xi1>, vector<16xi32>
          %parallel_loop3A_222 = vector.shape_cast %parallel_loop3A_221 : vector<16xi32> to vector<16x1xi32>
          %parallel_loop3A_223 = vector.shape_cast %parallel_loop3A_222 : vector<16x1xi32> to vector<16xi32>
          %parallel_loop3A_224 = tpu.dynamic_gather %parallel_loop3A_206[%parallel_loop3A_223] in [0] : vector<16xf32>, vector<16xi32> -> vector<16xf32>
          %parallel_loop3A_225 = tpu.pack_subelements %parallel_loop3A_224, %parallel_loop3A_224 {pack_format = #tpu.pack_format<interleaved>, positions = array<i32: 0, 1>} : vector<16xf32>, vector<16xf32> -> vector<32xbf16>
          %parallel_loop3A_226 = arith.constant 0 : i32
          %parallel_loop3A_227 = vector.broadcast %parallel_loop3A_226 : i32 to vector<16xi32>
          %parallel_loop3A_228 = arith.cmpi slt, %parallel_loop3A_214, %parallel_loop3A_227 : vector<16xi32>
          %parallel_loop3A_229 = arith.constant 16 : i32
          %parallel_loop3A_230 = vector.broadcast %parallel_loop3A_229 : i32 to vector<16xi32>
          %parallel_loop3A_231 = arith.addi %parallel_loop3A_214, %parallel_loop3A_230 : vector<16xi32>
          %parallel_loop3A_232 = arith.select %parallel_loop3A_228, %parallel_loop3A_231, %parallel_loop3A_214 : vector<16xi1>, vector<16xi32>
          %parallel_loop3A_233 = vector.shape_cast %parallel_loop3A_232 : vector<16xi32> to vector<16x1xi32>
          %parallel_loop3A_234 = vector.shape_cast %parallel_loop3A_233 : vector<16x1xi32> to vector<16xi32>
          %parallel_loop3A_235 = tpu.dynamic_gather %parallel_loop3A_209[%parallel_loop3A_234] in [0] : vector<16xi32>, vector<16xi32> -> vector<16xi32>
          %parallel_loop3A_236 = arith.addi %parallel_loop3A_235, %iota3A : vector<16xi32>
          %parallel_loop3A_237 = arith.constant 16 : i32
          %parallel_loop3A_238 = arith.muli %parallel_loop3A_199, %parallel_loop3A_237 : i32
          %parallel_loop3A_239 = arith.addi %parallel_loop3A_238, %parallel_loop3A_213 : i32
          %parallel_loop3A_240 = arith.constant 0 : i32
          %parallel_loop3A_241 = tpu.memref_slice %arg5[%parallel_loop3A_240] : memref<16384xi32, #tpu.memory_space<vmem>> -> memref<16384xi32, #tpu.memory_space<vmem>>
          %parallel_loop3A_242 = tpu.vector_load_idx %parallel_loop3A_241[%parallel_loop3A_236] : memref<16384xi32, #tpu.memory_space<vmem>>[vector<16xi32>], vector<16xi32>,
          %parallel_loop3A_243 = arith.constant 16 : i32
          %parallel_loop3A_244 = tpu.memref_slice %arg5[%parallel_loop3A_243] : memref<16384xi32, #tpu.memory_space<vmem>> -> memref<16368xi32, #tpu.memory_space<vmem>>
          %parallel_loop3A_245 = tpu.vector_load_idx %parallel_loop3A_244[%parallel_loop3A_236] : memref<16368xi32, #tpu.memory_space<vmem>>[vector<16xi32>], vector<16xi32>,
          %parallel_loop3A_246 = arith.constant 32 : i32
          %parallel_loop3A_247 = tpu.memref_slice %arg5[%parallel_loop3A_246] : memref<16384xi32, #tpu.memory_space<vmem>> -> memref<16352xi32, #tpu.memory_space<vmem>>
          %parallel_loop3A_248 = tpu.vector_load_idx %parallel_loop3A_247[%parallel_loop3A_236] : memref<16352xi32, #tpu.memory_space<vmem>>[vector<16xi32>], vector<16xi32>,
          %parallel_loop3A_249 = arith.constant 48 : i32
          %parallel_loop3A_250 = tpu.memref_slice %arg5[%parallel_loop3A_249] : memref<16384xi32, #tpu.memory_space<vmem>> -> memref<16336xi32, #tpu.memory_space<vmem>>
          %parallel_loop3A_251 = tpu.vector_load_idx %parallel_loop3A_250[%parallel_loop3A_236] : memref<16336xi32, #tpu.memory_space<vmem>>[vector<16xi32>], vector<16xi32>,
          %parallel_loop3A_252 = arith.constant 0 : i32
          %parallel_loop3A_253 = tpu.memref_slice %arg6[%parallel_loop3A_252] : memref<16384xi32, #tpu.memory_space<vmem>> -> memref<16384xi32, #tpu.memory_space<vmem>>
          %parallel_loop3A_254 = tpu.vector_load_idx %parallel_loop3A_253[%parallel_loop3A_236] : memref<16384xi32, #tpu.memory_space<vmem>>[vector<16xi32>], vector<16xi32>,
          %parallel_loop3A_255 = arith.constant 16 : i32
          %parallel_loop3A_256 = tpu.memref_slice %arg6[%parallel_loop3A_255] : memref<16384xi32, #tpu.memory_space<vmem>> -> memref<16368xi32, #tpu.memory_space<vmem>>
          %parallel_loop3A_257 = tpu.vector_load_idx %parallel_loop3A_256[%parallel_loop3A_236] : memref<16368xi32, #tpu.memory_space<vmem>>[vector<16xi32>], vector<16xi32>,
          %parallel_loop3A_258 = arith.constant 32 : i32
          %parallel_loop3A_259 = tpu.memref_slice %arg6[%parallel_loop3A_258] : memref<16384xi32, #tpu.memory_space<vmem>> -> memref<16352xi32, #tpu.memory_space<vmem>>
          %parallel_loop3A_260 = tpu.vector_load_idx %parallel_loop3A_259[%parallel_loop3A_236] : memref<16352xi32, #tpu.memory_space<vmem>>[vector<16xi32>], vector<16xi32>,
          %parallel_loop3A_261 = arith.constant 48 : i32
          %parallel_loop3A_262 = tpu.memref_slice %arg6[%parallel_loop3A_261] : memref<16384xi32, #tpu.memory_space<vmem>> -> memref<16336xi32, #tpu.memory_space<vmem>>
          %parallel_loop3A_263 = tpu.vector_load_idx %parallel_loop3A_262[%parallel_loop3A_236] : memref<16336xi32, #tpu.memory_space<vmem>>[vector<16xi32>], vector<16xi32>,
          %parallel_loop3A_264 = vector.bitcast %parallel_loop3A_242 : vector<16xi32> to vector<32xbf16>
          %parallel_loop3A_265 = vector.bitcast %parallel_loop3A_254 : vector<16xi32> to vector<32xbf16>
          %parallel_loop3A_266 = arith.mulf %parallel_loop3A_225, %parallel_loop3A_265 : vector<32xbf16>
          %parallel_loop3A_267 = arith.addf %parallel_loop3A_264, %parallel_loop3A_266 : vector<32xbf16>
          %parallel_loop3A_268 = tpu.unpack_subelements %parallel_loop3A_267, 0 {pack_format = #tpu.pack_format<interleaved>} : vector<32xbf16> -> vector<16xf32>
          %parallel_loop3A_269 = tpu.unpack_subelements %parallel_loop3A_267, 1 {pack_format = #tpu.pack_format<interleaved>} : vector<32xbf16> -> vector<16xf32>
          %parallel_loop3A_270 = arith.index_cast %parallel_loop3A_239 : i32 to index
          %parallel_loop3A_271 = arith.constant 0 : index
          %parallel_loop3A_272 = tpu.vector_load %arg12[%parallel_loop3A_270, %parallel_loop3A_271] {strides = array<i32>} : memref<160x128xf32, #tpu.memory_space<vmem>>, vector<16xf32>,
          tpu.vector_store %arg12[%parallel_loop3A_270, %parallel_loop3A_271], %parallel_loop3A_268 {strides = array<i32>} : memref<160x128xf32, #tpu.memory_space<vmem>>, vector<16xf32>,
          %parallel_loop3A_273 = arith.index_cast %parallel_loop3A_239 : i32 to index
          %parallel_loop3A_274 = arith.constant 64 : index
          %parallel_loop3A_275 = tpu.vector_load %arg12[%parallel_loop3A_273, %parallel_loop3A_274] {strides = array<i32>} : memref<160x128xf32, #tpu.memory_space<vmem>>, vector<16xf32>,
          tpu.vector_store %arg12[%parallel_loop3A_273, %parallel_loop3A_274], %parallel_loop3A_269 {strides = array<i32>} : memref<160x128xf32, #tpu.memory_space<vmem>>, vector<16xf32>,
          %parallel_loop3A_276 = vector.bitcast %parallel_loop3A_245 : vector<16xi32> to vector<32xbf16>
          %parallel_loop3A_277 = vector.bitcast %parallel_loop3A_257 : vector<16xi32> to vector<32xbf16>
          %parallel_loop3A_278 = arith.mulf %parallel_loop3A_225, %parallel_loop3A_277 : vector<32xbf16>
          %parallel_loop3A_279 = arith.addf %parallel_loop3A_276, %parallel_loop3A_278 : vector<32xbf16>
          %parallel_loop3A_280 = tpu.unpack_subelements %parallel_loop3A_279, 0 {pack_format = #tpu.pack_format<interleaved>} : vector<32xbf16> -> vector<16xf32>
          %parallel_loop3A_281 = tpu.unpack_subelements %parallel_loop3A_279, 1 {pack_format = #tpu.pack_format<interleaved>} : vector<32xbf16> -> vector<16xf32>
          %parallel_loop3A_282 = arith.index_cast %parallel_loop3A_239 : i32 to index
          %parallel_loop3A_283 = arith.constant 16 : index
          %parallel_loop3A_284 = tpu.vector_load %arg12[%parallel_loop3A_282, %parallel_loop3A_283] {strides = array<i32>} : memref<160x128xf32, #tpu.memory_space<vmem>>, vector<16xf32>,
          tpu.vector_store %arg12[%parallel_loop3A_282, %parallel_loop3A_283], %parallel_loop3A_280 {strides = array<i32>} : memref<160x128xf32, #tpu.memory_space<vmem>>, vector<16xf32>,
          %parallel_loop3A_285 = arith.index_cast %parallel_loop3A_239 : i32 to index
          %parallel_loop3A_286 = arith.constant 80 : index
          %parallel_loop3A_287 = tpu.vector_load %arg12[%parallel_loop3A_285, %parallel_loop3A_286] {strides = array<i32>} : memref<160x128xf32, #tpu.memory_space<vmem>>, vector<16xf32>,
          tpu.vector_store %arg12[%parallel_loop3A_285, %parallel_loop3A_286], %parallel_loop3A_281 {strides = array<i32>} : memref<160x128xf32, #tpu.memory_space<vmem>>, vector<16xf32>,
          %parallel_loop3A_288 = vector.bitcast %parallel_loop3A_248 : vector<16xi32> to vector<32xbf16>
          %parallel_loop3A_289 = vector.bitcast %parallel_loop3A_260 : vector<16xi32> to vector<32xbf16>
          %parallel_loop3A_290 = arith.mulf %parallel_loop3A_225, %parallel_loop3A_289 : vector<32xbf16>
          %parallel_loop3A_291 = arith.addf %parallel_loop3A_288, %parallel_loop3A_290 : vector<32xbf16>
          %parallel_loop3A_292 = tpu.unpack_subelements %parallel_loop3A_291, 0 {pack_format = #tpu.pack_format<interleaved>} : vector<32xbf16> -> vector<16xf32>
          %parallel_loop3A_293 = tpu.unpack_subelements %parallel_loop3A_291, 1 {pack_format = #tpu.pack_format<interleaved>} : vector<32xbf16> -> vector<16xf32>
          %parallel_loop3A_294 = arith.index_cast %parallel_loop3A_239 : i32 to index
          %parallel_loop3A_295 = arith.constant 32 : index
          %parallel_loop3A_296 = tpu.vector_load %arg12[%parallel_loop3A_294, %parallel_loop3A_295] {strides = array<i32>} : memref<160x128xf32, #tpu.memory_space<vmem>>, vector<16xf32>,
          tpu.vector_store %arg12[%parallel_loop3A_294, %parallel_loop3A_295], %parallel_loop3A_292 {strides = array<i32>} : memref<160x128xf32, #tpu.memory_space<vmem>>, vector<16xf32>,
          %parallel_loop3A_297 = arith.index_cast %parallel_loop3A_239 : i32 to index
          %parallel_loop3A_298 = arith.constant 96 : index
          %parallel_loop3A_299 = tpu.vector_load %arg12[%parallel_loop3A_297, %parallel_loop3A_298] {strides = array<i32>} : memref<160x128xf32, #tpu.memory_space<vmem>>, vector<16xf32>,
          tpu.vector_store %arg12[%parallel_loop3A_297, %parallel_loop3A_298], %parallel_loop3A_293 {strides = array<i32>} : memref<160x128xf32, #tpu.memory_space<vmem>>, vector<16xf32>,
          %parallel_loop3A_300 = vector.bitcast %parallel_loop3A_251 : vector<16xi32> to vector<32xbf16>
          %parallel_loop3A_301 = vector.bitcast %parallel_loop3A_263 : vector<16xi32> to vector<32xbf16>
          %parallel_loop3A_302 = arith.mulf %parallel_loop3A_225, %parallel_loop3A_301 : vector<32xbf16>
          %parallel_loop3A_303 = arith.addf %parallel_loop3A_300, %parallel_loop3A_302 : vector<32xbf16>
          %parallel_loop3A_304 = tpu.unpack_subelements %parallel_loop3A_303, 0 {pack_format = #tpu.pack_format<interleaved>} : vector<32xbf16> -> vector<16xf32>
          %parallel_loop3A_305 = tpu.unpack_subelements %parallel_loop3A_303, 1 {pack_format = #tpu.pack_format<interleaved>} : vector<32xbf16> -> vector<16xf32>
          %parallel_loop3A_306 = arith.index_cast %parallel_loop3A_239 : i32 to index
          %parallel_loop3A_307 = arith.constant 48 : index
          %parallel_loop3A_308 = tpu.vector_load %arg12[%parallel_loop3A_306, %parallel_loop3A_307] {strides = array<i32>} : memref<160x128xf32, #tpu.memory_space<vmem>>, vector<16xf32>,
          tpu.vector_store %arg12[%parallel_loop3A_306, %parallel_loop3A_307], %parallel_loop3A_304 {strides = array<i32>} : memref<160x128xf32, #tpu.memory_space<vmem>>, vector<16xf32>,
          %parallel_loop3A_309 = arith.index_cast %parallel_loop3A_239 : i32 to index
          %parallel_loop3A_310 = arith.constant 112 : index
          %parallel_loop3A_311 = tpu.vector_load %arg12[%parallel_loop3A_309, %parallel_loop3A_310] {strides = array<i32>} : memref<160x128xf32, #tpu.memory_space<vmem>>, vector<16xf32>,
          tpu.vector_store %arg12[%parallel_loop3A_309, %parallel_loop3A_310], %parallel_loop3A_305 {strides = array<i32>} : memref<160x128xf32, #tpu.memory_space<vmem>>, vector<16xf32>,
        } {sc.loop_unroll_factor = 8 : i64, sc.parallel_access}
      } {sc.loop_unroll_factor = 1 : i64, sc.parallel_access}
      %mul3A_129 = arith.constant 160 : i32
      %mul3A_130 = arith.muli %add3A_115, %mul3A_129 : i32
      %add3A_131 = arith.addi %mul3A_2, %mul3A_130 : i32
      %dma_start3A_132 = arith.constant 0 : i32
      %dma_start3A_133 = tpu.memref_slice %arg4[%add3A_131, %dma_start3A_132] : memref<204800x128xf32, #tpu.memory_space<hbm>> -> memref<160x128xf32, #tpu.memory_space<hbm>>
      %dma_start3A_134 = arith.constant 0 : i32
      %dma_start3A_135 = tpu.memref_slice %arg4[%add3A_131, %dma_start3A_134] : memref<204800x128xf32, #tpu.memory_space<hbm>> -> memref<160x128xf32, #tpu.memory_space<hbm>>
      tpu.enqueue_dma source(%arg12 : memref<160x128xf32, #tpu.memory_space<vmem>>) target(%dma_start3A_135 : memref<160x128xf32, #tpu.memory_space<hbm>>) target_semaphore(%arg20 : memref<!tpu.dma_semaphore, #tpu.memory_space<semaphore_mem>>)
      %lt3A_136 = arith.constant 9 : i32
      %lt3A_137 = arith.cmpi slt, %scan3A_86, %lt3A_136 : i32
      %convert_element_type3A_138 = arith.extui %lt3A_137 : i1 to i32
      %cond3A_139 = arith.constant 0 : i32
      %cond3A_140 = arith.cmpi ne, %convert_element_type3A_138, %cond3A_139 : i32
      scf.if %cond3A_140 {
        %add3A_199 = arith.constant 4 : i32
        %add3A_200 = arith.addi %add3A_115, %add3A_199 : i32
        %mul3A_201 = arith.constant 160 : i32
        %mul3A_202 = arith.muli %add3A_200, %mul3A_201 : i32
        %add3A_203 = arith.addi %mul3A_2, %mul3A_202 : i32
        %dma_start3A_204 = tpu.memref_slice %arg2[%add3A_203] : memref<204800xf32, #tpu.memory_space<hbm>> -> memref<160xf32, #tpu.memory_space<hbm>>
        %dma_start3A_205 = tpu.memref_slice %arg2[%add3A_203] : memref<204800xf32, #tpu.memory_space<hbm>> -> memref<160xf32, #tpu.memory_space<hbm>>
        tpu.enqueue_dma source(%dma_start3A_205 : memref<160xf32, #tpu.memory_space<hbm>>) target(%arg8 : memref<160xf32, #tpu.memory_space<vmem>>) target_semaphore(%arg16 : memref<!tpu.dma_semaphore, #tpu.memory_space<semaphore_mem>>)
      } else {
      }
      %mul3A_141 = arith.constant 4 : i32
      %mul3A_142 = arith.muli %mul3A_141, %scan3A_86 : i32
      %add3A_143 = arith.constant 2 : i32
      %add3A_144 = arith.addi %mul3A_142, %add3A_143 : i32
      %mul3A_145 = arith.constant 160 : i32
      %mul3A_146 = arith.muli %add3A_144, %mul3A_145 : i32
      %add3A_147 = arith.addi %mul3A_2, %mul3A_146 : i32
      %dma_wait3A_148 = tpu.memref_slice %arg2[%add3A_147] : memref<204800xf32, #tpu.memory_space<hbm>> -> memref<160xf32, #tpu.memory_space<hbm>>
      %dma_wait3A_149 = tpu.memref_slice %arg2[%add3A_147] : memref<204800xf32, #tpu.memory_space<hbm>> -> memref<160xf32, #tpu.memory_space<hbm>>
      tpu.wait_dma2 semaphore(%arg17 : memref<!tpu.dma_semaphore, #tpu.memory_space<semaphore_mem>>) src(%dma_wait3A_149 : memref<160xf32, #tpu.memory_space<hbm>>) dst(%arg9 : memref<160xf32, #tpu.memory_space<vmem>>)
      %ge3A_150 = arith.constant 1 : i32
      %ge3A_151 = arith.cmpi sge, %scan3A_86, %ge3A_150 : i32
      %convert_element_type3A_152 = arith.extui %ge3A_151 : i1 to i32
      %cond3A_153 = arith.constant 0 : i32
      %cond3A_154 = arith.cmpi ne, %convert_element_type3A_152, %cond3A_153 : i32
      scf.if %cond3A_154 {
        %mul3A_199 = arith.constant 160 : i32
        %mul3A_200 = arith.muli %add3A_144, %mul3A_199 : i32
        %add3A_201 = arith.addi %mul3A_2, %mul3A_200 : i32
        %dma_wait3A_202 = arith.constant 0 : i32
        %dma_wait3A_203 = tpu.memref_slice %arg4[%add3A_201, %dma_wait3A_202] : memref<204800x128xf32, #tpu.memory_space<hbm>> -> memref<160x128xf32, #tpu.memory_space<hbm>>
        %dma_wait3A_204 = arith.constant 0 : i32
        %dma_wait3A_205 = tpu.memref_slice %arg4[%add3A_201, %dma_wait3A_204] : memref<204800x128xf32, #tpu.memory_space<hbm>> -> memref<160x128xf32, #tpu.memory_space<hbm>>
        tpu.wait_dma2 semaphore(%arg21 : memref<!tpu.dma_semaphore, #tpu.memory_space<semaphore_mem>>) src(%arg13 : memref<160x128xf32, #tpu.memory_space<vmem>>) dst(%dma_wait3A_205 : memref<160x128xf32, #tpu.memory_space<hbm>>)
      } else {
      }
      %parallel_loop3A_155 = arith.constant 0 : i32
      %parallel_loop3A_156 = arith.constant 10 : i32
      %parallel_loop3A_157 = arith.constant 1 : i32
      scf.for %parallel_loop3A_199 = %parallel_loop3A_155 to %parallel_loop3A_156 step %parallel_loop3A_157  : i32 {
        %parallel_loop3A_200 = arith.constant 16 : i32
        %parallel_loop3A_201 = arith.muli %parallel_loop3A_199, %parallel_loop3A_200 : i32
        %parallel_loop3A_202 = arith.index_cast %parallel_loop3A_201 : i32 to index
        %parallel_loop3A_203 = tpu.vector_load %arg9[%parallel_loop3A_202] {strides = array<i32>} : memref<160xf32, #tpu.memory_space<vmem>>, vector<16xf32>,
        %parallel_loop3A_204 = arith.fptosi %parallel_loop3A_203 : vector<16xf32> to vector<16xi32>
        %parallel_loop3A_205 = arith.sitofp %parallel_loop3A_204 : vector<16xi32> to vector<16xf32>
        %parallel_loop3A_206 = arith.subf %parallel_loop3A_203, %parallel_loop3A_205 : vector<16xf32>
        %parallel_loop3A_207 = arith.constant 64 : i32
        %parallel_loop3A_208 = vector.broadcast %parallel_loop3A_207 : i32 to vector<16xi32>
        %parallel_loop3A_209 = arith.muli %parallel_loop3A_204, %parallel_loop3A_208 : vector<16xi32>
        %parallel_loop3A_210 = arith.constant 0 : i32
        %parallel_loop3A_211 = arith.constant 16 : i32
        %parallel_loop3A_212 = arith.constant 1 : i32
        scf.for %parallel_loop3A_213 = %parallel_loop3A_210 to %parallel_loop3A_211 step %parallel_loop3A_212  : i32 {
          %parallel_loop3A_214 = vector.broadcast %parallel_loop3A_213 : i32 to vector<16xi32>
          %parallel_loop3A_215 = arith.constant 0 : i32
          %parallel_loop3A_216 = vector.broadcast %parallel_loop3A_215 : i32 to vector<16xi32>
          %parallel_loop3A_217 = arith.cmpi slt, %parallel_loop3A_214, %parallel_loop3A_216 : vector<16xi32>
          %parallel_loop3A_218 = arith.constant 16 : i32
          %parallel_loop3A_219 = vector.broadcast %parallel_loop3A_218 : i32 to vector<16xi32>
          %parallel_loop3A_220 = arith.addi %parallel_loop3A_214, %parallel_loop3A_219 : vector<16xi32>
          %parallel_loop3A_221 = arith.select %parallel_loop3A_217, %parallel_loop3A_220, %parallel_loop3A_214 : vector<16xi1>, vector<16xi32>
          %parallel_loop3A_222 = vector.shape_cast %parallel_loop3A_221 : vector<16xi32> to vector<16x1xi32>
          %parallel_loop3A_223 = vector.shape_cast %parallel_loop3A_222 : vector<16x1xi32> to vector<16xi32>
          %parallel_loop3A_224 = tpu.dynamic_gather %parallel_loop3A_206[%parallel_loop3A_223] in [0] : vector<16xf32>, vector<16xi32> -> vector<16xf32>
          %parallel_loop3A_225 = tpu.pack_subelements %parallel_loop3A_224, %parallel_loop3A_224 {pack_format = #tpu.pack_format<interleaved>, positions = array<i32: 0, 1>} : vector<16xf32>, vector<16xf32> -> vector<32xbf16>
          %parallel_loop3A_226 = arith.constant 0 : i32
          %parallel_loop3A_227 = vector.broadcast %parallel_loop3A_226 : i32 to vector<16xi32>
          %parallel_loop3A_228 = arith.cmpi slt, %parallel_loop3A_214, %parallel_loop3A_227 : vector<16xi32>
          %parallel_loop3A_229 = arith.constant 16 : i32
          %parallel_loop3A_230 = vector.broadcast %parallel_loop3A_229 : i32 to vector<16xi32>
          %parallel_loop3A_231 = arith.addi %parallel_loop3A_214, %parallel_loop3A_230 : vector<16xi32>
          %parallel_loop3A_232 = arith.select %parallel_loop3A_228, %parallel_loop3A_231, %parallel_loop3A_214 : vector<16xi1>, vector<16xi32>
          %parallel_loop3A_233 = vector.shape_cast %parallel_loop3A_232 : vector<16xi32> to vector<16x1xi32>
          %parallel_loop3A_234 = vector.shape_cast %parallel_loop3A_233 : vector<16x1xi32> to vector<16xi32>
          %parallel_loop3A_235 = tpu.dynamic_gather %parallel_loop3A_209[%parallel_loop3A_234] in [0] : vector<16xi32>, vector<16xi32> -> vector<16xi32>
          %parallel_loop3A_236 = arith.addi %parallel_loop3A_235, %iota3A : vector<16xi32>
          %parallel_loop3A_237 = arith.constant 16 : i32
          %parallel_loop3A_238 = arith.muli %parallel_loop3A_199, %parallel_loop3A_237 : i32
          %parallel_loop3A_239 = arith.addi %parallel_loop3A_238, %parallel_loop3A_213 : i32
          %parallel_loop3A_240 = arith.constant 0 : i32
          %parallel_loop3A_241 = tpu.memref_slice %arg5[%parallel_loop3A_240] : memref<16384xi32, #tpu.memory_space<vmem>> -> memref<16384xi32, #tpu.memory_space<vmem>>
          %parallel_loop3A_242 = tpu.vector_load_idx %parallel_loop3A_241[%parallel_loop3A_236] : memref<16384xi32, #tpu.memory_space<vmem>>[vector<16xi32>], vector<16xi32>,
          %parallel_loop3A_243 = arith.constant 16 : i32
          %parallel_loop3A_244 = tpu.memref_slice %arg5[%parallel_loop3A_243] : memref<16384xi32, #tpu.memory_space<vmem>> -> memref<16368xi32, #tpu.memory_space<vmem>>
          %parallel_loop3A_245 = tpu.vector_load_idx %parallel_loop3A_244[%parallel_loop3A_236] : memref<16368xi32, #tpu.memory_space<vmem>>[vector<16xi32>], vector<16xi32>,
          %parallel_loop3A_246 = arith.constant 32 : i32
          %parallel_loop3A_247 = tpu.memref_slice %arg5[%parallel_loop3A_246] : memref<16384xi32, #tpu.memory_space<vmem>> -> memref<16352xi32, #tpu.memory_space<vmem>>
          %parallel_loop3A_248 = tpu.vector_load_idx %parallel_loop3A_247[%parallel_loop3A_236] : memref<16352xi32, #tpu.memory_space<vmem>>[vector<16xi32>], vector<16xi32>,
          %parallel_loop3A_249 = arith.constant 48 : i32
          %parallel_loop3A_250 = tpu.memref_slice %arg5[%parallel_loop3A_249] : memref<16384xi32, #tpu.memory_space<vmem>> -> memref<16336xi32, #tpu.memory_space<vmem>>
          %parallel_loop3A_251 = tpu.vector_load_idx %parallel_loop3A_250[%parallel_loop3A_236] : memref<16336xi32, #tpu.memory_space<vmem>>[vector<16xi32>], vector<16xi32>,
          %parallel_loop3A_252 = arith.constant 0 : i32
          %parallel_loop3A_253 = tpu.memref_slice %arg6[%parallel_loop3A_252] : memref<16384xi32, #tpu.memory_space<vmem>> -> memref<16384xi32, #tpu.memory_space<vmem>>
          %parallel_loop3A_254 = tpu.vector_load_idx %parallel_loop3A_253[%parallel_loop3A_236] : memref<16384xi32, #tpu.memory_space<vmem>>[vector<16xi32>], vector<16xi32>,
          %parallel_loop3A_255 = arith.constant 16 : i32
          %parallel_loop3A_256 = tpu.memref_slice %arg6[%parallel_loop3A_255] : memref<16384xi32, #tpu.memory_space<vmem>> -> memref<16368xi32, #tpu.memory_space<vmem>>
          %parallel_loop3A_257 = tpu.vector_load_idx %parallel_loop3A_256[%parallel_loop3A_236] : memref<16368xi32, #tpu.memory_space<vmem>>[vector<16xi32>], vector<16xi32>,
          %parallel_loop3A_258 = arith.constant 32 : i32
          %parallel_loop3A_259 = tpu.memref_slice %arg6[%parallel_loop3A_258] : memref<16384xi32, #tpu.memory_space<vmem>> -> memref<16352xi32, #tpu.memory_space<vmem>>
          %parallel_loop3A_260 = tpu.vector_load_idx %parallel_loop3A_259[%parallel_loop3A_236] : memref<16352xi32, #tpu.memory_space<vmem>>[vector<16xi32>], vector<16xi32>,
          %parallel_loop3A_261 = arith.constant 48 : i32
          %parallel_loop3A_262 = tpu.memref_slice %arg6[%parallel_loop3A_261] : memref<16384xi32, #tpu.memory_space<vmem>> -> memref<16336xi32, #tpu.memory_space<vmem>>
          %parallel_loop3A_263 = tpu.vector_load_idx %parallel_loop3A_262[%parallel_loop3A_236] : memref<16336xi32, #tpu.memory_space<vmem>>[vector<16xi32>], vector<16xi32>,
          %parallel_loop3A_264 = vector.bitcast %parallel_loop3A_242 : vector<16xi32> to vector<32xbf16>
          %parallel_loop3A_265 = vector.bitcast %parallel_loop3A_254 : vector<16xi32> to vector<32xbf16>
          %parallel_loop3A_266 = arith.mulf %parallel_loop3A_225, %parallel_loop3A_265 : vector<32xbf16>
          %parallel_loop3A_267 = arith.addf %parallel_loop3A_264, %parallel_loop3A_266 : vector<32xbf16>
          %parallel_loop3A_268 = tpu.unpack_subelements %parallel_loop3A_267, 0 {pack_format = #tpu.pack_format<interleaved>} : vector<32xbf16> -> vector<16xf32>
          %parallel_loop3A_269 = tpu.unpack_subelements %parallel_loop3A_267, 1 {pack_format = #tpu.pack_format<interleaved>} : vector<32xbf16> -> vector<16xf32>
          %parallel_loop3A_270 = arith.index_cast %parallel_loop3A_239 : i32 to index
          %parallel_loop3A_271 = arith.constant 0 : index
          %parallel_loop3A_272 = tpu.vector_load %arg13[%parallel_loop3A_270, %parallel_loop3A_271] {strides = array<i32>} : memref<160x128xf32, #tpu.memory_space<vmem>>, vector<16xf32>,
          tpu.vector_store %arg13[%parallel_loop3A_270, %parallel_loop3A_271], %parallel_loop3A_268 {strides = array<i32>} : memref<160x128xf32, #tpu.memory_space<vmem>>, vector<16xf32>,
          %parallel_loop3A_273 = arith.index_cast %parallel_loop3A_239 : i32 to index
          %parallel_loop3A_274 = arith.constant 64 : index
          %parallel_loop3A_275 = tpu.vector_load %arg13[%parallel_loop3A_273, %parallel_loop3A_274] {strides = array<i32>} : memref<160x128xf32, #tpu.memory_space<vmem>>, vector<16xf32>,
          tpu.vector_store %arg13[%parallel_loop3A_273, %parallel_loop3A_274], %parallel_loop3A_269 {strides = array<i32>} : memref<160x128xf32, #tpu.memory_space<vmem>>, vector<16xf32>,
          %parallel_loop3A_276 = vector.bitcast %parallel_loop3A_245 : vector<16xi32> to vector<32xbf16>
          %parallel_loop3A_277 = vector.bitcast %parallel_loop3A_257 : vector<16xi32> to vector<32xbf16>
          %parallel_loop3A_278 = arith.mulf %parallel_loop3A_225, %parallel_loop3A_277 : vector<32xbf16>
          %parallel_loop3A_279 = arith.addf %parallel_loop3A_276, %parallel_loop3A_278 : vector<32xbf16>
          %parallel_loop3A_280 = tpu.unpack_subelements %parallel_loop3A_279, 0 {pack_format = #tpu.pack_format<interleaved>} : vector<32xbf16> -> vector<16xf32>
          %parallel_loop3A_281 = tpu.unpack_subelements %parallel_loop3A_279, 1 {pack_format = #tpu.pack_format<interleaved>} : vector<32xbf16> -> vector<16xf32>
          %parallel_loop3A_282 = arith.index_cast %parallel_loop3A_239 : i32 to index
          %parallel_loop3A_283 = arith.constant 16 : index
          %parallel_loop3A_284 = tpu.vector_load %arg13[%parallel_loop3A_282, %parallel_loop3A_283] {strides = array<i32>} : memref<160x128xf32, #tpu.memory_space<vmem>>, vector<16xf32>,
          tpu.vector_store %arg13[%parallel_loop3A_282, %parallel_loop3A_283], %parallel_loop3A_280 {strides = array<i32>} : memref<160x128xf32, #tpu.memory_space<vmem>>, vector<16xf32>,
          %parallel_loop3A_285 = arith.index_cast %parallel_loop3A_239 : i32 to index
          %parallel_loop3A_286 = arith.constant 80 : index
          %parallel_loop3A_287 = tpu.vector_load %arg13[%parallel_loop3A_285, %parallel_loop3A_286] {strides = array<i32>} : memref<160x128xf32, #tpu.memory_space<vmem>>, vector<16xf32>,
          tpu.vector_store %arg13[%parallel_loop3A_285, %parallel_loop3A_286], %parallel_loop3A_281 {strides = array<i32>} : memref<160x128xf32, #tpu.memory_space<vmem>>, vector<16xf32>,
          %parallel_loop3A_288 = vector.bitcast %parallel_loop3A_248 : vector<16xi32> to vector<32xbf16>
          %parallel_loop3A_289 = vector.bitcast %parallel_loop3A_260 : vector<16xi32> to vector<32xbf16>
          %parallel_loop3A_290 = arith.mulf %parallel_loop3A_225, %parallel_loop3A_289 : vector<32xbf16>
          %parallel_loop3A_291 = arith.addf %parallel_loop3A_288, %parallel_loop3A_290 : vector<32xbf16>
          %parallel_loop3A_292 = tpu.unpack_subelements %parallel_loop3A_291, 0 {pack_format = #tpu.pack_format<interleaved>} : vector<32xbf16> -> vector<16xf32>
          %parallel_loop3A_293 = tpu.unpack_subelements %parallel_loop3A_291, 1 {pack_format = #tpu.pack_format<interleaved>} : vector<32xbf16> -> vector<16xf32>
          %parallel_loop3A_294 = arith.index_cast %parallel_loop3A_239 : i32 to index
          %parallel_loop3A_295 = arith.constant 32 : index
          %parallel_loop3A_296 = tpu.vector_load %arg13[%parallel_loop3A_294, %parallel_loop3A_295] {strides = array<i32>} : memref<160x128xf32, #tpu.memory_space<vmem>>, vector<16xf32>,
          tpu.vector_store %arg13[%parallel_loop3A_294, %parallel_loop3A_295], %parallel_loop3A_292 {strides = array<i32>} : memref<160x128xf32, #tpu.memory_space<vmem>>, vector<16xf32>,
          %parallel_loop3A_297 = arith.index_cast %parallel_loop3A_239 : i32 to index
          %parallel_loop3A_298 = arith.constant 96 : index
          %parallel_loop3A_299 = tpu.vector_load %arg13[%parallel_loop3A_297, %parallel_loop3A_298] {strides = array<i32>} : memref<160x128xf32, #tpu.memory_space<vmem>>, vector<16xf32>,
          tpu.vector_store %arg13[%parallel_loop3A_297, %parallel_loop3A_298], %parallel_loop3A_293 {strides = array<i32>} : memref<160x128xf32, #tpu.memory_space<vmem>>, vector<16xf32>,
          %parallel_loop3A_300 = vector.bitcast %parallel_loop3A_251 : vector<16xi32> to vector<32xbf16>
          %parallel_loop3A_301 = vector.bitcast %parallel_loop3A_263 : vector<16xi32> to vector<32xbf16>
          %parallel_loop3A_302 = arith.mulf %parallel_loop3A_225, %parallel_loop3A_301 : vector<32xbf16>
          %parallel_loop3A_303 = arith.addf %parallel_loop3A_300, %parallel_loop3A_302 : vector<32xbf16>
          %parallel_loop3A_304 = tpu.unpack_subelements %parallel_loop3A_303, 0 {pack_format = #tpu.pack_format<interleaved>} : vector<32xbf16> -> vector<16xf32>
          %parallel_loop3A_305 = tpu.unpack_subelements %parallel_loop3A_303, 1 {pack_format = #tpu.pack_format<interleaved>} : vector<32xbf16> -> vector<16xf32>
          %parallel_loop3A_306 = arith.index_cast %parallel_loop3A_239 : i32 to index
          %parallel_loop3A_307 = arith.constant 48 : index
          %parallel_loop3A_308 = tpu.vector_load %arg13[%parallel_loop3A_306, %parallel_loop3A_307] {strides = array<i32>} : memref<160x128xf32, #tpu.memory_space<vmem>>, vector<16xf32>,
          tpu.vector_store %arg13[%parallel_loop3A_306, %parallel_loop3A_307], %parallel_loop3A_304 {strides = array<i32>} : memref<160x128xf32, #tpu.memory_space<vmem>>, vector<16xf32>,
          %parallel_loop3A_309 = arith.index_cast %parallel_loop3A_239 : i32 to index
          %parallel_loop3A_310 = arith.constant 112 : index
          %parallel_loop3A_311 = tpu.vector_load %arg13[%parallel_loop3A_309, %parallel_loop3A_310] {strides = array<i32>} : memref<160x128xf32, #tpu.memory_space<vmem>>, vector<16xf32>,
          tpu.vector_store %arg13[%parallel_loop3A_309, %parallel_loop3A_310], %parallel_loop3A_305 {strides = array<i32>} : memref<160x128xf32, #tpu.memory_space<vmem>>, vector<16xf32>,
        } {sc.loop_unroll_factor = 8 : i64, sc.parallel_access}
      } {sc.loop_unroll_factor = 1 : i64, sc.parallel_access}
      %mul3A_158 = arith.constant 160 : i32
      %mul3A_159 = arith.muli %add3A_144, %mul3A_158 : i32
      %add3A_160 = arith.addi %mul3A_2, %mul3A_159 : i32
      %dma_start3A_161 = arith.constant 0 : i32
      %dma_start3A_162 = tpu.memref_slice %arg4[%add3A_160, %dma_start3A_161] : memref<204800x128xf32, #tpu.memory_space<hbm>> -> memref<160x128xf32, #tpu.memory_space<hbm>>
      %dma_start3A_163 = arith.constant 0 : i32
      %dma_start3A_164 = tpu.memref_slice %arg4[%add3A_160, %dma_start3A_163] : memref<204800x128xf32, #tpu.memory_space<hbm>> -> memref<160x128xf32, #tpu.memory_space<hbm>>
      tpu.enqueue_dma source(%arg13 : memref<160x128xf32, #tpu.memory_space<vmem>>) target(%dma_start3A_164 : memref<160x128xf32, #tpu.memory_space<hbm>>) target_semaphore(%arg21 : memref<!tpu.dma_semaphore, #tpu.memory_space<semaphore_mem>>)
      %lt3A_165 = arith.constant 9 : i32
      %lt3A_166 = arith.cmpi slt, %scan3A_86, %lt3A_165 : i32
      %convert_element_type3A_167 = arith.extui %lt3A_166 : i1 to i32
      %cond3A_168 = arith.constant 0 : i32
      %cond3A_169 = arith.cmpi ne, %convert_element_type3A_167, %cond3A_168 : i32
      scf.if %cond3A_169 {
        %add3A_199 = arith.constant 4 : i32
        %add3A_200 = arith.addi %add3A_144, %add3A_199 : i32
        %mul3A_201 = arith.constant 160 : i32
        %mul3A_202 = arith.muli %add3A_200, %mul3A_201 : i32
        %add3A_203 = arith.addi %mul3A_2, %mul3A_202 : i32
        %dma_start3A_204 = tpu.memref_slice %arg2[%add3A_203] : memref<204800xf32, #tpu.memory_space<hbm>> -> memref<160xf32, #tpu.memory_space<hbm>>
        %dma_start3A_205 = tpu.memref_slice %arg2[%add3A_203] : memref<204800xf32, #tpu.memory_space<hbm>> -> memref<160xf32, #tpu.memory_space<hbm>>
        tpu.enqueue_dma source(%dma_start3A_205 : memref<160xf32, #tpu.memory_space<hbm>>) target(%arg9 : memref<160xf32, #tpu.memory_space<vmem>>) target_semaphore(%arg17 : memref<!tpu.dma_semaphore, #tpu.memory_space<semaphore_mem>>)
      } else {
      }
      %mul3A_170 = arith.constant 4 : i32
      %mul3A_171 = arith.muli %mul3A_170, %scan3A_86 : i32
      %add3A_172 = arith.constant 3 : i32
      %add3A_173 = arith.addi %mul3A_171, %add3A_172 : i32
      %mul3A_174 = arith.constant 160 : i32
      %mul3A_175 = arith.muli %add3A_173, %mul3A_174 : i32
      %add3A_176 = arith.addi %mul3A_2, %mul3A_175 : i32
      %dma_wait3A_177 = tpu.memref_slice %arg2[%add3A_176] : memref<204800xf32, #tpu.memory_space<hbm>> -> memref<160xf32, #tpu.memory_space<hbm>>
      %dma_wait3A_178 = tpu.memref_slice %arg2[%add3A_176] : memref<204800xf32, #tpu.memory_space<hbm>> -> memref<160xf32, #tpu.memory_space<hbm>>
      tpu.wait_dma2 semaphore(%arg18 : memref<!tpu.dma_semaphore, #tpu.memory_space<semaphore_mem>>) src(%dma_wait3A_178 : memref<160xf32, #tpu.memory_space<hbm>>) dst(%arg10 : memref<160xf32, #tpu.memory_space<vmem>>)
      %ge3A_179 = arith.constant 1 : i32
      %ge3A_180 = arith.cmpi sge, %scan3A_86, %ge3A_179 : i32
      %convert_element_type3A_181 = arith.extui %ge3A_180 : i1 to i32
      %cond3A_182 = arith.constant 0 : i32
      %cond3A_183 = arith.cmpi ne, %convert_element_type3A_181, %cond3A_182 : i32
      scf.if %cond3A_183 {
        %mul3A_199 = arith.constant 160 : i32
        %mul3A_200 = arith.muli %add3A_173, %mul3A_199 : i32
        %add3A_201 = arith.addi %mul3A_2, %mul3A_200 : i32
        %dma_wait3A_202 = arith.constant 0 : i32
        %dma_wait3A_203 = tpu.memref_slice %arg4[%add3A_201, %dma_wait3A_202] : memref<204800x128xf32, #tpu.memory_space<hbm>> -> memref<160x128xf32, #tpu.memory_space<hbm>>
        %dma_wait3A_204 = arith.constant 0 : i32
        %dma_wait3A_205 = tpu.memref_slice %arg4[%add3A_201, %dma_wait3A_204] : memref<204800x128xf32, #tpu.memory_space<hbm>> -> memref<160x128xf32, #tpu.memory_space<hbm>>
        tpu.wait_dma2 semaphore(%arg22 : memref<!tpu.dma_semaphore, #tpu.memory_space<semaphore_mem>>) src(%arg14 : memref<160x128xf32, #tpu.memory_space<vmem>>) dst(%dma_wait3A_205 : memref<160x128xf32, #tpu.memory_space<hbm>>)
      } else {
      }
      %parallel_loop3A_184 = arith.constant 0 : i32
      %parallel_loop3A_185 = arith.constant 10 : i32
      %parallel_loop3A_186 = arith.constant 1 : i32
      scf.for %parallel_loop3A_199 = %parallel_loop3A_184 to %parallel_loop3A_185 step %parallel_loop3A_186  : i32 {
        %parallel_loop3A_200 = arith.constant 16 : i32
        %parallel_loop3A_201 = arith.muli %parallel_loop3A_199, %parallel_loop3A_200 : i32
        %parallel_loop3A_202 = arith.index_cast %parallel_loop3A_201 : i32 to index
        %parallel_loop3A_203 = tpu.vector_load %arg10[%parallel_loop3A_202] {strides = array<i32>} : memref<160xf32, #tpu.memory_space<vmem>>, vector<16xf32>,
        %parallel_loop3A_204 = arith.fptosi %parallel_loop3A_203 : vector<16xf32> to vector<16xi32>
        %parallel_loop3A_205 = arith.sitofp %parallel_loop3A_204 : vector<16xi32> to vector<16xf32>
        %parallel_loop3A_206 = arith.subf %parallel_loop3A_203, %parallel_loop3A_205 : vector<16xf32>
        %parallel_loop3A_207 = arith.constant 64 : i32
        %parallel_loop3A_208 = vector.broadcast %parallel_loop3A_207 : i32 to vector<16xi32>
        %parallel_loop3A_209 = arith.muli %parallel_loop3A_204, %parallel_loop3A_208 : vector<16xi32>
        %parallel_loop3A_210 = arith.constant 0 : i32
        %parallel_loop3A_211 = arith.constant 16 : i32
        %parallel_loop3A_212 = arith.constant 1 : i32
        scf.for %parallel_loop3A_213 = %parallel_loop3A_210 to %parallel_loop3A_211 step %parallel_loop3A_212  : i32 {
          %parallel_loop3A_214 = vector.broadcast %parallel_loop3A_213 : i32 to vector<16xi32>
          %parallel_loop3A_215 = arith.constant 0 : i32
          %parallel_loop3A_216 = vector.broadcast %parallel_loop3A_215 : i32 to vector<16xi32>
          %parallel_loop3A_217 = arith.cmpi slt, %parallel_loop3A_214, %parallel_loop3A_216 : vector<16xi32>
          %parallel_loop3A_218 = arith.constant 16 : i32
          %parallel_loop3A_219 = vector.broadcast %parallel_loop3A_218 : i32 to vector<16xi32>
          %parallel_loop3A_220 = arith.addi %parallel_loop3A_214, %parallel_loop3A_219 : vector<16xi32>
          %parallel_loop3A_221 = arith.select %parallel_loop3A_217, %parallel_loop3A_220, %parallel_loop3A_214 : vector<16xi1>, vector<16xi32>
          %parallel_loop3A_222 = vector.shape_cast %parallel_loop3A_221 : vector<16xi32> to vector<16x1xi32>
          %parallel_loop3A_223 = vector.shape_cast %parallel_loop3A_222 : vector<16x1xi32> to vector<16xi32>
          %parallel_loop3A_224 = tpu.dynamic_gather %parallel_loop3A_206[%parallel_loop3A_223] in [0] : vector<16xf32>, vector<16xi32> -> vector<16xf32>
          %parallel_loop3A_225 = tpu.pack_subelements %parallel_loop3A_224, %parallel_loop3A_224 {pack_format = #tpu.pack_format<interleaved>, positions = array<i32: 0, 1>} : vector<16xf32>, vector<16xf32> -> vector<32xbf16>
          %parallel_loop3A_226 = arith.constant 0 : i32
          %parallel_loop3A_227 = vector.broadcast %parallel_loop3A_226 : i32 to vector<16xi32>
          %parallel_loop3A_228 = arith.cmpi slt, %parallel_loop3A_214, %parallel_loop3A_227 : vector<16xi32>
          %parallel_loop3A_229 = arith.constant 16 : i32
          %parallel_loop3A_230 = vector.broadcast %parallel_loop3A_229 : i32 to vector<16xi32>
          %parallel_loop3A_231 = arith.addi %parallel_loop3A_214, %parallel_loop3A_230 : vector<16xi32>
          %parallel_loop3A_232 = arith.select %parallel_loop3A_228, %parallel_loop3A_231, %parallel_loop3A_214 : vector<16xi1>, vector<16xi32>
          %parallel_loop3A_233 = vector.shape_cast %parallel_loop3A_232 : vector<16xi32> to vector<16x1xi32>
          %parallel_loop3A_234 = vector.shape_cast %parallel_loop3A_233 : vector<16x1xi32> to vector<16xi32>
          %parallel_loop3A_235 = tpu.dynamic_gather %parallel_loop3A_209[%parallel_loop3A_234] in [0] : vector<16xi32>, vector<16xi32> -> vector<16xi32>
          %parallel_loop3A_236 = arith.addi %parallel_loop3A_235, %iota3A : vector<16xi32>
          %parallel_loop3A_237 = arith.constant 16 : i32
          %parallel_loop3A_238 = arith.muli %parallel_loop3A_199, %parallel_loop3A_237 : i32
          %parallel_loop3A_239 = arith.addi %parallel_loop3A_238, %parallel_loop3A_213 : i32
          %parallel_loop3A_240 = arith.constant 0 : i32
          %parallel_loop3A_241 = tpu.memref_slice %arg5[%parallel_loop3A_240] : memref<16384xi32, #tpu.memory_space<vmem>> -> memref<16384xi32, #tpu.memory_space<vmem>>
          %parallel_loop3A_242 = tpu.vector_load_idx %parallel_loop3A_241[%parallel_loop3A_236] : memref<16384xi32, #tpu.memory_space<vmem>>[vector<16xi32>], vector<16xi32>,
          %parallel_loop3A_243 = arith.constant 16 : i32
          %parallel_loop3A_244 = tpu.memref_slice %arg5[%parallel_loop3A_243] : memref<16384xi32, #tpu.memory_space<vmem>> -> memref<16368xi32, #tpu.memory_space<vmem>>
          %parallel_loop3A_245 = tpu.vector_load_idx %parallel_loop3A_244[%parallel_loop3A_236] : memref<16368xi32, #tpu.memory_space<vmem>>[vector<16xi32>], vector<16xi32>,
          %parallel_loop3A_246 = arith.constant 32 : i32
          %parallel_loop3A_247 = tpu.memref_slice %arg5[%parallel_loop3A_246] : memref<16384xi32, #tpu.memory_space<vmem>> -> memref<16352xi32, #tpu.memory_space<vmem>>
          %parallel_loop3A_248 = tpu.vector_load_idx %parallel_loop3A_247[%parallel_loop3A_236] : memref<16352xi32, #tpu.memory_space<vmem>>[vector<16xi32>], vector<16xi32>,
          %parallel_loop3A_249 = arith.constant 48 : i32
          %parallel_loop3A_250 = tpu.memref_slice %arg5[%parallel_loop3A_249] : memref<16384xi32, #tpu.memory_space<vmem>> -> memref<16336xi32, #tpu.memory_space<vmem>>
          %parallel_loop3A_251 = tpu.vector_load_idx %parallel_loop3A_250[%parallel_loop3A_236] : memref<16336xi32, #tpu.memory_space<vmem>>[vector<16xi32>], vector<16xi32>,
          %parallel_loop3A_252 = arith.constant 0 : i32
          %parallel_loop3A_253 = tpu.memref_slice %arg6[%parallel_loop3A_252] : memref<16384xi32, #tpu.memory_space<vmem>> -> memref<16384xi32, #tpu.memory_space<vmem>>
          %parallel_loop3A_254 = tpu.vector_load_idx %parallel_loop3A_253[%parallel_loop3A_236] : memref<16384xi32, #tpu.memory_space<vmem>>[vector<16xi32>], vector<16xi32>,
          %parallel_loop3A_255 = arith.constant 16 : i32
          %parallel_loop3A_256 = tpu.memref_slice %arg6[%parallel_loop3A_255] : memref<16384xi32, #tpu.memory_space<vmem>> -> memref<16368xi32, #tpu.memory_space<vmem>>
          %parallel_loop3A_257 = tpu.vector_load_idx %parallel_loop3A_256[%parallel_loop3A_236] : memref<16368xi32, #tpu.memory_space<vmem>>[vector<16xi32>], vector<16xi32>,
          %parallel_loop3A_258 = arith.constant 32 : i32
          %parallel_loop3A_259 = tpu.memref_slice %arg6[%parallel_loop3A_258] : memref<16384xi32, #tpu.memory_space<vmem>> -> memref<16352xi32, #tpu.memory_space<vmem>>
          %parallel_loop3A_260 = tpu.vector_load_idx %parallel_loop3A_259[%parallel_loop3A_236] : memref<16352xi32, #tpu.memory_space<vmem>>[vector<16xi32>], vector<16xi32>,
          %parallel_loop3A_261 = arith.constant 48 : i32
          %parallel_loop3A_262 = tpu.memref_slice %arg6[%parallel_loop3A_261] : memref<16384xi32, #tpu.memory_space<vmem>> -> memref<16336xi32, #tpu.memory_space<vmem>>
          %parallel_loop3A_263 = tpu.vector_load_idx %parallel_loop3A_262[%parallel_loop3A_236] : memref<16336xi32, #tpu.memory_space<vmem>>[vector<16xi32>], vector<16xi32>,
          %parallel_loop3A_264 = vector.bitcast %parallel_loop3A_242 : vector<16xi32> to vector<32xbf16>
          %parallel_loop3A_265 = vector.bitcast %parallel_loop3A_254 : vector<16xi32> to vector<32xbf16>
          %parallel_loop3A_266 = arith.mulf %parallel_loop3A_225, %parallel_loop3A_265 : vector<32xbf16>
          %parallel_loop3A_267 = arith.addf %parallel_loop3A_264, %parallel_loop3A_266 : vector<32xbf16>
          %parallel_loop3A_268 = tpu.unpack_subelements %parallel_loop3A_267, 0 {pack_format = #tpu.pack_format<interleaved>} : vector<32xbf16> -> vector<16xf32>
          %parallel_loop3A_269 = tpu.unpack_subelements %parallel_loop3A_267, 1 {pack_format = #tpu.pack_format<interleaved>} : vector<32xbf16> -> vector<16xf32>
          %parallel_loop3A_270 = arith.index_cast %parallel_loop3A_239 : i32 to index
          %parallel_loop3A_271 = arith.constant 0 : index
          %parallel_loop3A_272 = tpu.vector_load %arg14[%parallel_loop3A_270, %parallel_loop3A_271] {strides = array<i32>} : memref<160x128xf32, #tpu.memory_space<vmem>>, vector<16xf32>,
          tpu.vector_store %arg14[%parallel_loop3A_270, %parallel_loop3A_271], %parallel_loop3A_268 {strides = array<i32>} : memref<160x128xf32, #tpu.memory_space<vmem>>, vector<16xf32>,
          %parallel_loop3A_273 = arith.index_cast %parallel_loop3A_239 : i32 to index
          %parallel_loop3A_274 = arith.constant 64 : index
          %parallel_loop3A_275 = tpu.vector_load %arg14[%parallel_loop3A_273, %parallel_loop3A_274] {strides = array<i32>} : memref<160x128xf32, #tpu.memory_space<vmem>>, vector<16xf32>,
          tpu.vector_store %arg14[%parallel_loop3A_273, %parallel_loop3A_274], %parallel_loop3A_269 {strides = array<i32>} : memref<160x128xf32, #tpu.memory_space<vmem>>, vector<16xf32>,
          %parallel_loop3A_276 = vector.bitcast %parallel_loop3A_245 : vector<16xi32> to vector<32xbf16>
          %parallel_loop3A_277 = vector.bitcast %parallel_loop3A_257 : vector<16xi32> to vector<32xbf16>
          %parallel_loop3A_278 = arith.mulf %parallel_loop3A_225, %parallel_loop3A_277 : vector<32xbf16>
          %parallel_loop3A_279 = arith.addf %parallel_loop3A_276, %parallel_loop3A_278 : vector<32xbf16>
          %parallel_loop3A_280 = tpu.unpack_subelements %parallel_loop3A_279, 0 {pack_format = #tpu.pack_format<interleaved>} : vector<32xbf16> -> vector<16xf32>
          %parallel_loop3A_281 = tpu.unpack_subelements %parallel_loop3A_279, 1 {pack_format = #tpu.pack_format<interleaved>} : vector<32xbf16> -> vector<16xf32>
          %parallel_loop3A_282 = arith.index_cast %parallel_loop3A_239 : i32 to index
          %parallel_loop3A_283 = arith.constant 16 : index
          %parallel_loop3A_284 = tpu.vector_load %arg14[%parallel_loop3A_282, %parallel_loop3A_283] {strides = array<i32>} : memref<160x128xf32, #tpu.memory_space<vmem>>, vector<16xf32>,
          tpu.vector_store %arg14[%parallel_loop3A_282, %parallel_loop3A_283], %parallel_loop3A_280 {strides = array<i32>} : memref<160x128xf32, #tpu.memory_space<vmem>>, vector<16xf32>,
          %parallel_loop3A_285 = arith.index_cast %parallel_loop3A_239 : i32 to index
          %parallel_loop3A_286 = arith.constant 80 : index
          %parallel_loop3A_287 = tpu.vector_load %arg14[%parallel_loop3A_285, %parallel_loop3A_286] {strides = array<i32>} : memref<160x128xf32, #tpu.memory_space<vmem>>, vector<16xf32>,
          tpu.vector_store %arg14[%parallel_loop3A_285, %parallel_loop3A_286], %parallel_loop3A_281 {strides = array<i32>} : memref<160x128xf32, #tpu.memory_space<vmem>>, vector<16xf32>,
          %parallel_loop3A_288 = vector.bitcast %parallel_loop3A_248 : vector<16xi32> to vector<32xbf16>
          %parallel_loop3A_289 = vector.bitcast %parallel_loop3A_260 : vector<16xi32> to vector<32xbf16>
          %parallel_loop3A_290 = arith.mulf %parallel_loop3A_225, %parallel_loop3A_289 : vector<32xbf16>
          %parallel_loop3A_291 = arith.addf %parallel_loop3A_288, %parallel_loop3A_290 : vector<32xbf16>
          %parallel_loop3A_292 = tpu.unpack_subelements %parallel_loop3A_291, 0 {pack_format = #tpu.pack_format<interleaved>} : vector<32xbf16> -> vector<16xf32>
          %parallel_loop3A_293 = tpu.unpack_subelements %parallel_loop3A_291, 1 {pack_format = #tpu.pack_format<interleaved>} : vector<32xbf16> -> vector<16xf32>
          %parallel_loop3A_294 = arith.index_cast %parallel_loop3A_239 : i32 to index
          %parallel_loop3A_295 = arith.constant 32 : index
          %parallel_loop3A_296 = tpu.vector_load %arg14[%parallel_loop3A_294, %parallel_loop3A_295] {strides = array<i32>} : memref<160x128xf32, #tpu.memory_space<vmem>>, vector<16xf32>,
          tpu.vector_store %arg14[%parallel_loop3A_294, %parallel_loop3A_295], %parallel_loop3A_292 {strides = array<i32>} : memref<160x128xf32, #tpu.memory_space<vmem>>, vector<16xf32>,
          %parallel_loop3A_297 = arith.index_cast %parallel_loop3A_239 : i32 to index
          %parallel_loop3A_298 = arith.constant 96 : index
          %parallel_loop3A_299 = tpu.vector_load %arg14[%parallel_loop3A_297, %parallel_loop3A_298] {strides = array<i32>} : memref<160x128xf32, #tpu.memory_space<vmem>>, vector<16xf32>,
          tpu.vector_store %arg14[%parallel_loop3A_297, %parallel_loop3A_298], %parallel_loop3A_293 {strides = array<i32>} : memref<160x128xf32, #tpu.memory_space<vmem>>, vector<16xf32>,
          %parallel_loop3A_300 = vector.bitcast %parallel_loop3A_251 : vector<16xi32> to vector<32xbf16>
          %parallel_loop3A_301 = vector.bitcast %parallel_loop3A_263 : vector<16xi32> to vector<32xbf16>
          %parallel_loop3A_302 = arith.mulf %parallel_loop3A_225, %parallel_loop3A_301 : vector<32xbf16>
          %parallel_loop3A_303 = arith.addf %parallel_loop3A_300, %parallel_loop3A_302 : vector<32xbf16>
          %parallel_loop3A_304 = tpu.unpack_subelements %parallel_loop3A_303, 0 {pack_format = #tpu.pack_format<interleaved>} : vector<32xbf16> -> vector<16xf32>
          %parallel_loop3A_305 = tpu.unpack_subelements %parallel_loop3A_303, 1 {pack_format = #tpu.pack_format<interleaved>} : vector<32xbf16> -> vector<16xf32>
          %parallel_loop3A_306 = arith.index_cast %parallel_loop3A_239 : i32 to index
          %parallel_loop3A_307 = arith.constant 48 : index
          %parallel_loop3A_308 = tpu.vector_load %arg14[%parallel_loop3A_306, %parallel_loop3A_307] {strides = array<i32>} : memref<160x128xf32, #tpu.memory_space<vmem>>, vector<16xf32>,
          tpu.vector_store %arg14[%parallel_loop3A_306, %parallel_loop3A_307], %parallel_loop3A_304 {strides = array<i32>} : memref<160x128xf32, #tpu.memory_space<vmem>>, vector<16xf32>,
          %parallel_loop3A_309 = arith.index_cast %parallel_loop3A_239 : i32 to index
          %parallel_loop3A_310 = arith.constant 112 : index
          %parallel_loop3A_311 = tpu.vector_load %arg14[%parallel_loop3A_309, %parallel_loop3A_310] {strides = array<i32>} : memref<160x128xf32, #tpu.memory_space<vmem>>, vector<16xf32>,
          tpu.vector_store %arg14[%parallel_loop3A_309, %parallel_loop3A_310], %parallel_loop3A_305 {strides = array<i32>} : memref<160x128xf32, #tpu.memory_space<vmem>>, vector<16xf32>,
        } {sc.loop_unroll_factor = 8 : i64, sc.parallel_access}
      } {sc.loop_unroll_factor = 1 : i64, sc.parallel_access}
      %mul3A_187 = arith.constant 160 : i32
      %mul3A_188 = arith.muli %add3A_173, %mul3A_187 : i32
      %add3A_189 = arith.addi %mul3A_2, %mul3A_188 : i32
      %dma_start3A_190 = arith.constant 0 : i32
      %dma_start3A_191 = tpu.memref_slice %arg4[%add3A_189, %dma_start3A_190] : memref<204800x128xf32, #tpu.memory_space<hbm>> -> memref<160x128xf32, #tpu.memory_space<hbm>>
      %dma_start3A_192 = arith.constant 0 : i32
      %dma_start3A_193 = tpu.memref_slice %arg4[%add3A_189, %dma_start3A_192] : memref<204800x128xf32, #tpu.memory_space<hbm>> -> memref<160x128xf32, #tpu.memory_space<hbm>>
      tpu.enqueue_dma source(%arg14 : memref<160x128xf32, #tpu.memory_space<vmem>>) target(%dma_start3A_193 : memref<160x128xf32, #tpu.memory_space<hbm>>) target_semaphore(%arg22 : memref<!tpu.dma_semaphore, #tpu.memory_space<semaphore_mem>>)
      %lt3A_194 = arith.constant 9 : i32
      %lt3A_195 = arith.cmpi slt, %scan3A_86, %lt3A_194 : i32
      %convert_element_type3A_196 = arith.extui %lt3A_195 : i1 to i32
      %cond3A_197 = arith.constant 0 : i32
      %cond3A_198 = arith.cmpi ne, %convert_element_type3A_196, %cond3A_197 : i32
      scf.if %cond3A_198 {
        %add3A_199 = arith.constant 4 : i32
        %add3A_200 = arith.addi %add3A_173, %add3A_199 : i32
        %mul3A_201 = arith.constant 160 : i32
        %mul3A_202 = arith.muli %add3A_200, %mul3A_201 : i32
        %add3A_203 = arith.addi %mul3A_2, %mul3A_202 : i32
        %dma_start3A_204 = tpu.memref_slice %arg2[%add3A_203] : memref<204800xf32, #tpu.memory_space<hbm>> -> memref<160xf32, #tpu.memory_space<hbm>>
        %dma_start3A_205 = tpu.memref_slice %arg2[%add3A_203] : memref<204800xf32, #tpu.memory_space<hbm>> -> memref<160xf32, #tpu.memory_space<hbm>>
        tpu.enqueue_dma source(%dma_start3A_205 : memref<160xf32, #tpu.memory_space<hbm>>) target(%arg10 : memref<160xf32, #tpu.memory_space<vmem>>) target_semaphore(%arg18 : memref<!tpu.dma_semaphore, #tpu.memory_space<semaphore_mem>>)
      } else {
      }
    }
    %scan3A_61 = arith.constant 10 : i32
    %add3A_62 = arith.constant 5760 : i32
    %add3A_63 = arith.addi %mul3A_2, %add3A_62 : i32
    %dma_wait3A_64 = arith.constant 0 : i32
    %dma_wait3A_65 = tpu.memref_slice %arg4[%add3A_63, %dma_wait3A_64] : memref<204800x128xf32, #tpu.memory_space<hbm>> -> memref<160x128xf32, #tpu.memory_space<hbm>>
    %dma_wait3A_66 = arith.constant 0 : i32
    %dma_wait3A_67 = tpu.memref_slice %arg4[%add3A_63, %dma_wait3A_66] : memref<204800x128xf32, #tpu.memory_space<hbm>> -> memref<160x128xf32, #tpu.memory_space<hbm>>
    tpu.wait_dma2 semaphore(%arg19 : memref<!tpu.dma_semaphore, #tpu.memory_space<semaphore_mem>>) src(%arg11 : memref<160x128xf32, #tpu.memory_space<vmem>>) dst(%dma_wait3A_67 : memref<160x128xf32, #tpu.memory_space<hbm>>)
    %add3A_68 = arith.constant 5920 : i32
    %add3A_69 = arith.addi %mul3A_2, %add3A_68 : i32
    %dma_wait3A_70 = arith.constant 0 : i32
    %dma_wait3A_71 = tpu.memref_slice %arg4[%add3A_69, %dma_wait3A_70] : memref<204800x128xf32, #tpu.memory_space<hbm>> -> memref<160x128xf32, #tpu.memory_space<hbm>>
    %dma_wait3A_72 = arith.constant 0 : i32
    %dma_wait3A_73 = tpu.memref_slice %arg4[%add3A_69, %dma_wait3A_72] : memref<204800x128xf32, #tpu.memory_space<hbm>> -> memref<160x128xf32, #tpu.memory_space<hbm>>
    tpu.wait_dma2 semaphore(%arg20 : memref<!tpu.dma_semaphore, #tpu.memory_space<semaphore_mem>>) src(%arg12 : memref<160x128xf32, #tpu.memory_space<vmem>>) dst(%dma_wait3A_73 : memref<160x128xf32, #tpu.memory_space<hbm>>)
    %add3A_74 = arith.constant 6080 : i32
    %add3A_75 = arith.addi %mul3A_2, %add3A_74 : i32
    %dma_wait3A_76 = arith.constant 0 : i32
    %dma_wait3A_77 = tpu.memref_slice %arg4[%add3A_75, %dma_wait3A_76] : memref<204800x128xf32, #tpu.memory_space<hbm>> -> memref<160x128xf32, #tpu.memory_space<hbm>>
    %dma_wait3A_78 = arith.constant 0 : i32
    %dma_wait3A_79 = tpu.memref_slice %arg4[%add3A_75, %dma_wait3A_78] : memref<204800x128xf32, #tpu.memory_space<hbm>> -> memref<160x128xf32, #tpu.memory_space<hbm>>
    tpu.wait_dma2 semaphore(%arg21 : memref<!tpu.dma_semaphore, #tpu.memory_space<semaphore_mem>>) src(%arg13 : memref<160x128xf32, #tpu.memory_space<vmem>>) dst(%dma_wait3A_79 : memref<160x128xf32, #tpu.memory_space<hbm>>)
    %add3A_80 = arith.constant 6240 : i32
    %add3A_81 = arith.addi %mul3A_2, %add3A_80 : i32
    %dma_wait3A_82 = arith.constant 0 : i32
    %dma_wait3A_83 = tpu.memref_slice %arg4[%add3A_81, %dma_wait3A_82] : memref<204800x128xf32, #tpu.memory_space<hbm>> -> memref<160x128xf32, #tpu.memory_space<hbm>>
    %dma_wait3A_84 = arith.constant 0 : i32
    %dma_wait3A_85 = tpu.memref_slice %arg4[%add3A_81, %dma_wait3A_84] : memref<204800x128xf32, #tpu.memory_space<hbm>> -> memref<160x128xf32, #tpu.memory_space<hbm>>
    tpu.wait_dma2 semaphore(%arg22 : memref<!tpu.dma_semaphore, #tpu.memory_space<semaphore_mem>>) src(%arg14 : memref<160x128xf32, #tpu.memory_space<vmem>>) dst(%dma_wait3A_85 : memref<160x128xf32, #tpu.memory_space<hbm>>)
    return
  }
}

</mosaic_0001>

<sc_bundles>
// kernel: _run.3.cloned.1.call-start
scs
__scs_entry_jumppad:
0x0: {  	(pc) =	sbr.rel $0x88, $3  }
0x1: {  	(tag) =	ssettag $0x0;
	lr =	simm.s32 $0x1  }
0x2: {  	[smem:$0x3F9F] =	sst lr;
	_ =	strace $0xD0000000  }
0x3: {  	_ = 	snop  }
0x4: {  	_ = 	snop  }
0x5: {  	_ = 	snop  }
0x6: {  	_ = 	snop  }
0x7: {  	_ = 	snop  }
__scs_overlays_trampoline_lowered:
0x8: {  	[smem:$0x3FAE] =	sst s0  }
0x9: {  	[smem:$0x3FAF] =	sst s1  }
0xa: {  	[smem:$0x3FB0] =	sst s2  }
0xb: {  	[smem:$0x3FB1] =	sst s3  }
0xc: {  	[smem:$0x3FB2] =	sst s4  }
0xd: {  	[smem:$0x3FB3] =	sst s5  }
0xe: {  	[smem:$0x3FB4] =	sst s6  }
0xf: {  	[smem:$0x3FB5] =	sst s7  }
0x10: {  	[smem:$0x3FB6] =	sst s8  }
0x11: {  	[smem:$0x3FB7] =	sst s9;
	s0 =	simm.s32 @!p0 $0x0  }
0x12: {  	s1 =	sld [smem:$0x3F9D];
	s0 =	simm.s32 @p0 $0x1  }
0x13: {  	[smem:$0x3FB8] =	sst s0;
	s0 =	simm.s32 @!p1 $0x0  }
0x14: {  	s2 =	sld [smem:$0x3F9C];
	s0 =	simm.s32 @p1 $0x1  }
0x15: {  	[smem:$0x3FB9] =	sst s0;
	s0 =	simm.s32 @!p2 $0x0  }
0x16: {  	s3 =	sld [smem:$0x3FDB];
	s0 =	simm.s32 @p2 $0x1  }
0x17: {  	s4 =	simm.s32 $0x1BF5;
	[smem:$0x3FBB] =	sst s0  }
0x18: {  	s0 =	sld [smem:$0x3F9E];
	_ =	swait.ge [sflag:s4], $0x0  }
0x19: {  	s7 =	sld [smem:$0x3F9F]  }
0x1a: {  	s8 =	sadd.s32 $0xFFFFE003, lr  }
0x1b: {  	s9 =	sadd.s32 $0xFFFFFEF7, lr;
	s5 =	simm.s32 $0xFFFFFFFF;
	p2 =	slt.u32 s8, $0xFFFFF086  }
0x1c: {  	p1 =	slt.u32 s9, $0xF7A;
	s5 =	simm.s32 @!p2 $0x0  }
0x1d: {  	s5 =	simm.s32 @p1 $0x1;
	p0 =	seq.s32 s7, s2  }
0x1e: {  	s7 =	smul.u32 @!p0 $0xF7A, s2;
	p2 =	seq.s32 @!p0 s5, $0x0  }
0x1f: {  	s9 =	smul.u32 $0xF7A, s1;
	s8 =	simm.s32 @!p0 $0x1BF5;
	p2 =	por !p2, p0  }
0x20: {  	[sflag:s8] =	ssyncset.s32 @!p0 $0xFFFFF086;
	s6 =	sadd.s32 @!p0 s3, s7;
	s7 =	simm.s32 @!p0 $0x108  }
0x21: {  	s3 =	sadd.s32 s3, s9;
	s6 =	sadd.s32 @!p0 $0x88, s6;
	s7 =	simm.s32 @p2 $0x1082  }
0x22: {  	[simem:s7], [sflag:s8] =	dma.local @!p0 [hbm:s6], $0xF7A  }
0x23: {  	s9 =	sor.u32 $0xD0000000, s2;
	s6 =	simm.s32 $0x108;
	_ =	swait.ge @!p0 [sflag:s8], $0x0  }
0x24: {  	s3 =	sadd.s32 $0x88, s3;
	s6 =	simm.s32 @!p1 $0x1082;
	[sflag:s4] =	ssyncset.s32 $0xFFFFF086  }
0x25: {  	[simem:s6], [sflag:s4] =	dma.local [hbm:s3], $0xF7A  }
0x26: {  	[smem:$0x3F9F] =	sst s1;
	(tag) =	ssettag s2;
	_ =	strace s9  }
0x27: {  	s1 =	sld [smem:$0x3FAF]  }
0x28: {  	s2 =	sld [smem:$0x3FB0]  }
0x29: {  	s4 =	sld [smem:$0x3FB2]  }
0x2a: {  	p0 =	seq.s32 s5, $0x0;
	s5 =	sld [smem:$0x3FB3]  }
0x2b: {  	s6 =	sld [smem:$0x3FB4]  }
0x2c: {  	s7 =	sld [smem:$0x3FB5]  }
0x2d: {  	s3 =	simm.s32 $0x108;
	s8 =	sld [smem:$0x3FB6]  }
0x2e: {  	s3 =	simm.s32 @!p0 $0x1082;
	s9 =	sld [smem:$0x3FB7]  }
0x2f: {  	lr =	sadd.s32 s0, s3;
	s0 =	sld [smem:$0x3FAE]  }
0x30: {  	s3 =	sld [smem:$0x3FB1]  }
0x31: {  	[smem:$0x3FBA] =	sst s10  }
0x32: {  	s10 =	sld [smem:$0x3FB8];
	_ =	sdelay $0x3  }
0x33: {  	p0 =	seq.s32 s10, $0x1;
	s10 =	sld [smem:$0x3FBA];
	_ =	sdelay $0x3  }
0x34: {  	[smem:$0x3FBA] =	sst s10  }
0x35: {  	s10 =	sld [smem:$0x3FB9];
	_ =	sdelay $0x3  }
0x36: {  	p1 =	seq.s32 s10, $0x1;
	s10 =	sld [smem:$0x3FBA];
	_ =	sdelay $0x3  }
0x37: {  	[smem:$0x3FBA] =	sst s10  }
0x38: {  	s10 =	sld [smem:$0x3FBB]  }
0x39: {  	_ = 	snop;
	(pc) =	sbr.ind lr, $3  }
0x3a: {  	_ = 	snop  }
0x3b: {  	_ = 	snop  }
0x3c: {  	p2 =	seq.s32 s10, $0x1;
	s10 =	sld [smem:$0x3FBA]  }
0x3d: {  	_ =	shalt  }
0x3e: {  	_ =	shalt  }
0x3f: {  	_ =	shalt  }
0x40: {  	_ =	shalt  }
0x41: {  	_ =	shalt  }
0x42: {  	_ =	shalt  }
0x43: {  	_ =	shalt  }
0x44: {  	_ =	shalt  }
0x45: {  	_ =	shalt  }
0x46: {  	_ =	shalt  }
0x47: {  	_ =	shalt  }
0x48: {  	_ =	shalt  }
0x49: {  	_ =	shalt  }
0x4a: {  	_ =	shalt  }
0x4b: {  	_ =	shalt  }
0x4c: {  	_ =	shalt  }
0x4d: {  	_ =	shalt  }
0x4e: {  	_ =	shalt  }
0x4f: {  	_ =	shalt  }
0x50: {  	_ =	shalt  }
0x51: {  	_ =	shalt  }
0x52: {  	_ =	shalt  }
0x53: {  	_ =	shalt  }
0x54: {  	_ =	shalt  }
0x55: {  	_ =	shalt  }
0x56: {  	_ =	shalt  }
0x57: {  	_ =	shalt  }
0x58: {  	_ =	shalt  }
0x59: {  	_ =	shalt  }
0x5a: {  	_ =	shalt  }
0x5b: {  	_ =	shalt  }
0x5c: {  	_ =	shalt  }
0x5d: {  	_ =	shalt  }
0x5e: {  	_ =	shalt  }
0x5f: {  	_ =	shalt  }
0x60: {  	_ =	shalt  }
0x61: {  	_ =	shalt  }
0x62: {  	_ =	shalt  }
0x63: {  	_ =	shalt  }
0x64: {  	_ =	shalt  }
0x65: {  	_ =	shalt  }
0x66: {  	_ =	shalt  }
0x67: {  	_ =	shalt  }
0x68: {  	_ =	shalt  }
0x69: {  	_ =	shalt  }
0x6a: {  	_ =	shalt  }
0x6b: {  	_ =	shalt  }
0x6c: {  	_ =	shalt  }
0x6d: {  	_ =	shalt  }
0x6e: {  	_ =	shalt  }
0x6f: {  	_ =	shalt  }
0x70: {  	_ =	shalt  }
0x71: {  	_ =	shalt  }
0x72: {  	_ =	shalt  }
0x73: {  	_ =	shalt  }
0x74: {  	_ =	shalt  }
0x75: {  	_ =	shalt  }
0x76: {  	_ =	shalt  }
0x77: {  	_ =	shalt  }
0x78: {  	_ =	shalt  }
0x79: {  	_ =	shalt  }
0x7a: {  	_ =	shalt  }
0x7b: {  	_ =	shalt  }
0x7c: {  	_ =	shalt  }
0x7d: {  	_ =	shalt  }
0x7e: {  	_ =	shalt  }
0x7f: {  	_ =	shalt  }
0x80: {  	_ =	shalt  }
0x81: {  	_ =	shalt  }
0x82: {  	_ =	shalt  }
0x83: {  	_ =	shalt  }
0x84: {  	_ =	shalt  }
0x85: {  	_ =	shalt  }
0x86: {  	_ =	shalt  }
0x87: {  	_ =	shalt  }
.Lfunc_end0:
.L_simem_size_0:
called_computation_lowered:
.L_overlay_start_0:
0x88: {  	s2 =	sld [smem:$0x3FD9]  }
0x89: {  	s3 =	sld [smem:$0x3FFE];
	_ =	sdelay $0x1  }
0x8a: {  	s1 =	srdreg.scid  }
0x8b: {  	s0 =	sand.u32 $0x1, s1  }
0x8c: {  	s18 =	sshll.u32 s0, $0xA;
	s2 =	sadd.s32 s3, s2  }
0x8d: {  	s2 =	sadd.s32 s2, s18  }
0x8e: {  	[smem:$0x3FC6] =	sst s2  }
0x8f: {  	_ = 	snop  }
0x90: {  	s2 =	sld [smem:$0x3FC9]  }
0x91: {  	s19 =	sld [smem:$0x3FC8]  }
0x92: {  	s4 =	sld [smem:$0x3FD0];
	(tm) =	ssettm $0x1  }
0x93: {  	s5 =	sld [smem:$0x3FFB];
	_ =	sdelay $0x3  }
0x94: {  	_ =	strace s5  }
0x95: {  	s5 =	sld [smem:$0x3FFC];
	_ =	sdelay $0x3  }
0x96: {  	_ =	strace s5  }
0x97: {  	s5 =	sld [smem:$0x3FFD];
	_ =	sdelay $0x3  }
0x98: {  	_ =	strace s5  }
0x99: {  	_ =	strace $0x8FFFFFFF  }
0x9a: {  	s20 =	sld [smem:$0x3FDB];
	_ =	sdelay $0x1  }
0x9b: {  	s6 =	simm.s32 $_scs_section_size  }
0x9c: {  	s7 =	simm.s32 $_size__tile_overlayer_lowered;
	s8 =	simm.s32 $_tile_overlayer_lowered  }
0x9d: {  	s23 =	simm.s32 $0x1BFF;
	s22 =	sshll.u32 s8, $0x1;
	s5 =	sadd.s32 s6, s20  }
0x9e: {  	s9 =	simm.s32 $0x0;
	s21 =	sshll.u32 s7, $0x1;
	s7 =	sadd.s32 s22, s5  }
0x9f: {  	[timem:s9], [sflag:s23] =	dma.local [hbm:s7], s21  }
0xa0: {  	_ =	swait.ge [sflag:s23], s21  }
0xa1: {  	s6 =	ssub.s32 $0x0, s21;
	[sflag:s23] =	ssyncset.done $0x0  }
0xa2: {  	[sflag:s23] =	ssyncadd.s32 s6;
	_ =	sdelay $0x1  }
0xa3: {  	s24 =	simm.s32 $0x1B8B  }
0xa4: {  	_ =	swait.ge [sflag:s24], $0x1  }
0xa5: {  	[sflag:s24] =	ssyncset.done $0x0  }
0xa6: {  	s25 =	simm.s32 $0x1B8E;
	[sflag:s24] =	ssyncadd.s32 $0xFFFFFFFF  }
0xa7: {  	s26 =	simm.s32 $execute0_lowered;
	[smem:$0x3FD2] =	sst s25  }
0xa8: {  	s6 =	sshll.u32 s26, $0x1;
	_ =	strace $0x80000046;
	[dreg:$0x1] =	wrdreg $0xFFFFFFFF  }
0xa9: {  	s28 =	simm.s32 $_size_execute0_lowered;
	s5 =	sadd.s32 s5, s6;
	[dreg:$0x0] =	wrdreg $0x0  }
0xaa: {  	s6 =	sshll.u32 s28, $0x1;
	[dreg:$0x2] =	wrdreg s5  }
0xab: {  	[dreg:$0x3] =	wrdreg s6  }
0xac: {  	[dreg:$0x4] =	wrdreg $0xC0  }
0xad: {  	_ =	task [dreg:s9], $0x5FFFF  }
0xae: {  	[dreg:$0x1] =	wrdreg $0xFFFFFFFF  }
0xaf: {  	[dreg:$0x0] =	wrdreg $0x60  }
0xb0: {  	[dreg:$0x2] =	wrdreg s2  }
0xb1: {  	[dreg:$0x3] =	wrdreg s19  }
0xb2: {  	[dreg:$0x4] =	wrdreg s4  }
0xb3: {  	[dreg:$0x5] =	wrdreg $0x9  }
0xb4: {  	_ =	task.clear_ibuf [dreg:s9], $0x6FFFF;
	_ =	strace $0x90000046  }
0xb5: {  	s29 =	simm.s32 $0x9;
	_ =	strace $0x80000048  }
0xb6: {  	_ =	swait.ge [sflag:s29], $0x1  }
0xb7: {  	[sflag:s29] =	ssyncadd.s32 $0xFFFFFFFF  }
0xb8: {  	_ =	strace $0x90000048  }
0xb9: {  	_ =	sfence  }
0xba: {  	s30 =	sld [smem:$0x0];
	_ =	sdelay $0x2  }
0xbb: {  	s31 =	sshll.u32 s1, $0xD;
	s1 =	sshrl.u32 s1, $0x2  }
0xbc: {  	s3 =	sand.u32 $0x4000, s31;
	s1 =	sadd.s32 s1, s30  }
0xbd: {  	s0 =	sor.u32 s3, s0;
	s1 =	sshll.u32 s1, $0x11  }
0xbe: {  	s0 =	sor.u32 s1, s0  }
0xbf: {  	s0 =	sadd.s32 $0x8F2B, s0  }
0xc0: {  	[sflag:s0] =	ssyncadd.remote.s32 $0x1  }
0xc1: {  	_ =	sfence.sel $0xFFFF  }
0xc2: {  	[dreg:$0x0] =	wrdreg $0xFFFFFFFF;
	(pc) =	sbr.abs _section_cstart, $3  }
0xc3: {  	[dreg:$0x1] =	wrdreg $0xFFFFFFFF  }
0xc4: {  	_ =	task.clear_ibuf [dreg:s9], $0x2FFFF;
	_ =	strace $0x9FFFFFFF  }
0xc5: {  	(tm) =	ssettm $0x7FFFFFFF  }
tec
execute0_lowered:
.L_overlay_start_1:
0x0: {  	(tag) =	ssettag $0x1  }
0x1: {  	s1 =	rddreg [dreg:$0x0]  }
0x2: {  	s7 =	rddreg [dreg:$0x1];
	s0 =	srdreg.scid  }
0x3: {  	s2 =	stileid.u32;
	s4 =	rddreg [dreg:$0x2]  }
0x4: {  	s5 =	simm.s32 $0x0;
	s9 =	simm.s32 $0x5;
	s11 =	simm.s32 $0x6  }
0x5: {  	s29 =	simm.s32 $0x1;
	s30 =	simm.s32 $0x10;
	s31 =	simm.s32 $0x20  }
0x6: {  	s20 =	simm.s32 $0x4010;
	s10 =	simm.s32 $0x3;
	s12 =	simm.s32 $0x4  }
0x7: {  	s13 =	simm.s32 $0x0;
	s0 =	sand.u32 $0x1, s0;
	s2 =	sshll.u32 s2, $0x1  }
0x8: {  	[smem:$0x7FF] =	sst s5;
	s2 =	sor.u32 s0, s2;
	s0 =	ssub.s32 $0x2, s0  }
0x9: {  	s26 =	sadd.s32 $0x980, s7;
	s6 =	smul.u32 $0x1900, s2;
	s21 =	sshrl.u32 s0, $0x1  }
0xa: {  	_ =	strace $0x80000047;
	[dreg:$0xa] =	wrdreg s26;
	s0 =	ssub.s32 s0, s21  }
0xb: {  	s21 =	simm.s32 $0x4020;
	s22 =	sshrl.u32 s6, $0x3;
	s28 =	sadd.s32 $0x460, s6  }
0xc: {  	s18 =	sadd.s32 $0x140, s6;
	s0 =	smax.u32 s0, $0x1;
	[dreg:$0xc] =	wrdreg s28  }
0xd: {  	s24 =	sadd.s32 $0x1E0, s6;
	s15 =	sor.u32 $0xA0, s6;
	[dreg:$0xd] =	wrdreg s0  }
0xe: {  	s16 =	sadd.s32 $0x320, s6;
	s17 =	sadd.s32 $0x3C0, s6;
	[dreg:$0x5] =	wrdreg s18  }
0xf: {  	s2 =	sadd.s32 s1, s22;
	s3 =	sshrl.u32 s24, $0x3;
	[dreg:$0x6] =	wrdreg s24  }
.Ltmp0:
0x10: {  	[dreg:$0x4] =	wrdreg s2;
	s2 =	sadd.s32 $0x14, s2;
	(pc) =	sbr.rel .LBB2_1-.Ltmp0, $4  }
0x11: {  	s23 =	sshrl.u32 s18, $0x3;
	s25 =	sadd.s32 s1, s3;
	[dreg:$0x7] =	wrdreg s2  }
0x12: {  	s0 =	simm.s32 $0x4000;
	s2 =	sadd.s32 s1, s23;
	[dreg:$0x9] =	wrdreg s25  }
0x13: {  	s22 =	simm.s32 $0x4030;
	s25 =	sadd.s32 $0x280, s6;
	[dreg:$0x8] =	wrdreg s2  }
0x14: {  	v0 =	vlaneseq.u32;
	s3 =	simm.s32 $0x2;
	s2 =	simm.s32 $0x30;
	[dreg:$0xb] =	wrdreg s25  }
.LBB2_24:
0x15: {  	s9 =	simm.s32 $0x5  }
0x16: {  	_ =	swait.ge [sflag:s9], $0x5000  }
0x17: {  	[sflag:s9] =	ssyncset.done $0x0  }
0x18: {  	s11 =	simm.s32 $0x6;
	[sflag:s9] =	ssyncadd.s32 $0xFFFFB000  }
0x19: {  	_ =	swait.ge [sflag:s11], $0x5000  }
0x1a: {  	[sflag:s11] =	ssyncset.done $0x0  }
0x1b: {  	s7 =	simm.s32 $0x7;
	[sflag:s11] =	ssyncadd.s32 $0xFFFFB000  }
0x1c: {  	_ =	swait.ge [sflag:s7], $0x5000  }
0x1d: {  	[sflag:s7] =	ssyncset.done $0x0  }
0x1e: {  	s8 =	simm.s32 $0x8;
	[sflag:s7] =	ssyncadd.s32 $0xFFFFB000  }
0x1f: {  	_ =	swait.ge [sflag:s8], $0x5000  }
0x20: {  	s13 =	rddreg [dreg:$0xe]  }
0x21: {  	s28 =	rddreg [dreg:$0xd];
	s13 =	sadd.s32 $0x1, s13  }
0x22: {  	p0 =	sne.s32 s13, s28  }
.Ltmp1:
0x23: {  	_ = 	snop;
	(pc) =	sbr.rel @!p0 .LBB2_25-.Ltmp1, $3  }
0x24: {  	_ =	sdelay $0x1  }
0x25: {  	[sflag:s8] =	ssyncset.done $0x0  }
0x26: {  	[sflag:s8] =	ssyncadd.s32 $0xFFFFB000  }
.LBB2_1:
0x27: {  	[dreg:$0xe] =	wrdreg s13  }
0x28: {  	s7 =	rddreg [dreg:$0x4];
	s8 =	simm.s32 $0x8000  }
0x29: {  	[tilespmem:s8], [sflag:$0x1] =	stream.linear.gather [hbm4b:s7+s5], $0xA0, $0x38;
	[tilespmem:$0x1C400] =	vst v63  }
0x2a: {  	s26 =	rddreg [dreg:$0x7];
	s28 =	simm.s32 $0x8100  }
0x2b: {  	[tilespmem:s28], [sflag:$0x2] =	stream.linear.gather [hbm4b:s26+s5], $0xA0, $0x38;
	[tilespmem:$0x1C400] =	vst v63  }
0x2c: {  	s13 =	rddreg [dreg:$0x8];
	s14 =	simm.s32 $0x8200  }
0x2d: {  	[tilespmem:s14], [sflag:$0x3] =	stream.linear.gather [hbm4b:s13+s5], $0xA0, $0x38;
	[tilespmem:$0x1C400] =	vst v63  }
0x2e: {  	s18 =	rddreg [dreg:$0x9];
	s19 =	simm.s32 $0x8300  }
0x2f: {  	[tilespmem:s19], [sflag:$0x4] =	stream.linear.gather [hbm4b:s18+s5], $0xA0, $0x38;
	[tilespmem:$0x1C400] =	vst v63  }
0x30: {  	s23 =	rddreg [dreg:$0x1];
	s24 =	simm.s32 $0x8400  }
0x31: {  	[tilespmem:s24], [sflag:$0x5] =	stream.linear.gather [hbm4b:s23+s5], $0x5000, $0x38;
	[tilespmem:$0x1C400] =	vst v63  }
0x32: {  	s25 =	rddreg [dreg:$0xa];
	s26 =	simm.s32 $0xD400  }
0x33: {  	[tilespmem:s26], [sflag:$0x6] =	stream.linear.gather [hbm4b:s25+s5], $0x3400, $0x38;
	[tilespmem:$0x1C400] =	vst v63  }
0x34: {  	_ =	swait.ge [sflag:s9], $0x5000  }
0x35: {  	[sflag:s9] =	ssyncset.done $0x0  }
0x36: {  	[sflag:s9] =	ssyncadd.s32 $0xFFFFB000  }
0x37: {  	_ =	swait.ge [sflag:s11], $0x3400  }
0x38: {  	[sflag:s11] =	ssyncset.done $0x0  }
0x39: {  	s28 =	simm.s32 $0x8480;
	[sflag:s11] =	ssyncadd.s32 $0xFFFFCC00  }
0x3a: {  	v1 =	vld [tilespmem:s28+$0xFFFFFF80]  }
0x3b: {  	v2 =	vld [tilespmem:s28+$0xFFFFFFC0]  }
0x3c: {  	v3 =	vld [tilespmem:s28+$0x0]  }
0x3d: {  	v4 =	vld [tilespmem:s28+$0x40];
	_ =	sdelay $0x4  }
0x3e: {  	v3 =	vsub.f32 v3, v1;
	v4 =	vsub.f32 v4, v2  }
0x3f: {  	s7 =	simm.s32 $0x0;
	v1 =	vpack.i.f32.bf16 v2, v1  }
0x40: {  	[tilespmem:s7+$0x0] =	vst v1;
	v1 =	vpack.i.f32.bf16 v4, v3  }
0x41: {  	[tilespmem:s7+$0x4000] =	vst v1  }
0x42: {  	v1 =	vld [tilespmem:s28+$0xFFFFFF90]  }
0x43: {  	v2 =	vld [tilespmem:s28+$0xFFFFFFD0]  }
0x44: {  	v3 =	vld [tilespmem:s28+$0x10]  }
0x45: {  	s19 =	simm.s32 $0x8500;
	v4 =	vld [tilespmem:s28+$0x50]  }
0x46: {  	v5 =	vld [tilespmem:s19+$0xFFFFFF80]  }
0x47: {  	v6 =	vld [tilespmem:s19+$0xFFFFFFC0]  }
0x48: {  	v7 =	vld [tilespmem:s19+$0x0]  }
0x49: {  	v8 =	vld [tilespmem:s19+$0x40]  }
0x4a: {  	v3 =	vsub.f32 v3, v1;
	v4 =	vsub.f32 v4, v2  }
0x4b: {  	v1 =	vpack.i.f32.bf16 v2, v1  }
0x4c: {  	[tilespmem:s7+$0x10] =	vst v1;
	v1 =	vpack.i.f32.bf16 v4, v3  }
0x4d: {  	[tilespmem:s7+$0x4010] =	vst v1  }
0x4e: {  	v2 =	vsub.f32 v8, v6;
	v1 =	vsub.f32 v7, v5;
	v3 =	vld [tilespmem:s28+$0xFFFFFFA0]  }
0x4f: {  	s11 =	simm.s32 $0x40;
	v4 =	vpack.i.f32.bf16 v6, v5;
	v5 =	vld [tilespmem:s28+$0xFFFFFFE0]  }
0x50: {  	[tilespmem:s11+$0x0] =	vst v4;
	v1 =	vpack.i.f32.bf16 v2, v1;
	v2 =	vld [tilespmem:s28+$0x20]  }
0x51: {  	[tilespmem:s11+$0x4000] =	vst v1;
	v1 =	vld [tilespmem:s28+$0x60]  }
0x52: {  	v4 =	vld [tilespmem:s19+$0xFFFFFF90]  }
0x53: {  	v6 =	vld [tilespmem:s19+$0xFFFFFFD0]  }
0x54: {  	v7 =	vld [tilespmem:s19+$0x10]  }
0x55: {  	s8 =	simm.s32 $0x8580;
	v8 =	vld [tilespmem:s19+$0x50]  }
0x56: {  	v9 =	vld [tilespmem:s8+$0xFFFFFF80];
	v2 =	vsub.f32 v2, v3;
	v1 =	vsub.f32 v1, v5  }
0x57: {  	v10 =	vld [tilespmem:s8+$0xFFFFFFC0];
	v3 =	vpack.i.f32.bf16 v5, v3  }
0x58: {  	v5 =	vld [tilespmem:s8+$0x0];
	[tilespmem:s7+$0x20] =	vst v3;
	v1 =	vpack.i.f32.bf16 v1, v2  }
0x59: {  	v2 =	vld [tilespmem:s8+$0x40];
	[tilespmem:s7+$0x4020] =	vst v1  }
0x5a: {  	v3 =	vsub.f32 v8, v6;
	v1 =	vsub.f32 v7, v4;
	v7 =	vld [tilespmem:s28+$0xFFFFFFB0]  }
0x5b: {  	v4 =	vpack.i.f32.bf16 v6, v4;
	v8 =	vld [tilespmem:s28+$0xFFFFFFF0]  }
0x5c: {  	[tilespmem:s11+$0x10] =	vst v4;
	v11 =	vld [tilespmem:s28+$0x30];
	v1 =	vpack.i.f32.bf16 v3, v1  }
0x5d: {  	v12 =	vld [tilespmem:s28+$0x70];
	[tilespmem:s11+$0x4010] =	vst v1  }
0x5e: {  	v3 =	vsub.f32 v5, v9;
	v4 =	vsub.f32 v2, v10;
	v1 =	vld [tilespmem:s19+$0xFFFFFFA0]  }
0x5f: {  	s18 =	simm.s32 $0x80;
	v5 =	vpack.i.f32.bf16 v10, v9;
	v2 =	vld [tilespmem:s19+$0xFFFFFFE0]  }
0x60: {  	[tilespmem:s18+$0x0] =	vst v5;
	v6 =	vld [tilespmem:s19+$0x60];
	v4 =	vpack.i.f32.bf16 v4, v3  }
0x61: {  	v3 =	vld [tilespmem:s19+$0x20];
	v5 =	vpack.i.f32.bf16 v8, v7;
	[tilespmem:s18+$0x4000] =	vst v4  }
0x62: {  	s13 =	simm.s32 $0x8580;
	s9 =	simm.s32 $0x300;
	[tilespmem:s7+$0x30] =	vst v5;
	v5 =	vsub.f32 v11, v7;
	v7 =	vsub.f32 v12, v8;
	v4 =	vld [tilespmem:s8+$0xFFFFFF90]  }
.LBB2_2:
0x63: {  	p0 =	sne.s32 s9, $0x9E00;
	v8 =	vld [tilespmem:s8+$0xFFFFFFD0]  }
0x64: {  	v9 =	vld [tilespmem:s8+$0x10];
	v5 =	vpack.i.f32.bf16 v7, v5  }
0x65: {  	s8 =	sadd.s32 $0x80, s8;
	v7 =	vld [tilespmem:s13+$0x50];
	[tilespmem:s7+$0x4030] =	vst v5;
	s7 =	smov.u32 s11;
	s11 =	smov.u32 s18  }
0x66: {  	v3 =	vsub.f32 v3, v1;
	v5 =	vld [tilespmem:s8+$0xFFFFFF80];
	v6 =	vsub.f32 v6, v2  }
0x67: {  	v1 =	vpack.i.f32.bf16 v2, v1;
	v10 =	vld [tilespmem:s8+$0xFFFFFFC0]  }
0x68: {  	v2 =	vld [tilespmem:s8+$0x0];
	[tilespmem:s7+$0x20] =	vst v1;
	v1 =	vpack.i.f32.bf16 v6, v3  }
0x69: {  	v3 =	vld [tilespmem:s8+$0x40];
	[tilespmem:s7+$0x4020] =	vst v1  }
0x6a: {  	v1 =	vsub.f32 v9, v4;
	v6 =	vsub.f32 v7, v8;
	v7 =	vld [tilespmem:s19+$0xFFFFFFB0]  }
0x6b: {  	v4 =	vpack.i.f32.bf16 v8, v4;
	v8 =	vld [tilespmem:s19+$0xFFFFFFF0]  }
0x6c: {  	[tilespmem:s11+$0x10] =	vst v4;
	v1 =	vpack.i.f32.bf16 v6, v1;
	v9 =	vld [tilespmem:s19+$0x30]  }
0x6d: {  	[tilespmem:s11+$0x4010] =	vst v1;
	v11 =	vld [tilespmem:s19+$0x70];
	s19 =	smov.u32 s13;
	s13 =	smov.u32 s8  }
.Ltmp2:
0x6e: {  	v4 =	vsub.f32 v2, v5;
	v3 =	vsub.f32 v3, v10;
	v1 =	vld [tilespmem:s19+$0xFFFFFFA0];
	(pc) =	sbr.rel @p0 .LBB2_2-.Ltmp2, $4  }
0x6f: {  	s18 =	sshra.s32 s9, $0x2;
	v5 =	vpack.i.f32.bf16 v10, v5;
	v2 =	vld [tilespmem:s19+$0xFFFFFFE0]  }
0x70: {  	[tilespmem:s18+$0x0] =	vst v5;
	v4 =	vpack.i.f32.bf16 v3, v4;
	v3 =	vld [tilespmem:s19+$0x20];
	v5 =	vpack.i.f32.bf16 v8, v7  }
0x71: {  	[tilespmem:s18+$0x4000] =	vst v4;
	v6 =	vld [tilespmem:s19+$0x60]  }
0x72: {  	s9 =	sadd.s32 $0x100, s9;
	v4 =	vld [tilespmem:s8+$0xFFFFFF90];
	[tilespmem:s7+$0x30] =	vst v5;
	v5 =	vsub.f32 v9, v7;
	v7 =	vsub.f32 v11, v8  }
0x73: {  	v8 =	vld [tilespmem:s8+$0xFFFFFFD0]  }
0x74: {  	v9 =	vld [tilespmem:s8+$0x10]  }
0x75: {  	v10 =	vld [tilespmem:s13+$0x50];
	_ =	sdelay $0x4  }
0x76: {  	v9 =	vsub.f32 v9, v4;
	v10 =	vsub.f32 v10, v8  }
0x77: {  	v4 =	vpack.i.f32.bf16 v8, v4  }
0x78: {  	[tilespmem:s18+$0x10] =	vst v4;
	v4 =	vpack.i.f32.bf16 v10, v9  }
0x79: {  	[tilespmem:s18+$0x4010] =	vst v4  }
0x7a: {  	v4 =	vld [tilespmem:s13+$0xFFFFFFA0]  }
0x7b: {  	v8 =	vld [tilespmem:s13+$0xFFFFFFE0]  }
0x7c: {  	v9 =	vld [tilespmem:s13+$0x20]  }
0x7d: {  	v10 =	vld [tilespmem:s13+$0x60]  }
0x7e: {  	v3 =	vsub.f32 v3, v1;
	v6 =	vsub.f32 v6, v2  }
0x7f: {  	v1 =	vpack.i.f32.bf16 v2, v1  }
0x80: {  	[tilespmem:s11+$0x20] =	vst v1;
	v1 =	vpack.i.f32.bf16 v6, v3  }
0x81: {  	[tilespmem:s11+$0x4020] =	vst v1  }
0x82: {  	v1 =	vld [tilespmem:s19+$0xFFFFFFB0];
	v2 =	vsub.f32 v9, v4;
	v3 =	vsub.f32 v10, v8  }
0x83: {  	v6 =	vld [tilespmem:s19+$0xFFFFFFF0];
	v4 =	vpack.i.f32.bf16 v8, v4  }
0x84: {  	v8 =	vld [tilespmem:s19+$0x30];
	[tilespmem:s18+$0x20] =	vst v4;
	v2 =	vpack.i.f32.bf16 v3, v2  }
0x85: {  	v3 =	vld [tilespmem:s19+$0x70];
	[tilespmem:s18+$0x4020] =	vst v2  }
0x86: {  	v2 =	vld [tilespmem:s13+$0xFFFFFFB0]  }
0x87: {  	v4 =	vld [tilespmem:s13+$0xFFFFFFF0]  }
0x88: {  	v9 =	vld [tilespmem:s13+$0x30]  }
0x89: {  	v10 =	vld [tilespmem:s13+$0x70];
	_ =	sdelay $0x2  }
0x8a: {  	v5 =	vpack.i.f32.bf16 v7, v5;
	v7 =	vsub.f32 v8, v1;
	v3 =	vsub.f32 v3, v6  }
0x8b: {  	[tilespmem:s7+$0x4030] =	vst v5;
	v1 =	vpack.i.f32.bf16 v6, v1  }
0x8c: {  	[tilespmem:s11+$0x30] =	vst v1;
	v1 =	vpack.i.f32.bf16 v3, v7;
	v3 =	vsub.f32 v9, v2;
	v5 =	vsub.f32 v10, v4  }
0x8d: {  	[tilespmem:s11+$0x4030] =	vst v1;
	v1 =	vpack.i.f32.bf16 v4, v2  }
0x8e: {  	[tilespmem:s18+$0x30] =	vst v1;
	v1 =	vpack.i.f32.bf16 v5, v3  }
0x8f: {  	s9 =	simm.s32 $0xD7F0;
	s13 =	simm.s32 $0x9F;
	[tilespmem:s18+$0x4030] =	vst v1  }
0x90: {  	s7 =	smin.u32 s13, $0xFE;
	v1 =	vld [tilespmem:s9+$0xFFFFFF90]  }
0x91: {  	s14 =	sshll.u32 s7, $0x7;
	v2 =	vld [tilespmem:s9+$0xFFFFFFD0]  }
0x92: {  	v3 =	vld [tilespmem:s14+$0x8880]  }
0x93: {  	v4 =	vld [tilespmem:s14+$0x88C0];
	_ =	sdelay $0x4  }
0x94: {  	v3 =	vsub.f32 v3, v1;
	v4 =	vsub.f32 v4, v2  }
0x95: {  	s11 =	simm.s32 $0x27F0;
	v1 =	vpack.i.f32.bf16 v2, v1  }
0x96: {  	s7 =	simm.s32 $0x67F0;
	[tilespmem:s11+$0xFFFFFFD0] =	vst v1;
	v1 =	vpack.i.f32.bf16 v4, v3  }
0x97: {  	[tilespmem:s7+$0xFFFFFFD0] =	vst v1  }
0x98: {  	v1 =	vld [tilespmem:s9+$0xFFFFFFA0]  }
0x99: {  	v2 =	vld [tilespmem:s9+$0xFFFFFFE0]  }
0x9a: {  	v3 =	vld [tilespmem:s14+$0x8890]  }
0x9b: {  	s24 =	simm.s32 $0xA0;
	s26 =	simm.s32 $0xD870;
	v4 =	vld [tilespmem:s14+$0x88D0]  }
0x9c: {  	s13 =	smin.u32 s24, $0xFE;
	v5 =	vld [tilespmem:s26+$0xFFFFFF90]  }
0x9d: {  	s23 =	sshll.u32 s13, $0x7;
	v6 =	vld [tilespmem:s26+$0xFFFFFFD0]  }
0x9e: {  	v7 =	vld [tilespmem:s23+$0x8880]  }
0x9f: {  	v8 =	vld [tilespmem:s23+$0x88C0]  }
0xa0: {  	v3 =	vsub.f32 v3, v1;
	v4 =	vsub.f32 v4, v2  }
0xa1: {  	v1 =	vpack.i.f32.bf16 v2, v1  }
0xa2: {  	[tilespmem:s11+$0xFFFFFFE0] =	vst v1;
	v1 =	vpack.i.f32.bf16 v4, v3  }
0xa3: {  	[tilespmem:s7+$0xFFFFFFE0] =	vst v1  }
0xa4: {  	v2 =	vsub.f32 v8, v6;
	v1 =	vsub.f32 v7, v5;
	v3 =	vld [tilespmem:s9+$0xFFFFFFB0]  }
0xa5: {  	s19 =	simm.s32 $0x2830;
	v4 =	vpack.i.f32.bf16 v6, v5;
	v5 =	vld [tilespmem:s9+$0xFFFFFFF0]  }
0xa6: {  	s28 =	simm.s32 $0x6830;
	[tilespmem:s19+$0xFFFFFFD0] =	vst v4;
	v1 =	vpack.i.f32.bf16 v2, v1;
	v2 =	vld [tilespmem:s14+$0x88A0]  }
0xa7: {  	[tilespmem:s28+$0xFFFFFFD0] =	vst v1;
	v1 =	vld [tilespmem:s14+$0x88E0]  }
0xa8: {  	v4 =	vld [tilespmem:s26+$0xFFFFFFA0]  }
0xa9: {  	v6 =	vld [tilespmem:s26+$0xFFFFFFE0]  }
0xaa: {  	v7 =	vld [tilespmem:s23+$0x8890]  }
0xab: {  	s25 =	simm.s32 $0xA1;
	s18 =	simm.s32 $0xD8F0;
	v8 =	vld [tilespmem:s23+$0x88D0]  }
0xac: {  	s13 =	smin.u32 s25, $0xFE;
	v9 =	vld [tilespmem:s18+$0xFFFFFF90];
	v2 =	vsub.f32 v2, v3;
	v1 =	vsub.f32 v1, v5  }
0xad: {  	s13 =	sshll.u32 s13, $0x7;
	v10 =	vld [tilespmem:s18+$0xFFFFFFD0];
	v3 =	vpack.i.f32.bf16 v5, v3  }
0xae: {  	v11 =	vld [tilespmem:s13+$0x88C0];
	[tilespmem:s11+$0xFFFFFFF0] =	vst v3;
	v1 =	vpack.i.f32.bf16 v1, v2  }
0xaf: {  	v5 =	vld [tilespmem:s13+$0x8880];
	[tilespmem:s7+$0xFFFFFFF0] =	vst v1  }
0xb0: {  	v3 =	vsub.f32 v7, v4;
	v7 =	vsub.f32 v8, v6;
	v1 =	vld [tilespmem:s9+$0xFFFFFFC0]  }
0xb1: {  	v4 =	vpack.i.f32.bf16 v6, v4;
	v2 =	vld [tilespmem:s9+$0x0]  }
0xb2: {  	[tilespmem:s19+$0xFFFFFFE0] =	vst v4;
	v4 =	vpack.i.f32.bf16 v7, v3;
	v3 =	vld [tilespmem:s14+$0x88B0]  }
0xb3: {  	[tilespmem:s28+$0xFFFFFFE0] =	vst v4;
	v4 =	vld [tilespmem:s14+$0x88F0]  }
0xb4: {  	v8 =	vsub.f32 v11, v10;
	v7 =	vsub.f32 v5, v9;
	v5 =	vld [tilespmem:s26+$0xFFFFFFB0]  }
0xb5: {  	s24 =	simm.s32 $0x2870;
	v9 =	vpack.i.f32.bf16 v10, v9;
	v6 =	vld [tilespmem:s26+$0xFFFFFFF0]  }
0xb6: {  	s8 =	simm.s32 $0xD8F0;
	s25 =	simm.s32 $0x6870;
	s9 =	simm.s32 $0xA2;
	[tilespmem:s24+$0xFFFFFFD0] =	vst v9;
	v8 =	vpack.i.f32.bf16 v8, v7;
	v7 =	vld [tilespmem:s23+$0x88A0]  }
.LBB2_4:
0xb7: {  	p0 =	sne.s32 s9, $0xFF;
	[tilespmem:s25+$0xFFFFFFD0] =	vst v8;
	v8 =	vld [tilespmem:s23+$0x88E0]  }
0xb8: {  	v3 =	vsub.f32 v3, v1;
	v9 =	vld [tilespmem:s18+$0xFFFFFFA0];
	v4 =	vsub.f32 v4, v2  }
0xb9: {  	v1 =	vpack.i.f32.bf16 v2, v1;
	v10 =	vld [tilespmem:s18+$0xFFFFFFE0]  }
0xba: {  	v2 =	vld [tilespmem:s13+$0x8890];
	[tilespmem:s11+$0x0] =	vst v1;
	v1 =	vpack.i.f32.bf16 v4, v3;
	s11 =	smov.u32 s19;
	s19 =	smov.u32 s24  }
0xbb: {  	s18 =	sadd.s32 $0x80, s18;
	v3 =	vld [tilespmem:s13+$0x88D0];
	[tilespmem:s7+$0x0] =	vst v1;
	s7 =	smov.u32 s28  }
0xbc: {  	s14 =	smin.u32 s9, $0xFE;
	v1 =	vsub.f32 v7, v5;
	s28 =	smov.u32 s25;
	v11 =	vld [tilespmem:s18+$0xFFFFFF90];
	v4 =	vsub.f32 v8, v6  }
0xbd: {  	s14 =	sshll.u32 s14, $0x7;
	v5 =	vpack.i.f32.bf16 v6, v5;
	v7 =	vld [tilespmem:s18+$0xFFFFFFD0]  }
0xbe: {  	v6 =	vld [tilespmem:s14+$0x8880];
	[tilespmem:s11+$0xFFFFFFF0] =	vst v5;
	v1 =	vpack.i.f32.bf16 v4, v1  }
0xbf: {  	v5 =	vld [tilespmem:s14+$0x88C0];
	[tilespmem:s7+$0xFFFFFFF0] =	vst v1  }
0xc0: {  	v4 =	vsub.f32 v2, v9;
	v3 =	vsub.f32 v3, v10;
	v1 =	vld [tilespmem:s26+$0xFFFFFFC0]  }
0xc1: {  	v8 =	vpack.i.f32.bf16 v10, v9;
	v2 =	vld [tilespmem:s26+$0x0];
	s26 =	smov.u32 s8;
	s8 =	smov.u32 s18  }
.Ltmp3:
0xc2: {  	[tilespmem:s24+$0xFFFFFFE0] =	vst v8;
	v4 =	vpack.i.f32.bf16 v3, v4;
	v3 =	vld [tilespmem:s23+$0x88B0];
	(pc) =	sbr.rel @p0 .LBB2_4-.Ltmp3, $4  }
0xc3: {  	[tilespmem:s25+$0xFFFFFFE0] =	vst v4;
	v4 =	vld [tilespmem:s23+$0x88F0];
	s23 =	smov.u32 s13;
	s13 =	smov.u32 s14  }
0xc4: {  	v8 =	vsub.f32 v6, v11;
	v9 =	vsub.f32 v5, v7;
	v5 =	vld [tilespmem:s26+$0xFFFFFFB0]  }
0xc5: {  	s24 =	sadd.s32 $0x40, s24;
	v7 =	vpack.i.f32.bf16 v7, v11;
	v6 =	vld [tilespmem:s26+$0xFFFFFFF0]  }
0xc6: {  	s9 =	sadd.s32 $0x1, s9;
	s25 =	sadd.s32 $0x40, s25;
	[tilespmem:s24+$0xFFFFFFD0] =	vst v7;
	v8 =	vpack.i.f32.bf16 v9, v8;
	v7 =	vld [tilespmem:s23+$0x88A0]  }
0xc7: {  	[tilespmem:s25+$0xFFFFFFD0] =	vst v8  }
0xc8: {  	v8 =	vld [tilespmem:s18+$0xFFFFFFA0]  }
0xc9: {  	v9 =	vld [tilespmem:s18+$0xFFFFFFE0]  }
0xca: {  	v10 =	vld [tilespmem:s13+$0x8890]  }
0xcb: {  	v11 =	vld [tilespmem:s13+$0x88D0];
	_ =	sdelay $0x4  }
0xcc: {  	v10 =	vsub.f32 v10, v8;
	v11 =	vsub.f32 v11, v9  }
0xcd: {  	v8 =	vpack.i.f32.bf16 v9, v8  }
0xce: {  	[tilespmem:s24+$0xFFFFFFE0] =	vst v8;
	v51 =	vpack.i.f32.bf16 v11, v10  }
0xcf: {  	v52 =	vld [tilespmem:s23+$0x88E0];
	[tilespmem:s25+$0xFFFFFFE0] =	vst v51  }
0xd0: {  	v8 =	vld [tilespmem:s8+$0xFFFFFFB0]  }
0xd1: {  	v53 =	vld [tilespmem:s8+$0xFFFFFFF0]  }
0xd2: {  	v54 =	vld [tilespmem:s13+$0x88A0]  }
0xd3: {  	v12 =	vld [tilespmem:s13+$0x88E0]  }
0xd4: {  	v7 =	vsub.f32 v7, v5;
	v9 =	vsub.f32 v52, v6  }
0xd5: {  	v55 =	vpack.i.f32.bf16 v6, v5  }
0xd6: {  	[tilespmem:s19+$0xFFFFFFF0] =	vst v55;
	v56 =	vpack.i.f32.bf16 v9, v7  }
0xd7: {  	[tilespmem:s28+$0xFFFFFFF0] =	vst v56  }
0xd8: {  	v5 =	vld [tilespmem:s26+$0xFFFFFFC0];
	v57 =	vsub.f32 v54, v8;
	v58 =	vsub.f32 v12, v53  }
0xd9: {  	v59 =	vld [tilespmem:s26+$0x0];
	v8 =	vpack.i.f32.bf16 v53, v8  }
0xda: {  	v60 =	vld [tilespmem:s23+$0x88B0];
	[tilespmem:s24+$0xFFFFFFF0] =	vst v8;
	v6 =	vpack.i.f32.bf16 v58, v57  }
0xdb: {  	v61 =	vld [tilespmem:s23+$0x88F0];
	[tilespmem:s25+$0xFFFFFFF0] =	vst v6  }
0xdc: {  	v6 =	vld [tilespmem:s8+$0xFFFFFFC0]  }
0xdd: {  	v8 =	vld [tilespmem:s8+$0x0]  }
0xde: {  	v62 =	vld [tilespmem:s13+$0x88B0]  }
0xdf: {  	v63 =	vld [tilespmem:s13+$0x88F0]  }
0xe0: {  	v3 =	vsub.f32 v3, v1;
	v4 =	vsub.f32 v4, v2  }
0xe1: {  	v1 =	vpack.i.f32.bf16 v2, v1  }
0xe2: {  	[tilespmem:s11+$0x0] =	vst v1;
	v1 =	vpack.i.f32.bf16 v4, v3;
	v2 =	vsub.f32 v60, v5;
	v3 =	vsub.f32 v61, v59  }
0xe3: {  	[tilespmem:s7+$0x0] =	vst v1;
	v1 =	vpack.i.f32.bf16 v59, v5  }
0xe4: {  	[tilespmem:s19+$0x0] =	vst v1;
	v1 =	vpack.i.f32.bf16 v3, v2;
	v2 =	vsub.f32 v62, v6;
	v3 =	vsub.f32 v63, v8  }
0xe5: {  	[tilespmem:s28+$0x0] =	vst v1;
	v1 =	vpack.i.f32.bf16 v8, v6  }
0xe6: {  	[tilespmem:s24+$0x0] =	vst v1;
	v1 =	vpack.i.f32.bf16 v3, v2  }
0xe7: {  	[tilespmem:s25+$0x0] =	vst v1  }
0xe8: {  	s18 =	rddreg [dreg:$0x5]  }
0xe9: {  	s24 =	rddreg [dreg:$0x6]  }
0xea: {  	s7 =	simm.s32 $0x0;
	s25 =	rddreg [dreg:$0xb]  }
.LBB2_6:
0xeb: {  	_ =	swait.ge [sflag:s29], $0xA0  }
0xec: {  	p0 =	seq.s32 s7, $0x0;
	[sflag:s29] =	ssyncset.done $0x0  }
0xed: {  	s8 =	simm.s32 @!p0 $0x5;
	[sflag:s29] =	ssyncadd.s32 $0xFFFFFF60  }
0xee: {  	s26 =	smul.u32 $0x280, s7;
	_ =	swait.ge @!p0 [sflag:s8], $0x5000  }
0xef: {  	[sflag:s8] =	ssyncset.done @!p0 $0x0  }
0xf0: {  	s19 =	simm.s32 $0x0;
	s28 =	sadd.s32 s6, s26;
	[sflag:s8] =	ssyncadd.s32 @!p0 $0xFFFFB000  }
.LBB2_7:
0xf1: {  	s23 =	sshll.u32 s19, $0x4  }
0xf2: {  	v1 =	vld [tilespmem:s23+$0x8000];
	_ =	sdelay $0x4  }
0xf3: {  	v2 =	vtrunc.f32 v1  }
0xf4: {  	v2 =	vcvt.f32.s32 v2;
	_ =	sdelay $0x1  }
0xf5: {  	v3 =	vcvt.s32.f32 v2;
	_ =	sdelay $0x1  }
0xf6: {  	s11 =	simm.s32 $0x0;
	p1 =	por $0x1, $0x1;
	v2 =	vshll.u32 v2, $0x6;
	v1 =	vsub.f32 v1, v3  }
.LBB2_8:
0xf7: {  	v3 =	vmov s11  }
0xf8: {  	v4 =	vperm.xlane v2, v3;
	_ =	sdelay $0x1  }
0xf9: {  	v4 =	vadd.s32 v0, v4;
	_ =	sdelay $0x3  }
0xfa: {  	s8 =	sor.u32 $0x1, s11  }
0xfb: {  	v6 =	vmov s8;
	v5 =	vld.idx.msk [tilespmem:v4+s0+$0x0], $0xffff  }
0xfc: {  	v8 =	vperm.xlane v2, v6;
	v7 =	vld.idx.msk [tilespmem:v4+s5+$0x0], $0xffff  }
0xfd: {  	v9 =	vld.idx.msk [tilespmem:v4+s20+$0x0], $0xffff  }
0xfe: {  	v8 =	vadd.s32 v0, v8;
	v10 =	vld.idx.msk [tilespmem:v4+s30+$0x0], $0xffff  }
0xff: {  	v11 =	vld.idx.msk [tilespmem:v4+s21+$0x0], $0xffff  }
0x100: {  	s9 =	sor.u32 s23, s11;
	v3 =	vperm.xlane v1, v3;
	v12 =	vld.idx.msk [tilespmem:v4+s31+$0x0], $0xffff  }
0x101: {  	s13 =	sshll.u32 s9, $0x7;
	s9 =	sor.u32 $0x2, s11;
	v47 =	vld.idx.msk [tilespmem:v4+s22+$0x0], $0xffff  }
0x102: {  	v49 =	vmov s9;
	v3 =	vpack.i.f32.bf16 v3, v3;
	v4 =	vld.idx.msk [tilespmem:v4+s2+$0x0], $0xffff  }
0x103: {  	v15 =	vperm.xlane v2, v49;
	v14 =	vld.idx.msk [tilespmem:v8+s0+$0x0], $0xffff;
	v5 =	vmul.bf16 v5, v3  }
0x104: {  	s8 =	sor.u32 s23, s8;
	v50 =	vld.idx.msk [tilespmem:v8+s5+$0x0], $0xffff  }
0x105: {  	s14 =	sshll.u32 s8, $0x7;
	s8 =	sor.u32 $0x3, s11;
	v15 =	vadd.s32 v0, v15;
	v52 =	vld.idx.msk [tilespmem:v8+s20+$0x0], $0xffff;
	v9 =	vmul.bf16 v9, v3;
	v5 =	vadd.bf16 v7, v5  }
0x106: {  	v6 =	vperm.xlane v1, v6;
	v63 =	vmov s8;
	v53 =	vld.idx.msk [tilespmem:v8+s30+$0x0], $0xffff  }
0x107: {  	s13 =	sand.u32 $0x3FFFFF80, s13;
	v54 =	vld.idx.msk [tilespmem:v8+s21+$0x0], $0xffff;
	v48 =	vmul.bf16 v11, v3;
	v9 =	vadd.bf16 v10, v9;
	v13 =	vunpack.i.l.bf16.f32 v5  }
0x108: {  	v16 =	vperm.xlane v1, v49;
	v57 =	vld.idx.msk [tilespmem:v8+s31+$0x0], $0xffff;
	v3 =	vmul.bf16 v47, v3;
	v5 =	vunpack.i.u.bf16.f32 v5;
	[tilespmem:s13+$0x8400] =	vst v13  }
0x109: {  	v6 =	vpack.i.f32.bf16 v6, v6;
	v60 =	vld.idx.msk [tilespmem:v8+s22+$0x0], $0xffff;
	v10 =	vadd.bf16 v12, v48;
	v51 =	vunpack.i.l.bf16.f32 v9;
	[tilespmem:s13+$0x8440] =	vst v5  }
0x10a: {  	v62 =	vld.idx.msk [tilespmem:v15+s0+$0x0], $0xffff;
	v14 =	vmul.bf16 v14, v6;
	v3 =	vadd.bf16 v4, v3;
	v9 =	vunpack.i.u.bf16.f32 v9;
	[tilespmem:s13+$0x8410] =	vst v51  }
0x10b: {  	v18 =	vperm.xlane v2, v63;
	v17 =	vld.idx.msk [tilespmem:v15+s5+$0x0], $0xffff;
	v12 =	vmul.bf16 v52, v6;
	v55 =	vunpack.i.l.bf16.f32 v10;
	[tilespmem:s13+$0x8450] =	vst v9  }
0x10c: {  	v20 =	vld.idx.msk [tilespmem:v15+s20+$0x0], $0xffff;
	v58 =	vadd.bf16 v50, v14;
	v56 =	vunpack.i.u.bf16.f32 v10;
	v59 =	vunpack.i.l.bf16.f32 v3;
	[tilespmem:s13+$0x8420] =	vst v55  }
0x10d: {  	v21 =	vld.idx.msk [tilespmem:v15+s30+$0x0], $0xffff;
	v3 =	vunpack.i.u.bf16.f32 v3;
	v7 =	vadd.bf16 v53, v12;
	v12 =	vadd.s32 v0, v18;
	[tilespmem:s13+$0x8460] =	vst v56  }
0x10e: {  	[tilespmem:s13+$0x8470] =	vst v3;
	v3 =	vld.idx.msk [tilespmem:v8+s2+$0x0], $0xffff  }
0x10f: {  	v22 =	vld.idx.msk [tilespmem:v15+s21+$0x0], $0xffff;
	v4 =	vpack.i.f32.bf16 v16, v16;
	[tilespmem:s13+$0x8430] =	vst v59;
	v61 =	vunpack.i.l.bf16.f32 v58;
	s13 =	sand.u32 $0x3FFFFF80, s14;
	v5 =	vmul.bf16 v54, v6  }
0x110: {  	v24 =	vld.idx.msk [tilespmem:v15+s31+$0x0], $0xffff;
	v14 =	vmul.bf16 v62, v4;
	v10 =	vunpack.i.u.bf16.f32 v58;
	[tilespmem:s13+$0x8400] =	vst v61  }
0x111: {  	v27 =	vld.idx.msk [tilespmem:v15+s22+$0x0], $0xffff;
	v6 =	vmul.bf16 v60, v6;
	[tilespmem:s13+$0x8440] =	vst v10;
	v19 =	vunpack.i.l.bf16.f32 v7;
	v5 =	vadd.bf16 v57, v5  }
0x112: {  	s9 =	sor.u32 s23, s9;
	v7 =	vunpack.i.u.bf16.f32 v7;
	[tilespmem:s13+$0x8410] =	vst v19;
	v29 =	vld.idx.msk [tilespmem:v12+s0+$0x0], $0xffff  }
0x113: {  	v25 =	vadd.bf16 v17, v14;
	s14 =	sshll.u32 s9, $0x7;
	s9 =	sor.u32 $0x4, s11;
	[tilespmem:s13+$0x8450] =	vst v7;
	v23 =	vunpack.i.l.bf16.f32 v5;
	v32 =	vld.idx.msk [tilespmem:v12+s5+$0x0], $0xffff;
	v3 =	vadd.bf16 v3, v6  }
0x114: {  	v9 =	vmul.bf16 v20, v4;
	v30 =	vmov s9;
	v5 =	vunpack.i.u.bf16.f32 v5;
	v35 =	vld.idx.msk [tilespmem:v12+s20+$0x0], $0xffff;
	[tilespmem:s13+$0x8420] =	vst v23  }
0x115: {  	v33 =	vperm.xlane v2, v30;
	v37 =	vld.idx.msk [tilespmem:v12+s21+$0x0], $0xffff;
	[tilespmem:s13+$0x8460] =	vst v5;
	v26 =	vunpack.i.l.bf16.f32 v3;
	v3 =	vunpack.i.u.bf16.f32 v3  }
0x116: {  	v31 =	vperm.xlane v1, v63;
	v10 =	vmul.bf16 v22, v4;
	[tilespmem:s13+$0x8470] =	vst v3;
	v3 =	vld.idx.msk [tilespmem:v15+s2+$0x0], $0xffff  }
0x117: {  	s14 =	sand.u32 $0x3FFFFF80, s14;
	v28 =	vunpack.i.l.bf16.f32 v25;
	v9 =	vadd.bf16 v21, v9;
	v40 =	vld.idx.msk [tilespmem:v12+s22+$0x0], $0xffff;
	[tilespmem:s13+$0x8430] =	vst v26;
	v15 =	vadd.s32 v0, v33  }
0x118: {  	v4 =	vmul.bf16 v27, v4;
	v7 =	vunpack.i.u.bf16.f32 v25;
	v36 =	vld.idx.msk [tilespmem:v12+s30+$0x0], $0xffff;
	v6 =	vadd.bf16 v24, v10;
	[tilespmem:s14+$0x8400] =	vst v28  }
0x119: {  	v34 =	vunpack.i.l.bf16.f32 v9;
	v9 =	vunpack.i.u.bf16.f32 v9;
	v39 =	vld.idx.msk [tilespmem:v12+s31+$0x0], $0xffff;
	v5 =	vpack.i.f32.bf16 v31, v31;
	[tilespmem:s14+$0x8440] =	vst v7;
	s13 =	sor.u32 $0x5, s11  }
0x11a: {  	v12 =	vld.idx.msk [tilespmem:v12+s2+$0x0], $0xffff;
	v38 =	vunpack.i.l.bf16.f32 v6;
	[tilespmem:s14+$0x8410] =	vst v34;
	v14 =	vmul.bf16 v29, v5;
	v45 =	vmov s13  }
0x11b: {  	[tilespmem:s14+$0x8450] =	vst v9;
	v10 =	vmul.bf16 v35, v5;
	v16 =	vperm.xlane v2, v45;
	v3 =	vadd.bf16 v3, v4  }
0x11c: {  	v6 =	vunpack.i.u.bf16.f32 v6;
	[tilespmem:s14+$0x8420] =	vst v38;
	v7 =	vmul.bf16 v37, v5;
	v5 =	vmul.bf16 v40, v5;
	v43 =	vld.idx.msk [tilespmem:v15+s0+$0x0], $0xffff  }
0x11d: {  	s8 =	sor.u32 s23, s8;
	[tilespmem:s14+$0x8460] =	vst v6;
	v8 =	vadd.bf16 v32, v14;
	v50 =	vadd.s32 v0, v16;
	v44 =	vld.idx.msk [tilespmem:v15+s5+$0x0], $0xffff;
	v41 =	vunpack.i.l.bf16.f32 v3  }
0x11e: {  	s8 =	sshll.u32 s8, $0x7;
	v47 =	vld.idx.msk [tilespmem:v15+s20+$0x0], $0xffff;
	v3 =	vunpack.i.u.bf16.f32 v3;
	[tilespmem:s14+$0x8430] =	vst v41  }
0x11f: {  	v5 =	vadd.bf16 v12, v5;
	v42 =	vunpack.i.l.bf16.f32 v8;
	v49 =	vld.idx.msk [tilespmem:v15+s30+$0x0], $0xffff;
	[tilespmem:s14+$0x8470] =	vst v3;
	s14 =	sand.u32 $0x3FFFFF80, s8  }
0x120: {  	v46 =	vperm.xlane v1, v30;
	v8 =	vunpack.i.u.bf16.f32 v8;
	v51 =	vld.idx.msk [tilespmem:v15+s21+$0x0], $0xffff;
	[tilespmem:s14+$0x8400] =	vst v42  }
0x121: {  	v53 =	vunpack.i.l.bf16.f32 v5;
	v54 =	vld.idx.msk [tilespmem:v15+s22+$0x0], $0xffff;
	v3 =	vadd.bf16 v36, v10;
	[tilespmem:s14+$0x8440] =	vst v8  }
0x122: {  	v6 =	vpack.i.f32.bf16 v46, v46;
	v11 =	vperm.xlane v1, v45;
	v5 =	vunpack.i.u.bf16.f32 v5;
	[tilespmem:s14+$0x8430] =	vst v53;
	v58 =	vld.idx.msk [tilespmem:v50+s0+$0x0], $0xffff  }
0x123: {  	v4 =	vadd.bf16 v39, v7;
	s8 =	sor.u32 $0x6, s11;
	[tilespmem:s14+$0x8470] =	vst v5;
	v61 =	vld.idx.msk [tilespmem:v50+s5+$0x0], $0xffff;
	v48 =	vunpack.i.l.bf16.f32 v3;
	v52 =	vmul.bf16 v43, v6  }
0x124: {  	v59 =	vmov s8;
	v16 =	vld.idx.msk [tilespmem:v50+s20+$0x0], $0xffff;
	v3 =	vunpack.i.u.bf16.f32 v3;
	v55 =	vmul.bf16 v47, v6;
	[tilespmem:s14+$0x8410] =	vst v48  }
0x125: {  	s9 =	sor.u32 s23, s9;
	v56 =	vld.idx.msk [tilespmem:v15+s2+$0x0], $0xffff;
	v62 =	vperm.xlane v2, v59;
	[tilespmem:s14+$0x8450] =	vst v3;
	v3 =	vunpack.i.l.bf16.f32 v4;
	v10 =	vadd.bf16 v44, v52  }
0x126: {  	s9 =	sshll.u32 s9, $0x7;
	v21 =	vpack.i.f32.bf16 v11, v11;
	v22 =	vld.idx.msk [tilespmem:v50+s30+$0x0], $0xffff;
	v4 =	vunpack.i.u.bf16.f32 v4;
	[tilespmem:s14+$0x8420] =	vst v3;
	v7 =	vadd.bf16 v49, v55  }
0x127: {  	v19 =	vld.idx.msk [tilespmem:v50+s21+$0x0], $0xffff;
	[tilespmem:s14+$0x8460] =	vst v4;
	s14 =	sand.u32 $0x3FFFFF80, s9;
	v20 =	vadd.s32 v0, v62;
	v57 =	vunpack.i.l.bf16.f32 v10;
	v12 =	vmul.bf16 v58, v21  }
0x128: {  	v3 =	vld.idx.msk [tilespmem:v15+s31+$0x0], $0xffff;
	v10 =	vunpack.i.u.bf16.f32 v10;
	[tilespmem:s14+$0x8400] =	vst v57  }
0x129: {  	s13 =	sor.u32 s23, s13;
	v25 =	vld.idx.msk [tilespmem:v50+s22+$0x0], $0xffff;
	v63 =	vunpack.i.l.bf16.f32 v7;
	v26 =	vmul.bf16 v16, v21;
	[tilespmem:s14+$0x8440] =	vst v10;
	v9 =	vadd.bf16 v61, v12  }
0x12a: {  	s13 =	sshll.u32 s13, $0x7;
	v24 =	vld.idx.msk [tilespmem:v50+s31+$0x0], $0xffff;
	v7 =	vunpack.i.u.bf16.f32 v7;
	[tilespmem:s14+$0x8410] =	vst v63  }
0x12b: {  	v8 =	vld.idx.msk [tilespmem:v50+s2+$0x0], $0xffff;
	v60 =	vmul.bf16 v51, v6;
	s9 =	sor.u32 $0x7, s11;
	s11 =	sand.u32 $0x3FFFFF80, s13;
	[tilespmem:s14+$0x8450] =	vst v7;
	v11 =	vadd.bf16 v22, v26;
	v29 =	vunpack.i.l.bf16.f32 v9  }
0x12c: {  	v18 =	vmul.bf16 v54, v6;
	v28 =	vmov s9;
	v27 =	vld.idx.msk [tilespmem:v20+s0+$0x0], $0xffff;
	v32 =	vunpack.i.u.bf16.f32 v9;
	[tilespmem:s11+$0x8400] =	vst v29  }
0x12d: {  	v31 =	vperm.xlane v2, v28;
	v3 =	vadd.bf16 v3, v60;
	v30 =	vld.idx.msk [tilespmem:v20+s5+$0x0], $0xffff;
	v35 =	vunpack.i.l.bf16.f32 v11;
	[tilespmem:s11+$0x8440] =	vst v32  }
0x12e: {  	v4 =	vadd.bf16 v56, v18;
	v7 =	vmul.bf16 v25, v21;
	v34 =	vld.idx.msk [tilespmem:v20+s20+$0x0], $0xffff;
	v11 =	vunpack.i.u.bf16.f32 v11;
	[tilespmem:s11+$0x8410] =	vst v35  }
0x12f: {  	v37 =	vadd.s32 v0, v31;
	v36 =	vld.idx.msk [tilespmem:v20+s30+$0x0], $0xffff;
	v23 =	vunpack.i.l.bf16.f32 v3;
	v3 =	vunpack.i.u.bf16.f32 v3;
	[tilespmem:s11+$0x8450] =	vst v11  }
0x130: {  	v33 =	vperm.xlane v1, v59;
	v7 =	vadd.bf16 v8, v7;
	v42 =	vld.idx.msk [tilespmem:v20+s22+$0x0], $0xffff;
	[tilespmem:s14+$0x8460] =	vst v3;
	v3 =	vunpack.i.l.bf16.f32 v4  }
0x131: {  	v39 =	vld.idx.msk [tilespmem:v20+s21+$0x0], $0xffff;
	[tilespmem:s14+$0x8430] =	vst v3;
	v3 =	vmul.bf16 v19, v21  }
0x132: {  	v38 =	vpack.i.f32.bf16 v33, v33;
	v44 =	vld.idx.msk [tilespmem:v20+s2+$0x0], $0xffff;
	v43 =	vunpack.i.l.bf16.f32 v7;
	[tilespmem:s14+$0x8420] =	vst v23  }
0x133: {  	v41 =	vld.idx.msk [tilespmem:v20+s31+$0x0], $0xffff;
	v7 =	vunpack.i.u.bf16.f32 v7;
	[tilespmem:s11+$0x8430] =	vst v43;
	v9 =	vmul.bf16 v34, v38;
	v3 =	vadd.bf16 v24, v3  }
0x134: {  	v4 =	vunpack.i.u.bf16.f32 v4;
	[tilespmem:s11+$0x8470] =	vst v7;
	v49 =	vld.idx.msk [tilespmem:v37+s20+$0x0], $0xffff  }
0x135: {  	s8 =	sor.u32 s23, s8;
	[tilespmem:s14+$0x8470] =	vst v4;
	v53 =	vld.idx.msk [tilespmem:v37+s21+$0x0], $0xffff;
	v4 =	vmul.bf16 v42, v38;
	v9 =	vadd.bf16 v36, v9;
	v40 =	vunpack.i.l.bf16.f32 v3  }
0x136: {  	s8 =	sshll.u32 s8, $0x7;
	v48 =	vperm.xlane v1, v28;
	v51 =	vld.idx.msk [tilespmem:v37+s30+$0x0], $0xffff;
	v3 =	vunpack.i.u.bf16.f32 v3;
	[tilespmem:s11+$0x8420] =	vst v40  }
0x137: {  	s8 =	sand.u32 $0x3FFFFF80, s8;
	v55 =	vld.idx.msk [tilespmem:v37+s31+$0x0], $0xffff;
	v6 =	vmul.bf16 v27, v38;
	v4 =	vadd.bf16 v44, v4;
	[tilespmem:s11+$0x8460] =	vst v3;
	v50 =	vunpack.i.l.bf16.f32 v9  }
0x138: {  	v52 =	vpack.i.f32.bf16 v48, v48;
	v56 =	vld.idx.msk [tilespmem:v37+s22+$0x0], $0xffff;
	v9 =	vunpack.i.u.bf16.f32 v9;
	[tilespmem:s8+$0x8410] =	vst v50  }
0x139: {  	v45 =	vld.idx.msk [tilespmem:v37+s0+$0x0], $0xffff;
	v3 =	vadd.bf16 v30, v6;
	v57 =	vunpack.i.l.bf16.f32 v4;
	v58 =	vmul.bf16 v49, v52;
	[tilespmem:s8+$0x8450] =	vst v9  }
0x13a: {  	v59 =	vld.idx.msk [tilespmem:v37+s2+$0x0], $0xffff;
	v4 =	vunpack.i.u.bf16.f32 v4;
	v7 =	vmul.bf16 v53, v52;
	[tilespmem:s8+$0x8430] =	vst v57  }
0x13b: {  	s9 =	sor.u32 s23, s9;
	v47 =	vld.idx.msk [tilespmem:v37+s5+$0x0], $0xffff;
	v5 =	vmul.bf16 v39, v38;
	[tilespmem:s8+$0x8470] =	vst v4;
	v46 =	vunpack.i.l.bf16.f32 v3;
	v8 =	vadd.bf16 v51, v58  }
0x13c: {  	s9 =	sshll.u32 s9, $0x7;
	v3 =	vunpack.i.u.bf16.f32 v3;
	v61 =	vadd.bf16 v55, v7;
	[tilespmem:s8+$0x8400] =	vst v46  }
0x13d: {  	s14 =	sand.u32 $0x3FFFFF80, s9;
	[tilespmem:s8+$0x8440] =	vst v3;
	v3 =	vadd.bf16 v41, v5;
	v5 =	vmul.bf16 v56, v52;
	v62 =	vunpack.i.u.bf16.f32 v8  }
0x13e: {  	v6 =	vmul.bf16 v45, v52;
	v4 =	vunpack.i.u.bf16.f32 v61;
	[tilespmem:s14+$0x8450] =	vst v62  }
0x13f: {  	v54 =	vunpack.i.l.bf16.f32 v3;
	v3 =	vunpack.i.u.bf16.f32 v3;
	v5 =	vadd.bf16 v59, v5;
	[tilespmem:s14+$0x8460] =	vst v4  }
0x140: {  	[tilespmem:s8+$0x8460] =	vst v3;
	v3 =	vadd.bf16 v47, v6  }
0x141: {  	[tilespmem:s8+$0x8420] =	vst v54;
	v63 =	vunpack.i.u.bf16.f32 v5  }
0x142: {  	p2 =	por p1, p1;
	v60 =	vunpack.i.l.bf16.f32 v3;
	[tilespmem:s14+$0x8470] =	vst v63  }
.Ltmp4:
0x143: {  	v3 =	vunpack.i.u.bf16.f32 v3;
	[tilespmem:s14+$0x8400] =	vst v60;
	(pc) =	sbr.rel @p2 .LBB2_8-.Ltmp4, $4  }
0x144: {  	[tilespmem:s14+$0x8440] =	vst v3;
	v3 =	vunpack.i.l.bf16.f32 v8  }
0x145: {  	[tilespmem:s14+$0x8410] =	vst v3;
	v3 =	vunpack.i.l.bf16.f32 v61  }
0x146: {  	[tilespmem:s14+$0x8420] =	vst v3;
	v3 =	vunpack.i.l.bf16.f32 v5  }
0x147: {  	p1 =	por $0x0, $0x0;
	s11 =	simm.s32 $0x8;
	[tilespmem:s14+$0x8430] =	vst v3  }
0x148: {  	s19 =	sadd.s32 $0x1, s19  }
0x149: {  	p1 =	sne.s32 s19, $0xA  }
.Ltmp5:
0x14a: {  	_ = 	snop;
	(pc) =	sbr.rel @p1 .LBB2_7-.Ltmp5, $1  }
0x14b: {  	_ =	sdelay $0x3  }
0x14c: {  	s8 =	sshll.u32 s28, $0x4  }
0x14d: {  	s9 =	simm.s32 $0x8400;
	p1 =	seq.s32 s7, $0x9;
	s8 =	sadd.s32 s4, s8  }
0x14e: {  	[hbm4b:s8+s5] =	stream.linear.scatter [tilespmem:s9], [sflag:$0x5], $0x5000, $0x38;
	[tilespmem:$0x1C400] =	vst v63  }
0x14f: {  	s8 =	sadd.s32 @!p1 s26, s25  }
0x150: {  	s8 =	sshrl.u32 @!p1 s8, $0x3  }
0x151: {  	s11 =	simm.s32 @!p1 $0x8000;
	s9 =	simm.s32 @!p1 $0x0;
	s8 =	sadd.s32 @!p1 s1, s8  }
0x152: {  	[tilespmem:s11], [sflag:$0x1] =	stream.linear.gather @!p1 [hbm4b:s8+s9], $0xA0, $0x38;
	[tilespmem:$0x1C400] =	vst v63  }
0x153: {  	_ =	swait.ge [sflag:s3], $0xA0  }
0x154: {  	[sflag:s3] =	ssyncset.done $0x0  }
0x155: {  	s8 =	simm.s32 @!p0 $0x6;
	[sflag:s3] =	ssyncadd.s32 $0xFFFFFF60  }
0x156: {  	_ =	swait.ge @!p0 [sflag:s8], $0x5000  }
0x157: {  	[sflag:s8] =	ssyncset.done @!p0 $0x0  }
0x158: {  	s28 =	sadd.s32 s26, s15;
	s19 =	simm.s32 $0x0;
	[sflag:s8] =	ssyncadd.s32 @!p0 $0xFFFFB000  }
.LBB2_11:
0x159: {  	s23 =	sshll.u32 s19, $0x4  }
0x15a: {  	v1 =	vld [tilespmem:s23+$0x8100];
	_ =	sdelay $0x4  }
0x15b: {  	v2 =	vtrunc.f32 v1  }
0x15c: {  	v2 =	vcvt.f32.s32 v2;
	_ =	sdelay $0x1  }
0x15d: {  	v3 =	vcvt.s32.f32 v2;
	_ =	sdelay $0x1  }
0x15e: {  	p2 =	por $0x1, $0x1;
	s11 =	simm.s32 $0x0;
	v2 =	vshll.u32 v2, $0x6;
	v1 =	vsub.f32 v1, v3  }
.LBB2_12:
0x15f: {  	v3 =	vmov s11  }
0x160: {  	v4 =	vperm.xlane v2, v3;
	_ =	sdelay $0x1  }
0x161: {  	v4 =	vadd.s32 v0, v4;
	_ =	sdelay $0x3  }
0x162: {  	s8 =	sor.u32 $0x1, s11  }
0x163: {  	v6 =	vmov s8;
	v5 =	vld.idx.msk [tilespmem:v4+s0+$0x0], $0xffff  }
0x164: {  	v8 =	vperm.xlane v2, v6;
	v7 =	vld.idx.msk [tilespmem:v4+s5+$0x0], $0xffff  }
0x165: {  	v9 =	vld.idx.msk [tilespmem:v4+s20+$0x0], $0xffff  }
0x166: {  	v8 =	vadd.s32 v0, v8;
	v10 =	vld.idx.msk [tilespmem:v4+s30+$0x0], $0xffff  }
0x167: {  	v11 =	vld.idx.msk [tilespmem:v4+s21+$0x0], $0xffff  }
0x168: {  	s9 =	sor.u32 s23, s11;
	v3 =	vperm.xlane v1, v3;
	v12 =	vld.idx.msk [tilespmem:v4+s31+$0x0], $0xffff  }
0x169: {  	s13 =	sshll.u32 s9, $0x7;
	s9 =	sor.u32 $0x2, s11;
	v47 =	vld.idx.msk [tilespmem:v4+s22+$0x0], $0xffff  }
0x16a: {  	v49 =	vmov s9;
	v3 =	vpack.i.f32.bf16 v3, v3;
	v4 =	vld.idx.msk [tilespmem:v4+s2+$0x0], $0xffff  }
0x16b: {  	v15 =	vperm.xlane v2, v49;
	v14 =	vld.idx.msk [tilespmem:v8+s0+$0x0], $0xffff;
	v5 =	vmul.bf16 v5, v3  }
0x16c: {  	s8 =	sor.u32 s23, s8;
	v50 =	vld.idx.msk [tilespmem:v8+s5+$0x0], $0xffff  }
0x16d: {  	s14 =	sshll.u32 s8, $0x7;
	s8 =	sor.u32 $0x3, s11;
	v15 =	vadd.s32 v0, v15;
	v52 =	vld.idx.msk [tilespmem:v8+s20+$0x0], $0xffff;
	v9 =	vmul.bf16 v9, v3;
	v5 =	vadd.bf16 v7, v5  }
0x16e: {  	v6 =	vperm.xlane v1, v6;
	v63 =	vmov s8;
	v53 =	vld.idx.msk [tilespmem:v8+s30+$0x0], $0xffff  }
0x16f: {  	s13 =	sand.u32 $0x3FFFFF80, s13;
	v54 =	vld.idx.msk [tilespmem:v8+s21+$0x0], $0xffff;
	v48 =	vmul.bf16 v11, v3;
	v9 =	vadd.bf16 v10, v9;
	v13 =	vunpack.i.l.bf16.f32 v5  }
0x170: {  	v16 =	vperm.xlane v1, v49;
	v57 =	vld.idx.msk [tilespmem:v8+s31+$0x0], $0xffff;
	v3 =	vmul.bf16 v47, v3;
	v5 =	vunpack.i.u.bf16.f32 v5;
	[tilespmem:s13+$0xD400] =	vst v13  }
0x171: {  	v6 =	vpack.i.f32.bf16 v6, v6;
	v60 =	vld.idx.msk [tilespmem:v8+s22+$0x0], $0xffff;
	v10 =	vadd.bf16 v12, v48;
	v51 =	vunpack.i.l.bf16.f32 v9;
	[tilespmem:s13+$0xD440] =	vst v5  }
0x172: {  	v62 =	vld.idx.msk [tilespmem:v15+s0+$0x0], $0xffff;
	v14 =	vmul.bf16 v14, v6;
	v3 =	vadd.bf16 v4, v3;
	v9 =	vunpack.i.u.bf16.f32 v9;
	[tilespmem:s13+$0xD410] =	vst v51  }
0x173: {  	v18 =	vperm.xlane v2, v63;
	v17 =	vld.idx.msk [tilespmem:v15+s5+$0x0], $0xffff;
	v12 =	vmul.bf16 v52, v6;
	v55 =	vunpack.i.l.bf16.f32 v10;
	[tilespmem:s13+$0xD450] =	vst v9  }
0x174: {  	v20 =	vld.idx.msk [tilespmem:v15+s20+$0x0], $0xffff;
	v58 =	vadd.bf16 v50, v14;
	v56 =	vunpack.i.u.bf16.f32 v10;
	v59 =	vunpack.i.l.bf16.f32 v3;
	[tilespmem:s13+$0xD420] =	vst v55  }
0x175: {  	v21 =	vld.idx.msk [tilespmem:v15+s30+$0x0], $0xffff;
	v3 =	vunpack.i.u.bf16.f32 v3;
	v7 =	vadd.bf16 v53, v12;
	v12 =	vadd.s32 v0, v18;
	[tilespmem:s13+$0xD460] =	vst v56  }
0x176: {  	[tilespmem:s13+$0xD470] =	vst v3;
	v3 =	vld.idx.msk [tilespmem:v8+s2+$0x0], $0xffff  }
0x177: {  	v22 =	vld.idx.msk [tilespmem:v15+s21+$0x0], $0xffff;
	v4 =	vpack.i.f32.bf16 v16, v16;
	[tilespmem:s13+$0xD430] =	vst v59;
	v61 =	vunpack.i.l.bf16.f32 v58;
	s13 =	sand.u32 $0x3FFFFF80, s14;
	v5 =	vmul.bf16 v54, v6  }
0x178: {  	v24 =	vld.idx.msk [tilespmem:v15+s31+$0x0], $0xffff;
	v14 =	vmul.bf16 v62, v4;
	v10 =	vunpack.i.u.bf16.f32 v58;
	[tilespmem:s13+$0xD400] =	vst v61  }
0x179: {  	v27 =	vld.idx.msk [tilespmem:v15+s22+$0x0], $0xffff;
	v6 =	vmul.bf16 v60, v6;
	[tilespmem:s13+$0xD440] =	vst v10;
	v19 =	vunpack.i.l.bf16.f32 v7;
	v5 =	vadd.bf16 v57, v5  }
0x17a: {  	s9 =	sor.u32 s23, s9;
	v7 =	vunpack.i.u.bf16.f32 v7;
	[tilespmem:s13+$0xD410] =	vst v19;
	v29 =	vld.idx.msk [tilespmem:v12+s0+$0x0], $0xffff  }
0x17b: {  	v25 =	vadd.bf16 v17, v14;
	s14 =	sshll.u32 s9, $0x7;
	s9 =	sor.u32 $0x4, s11;
	[tilespmem:s13+$0xD450] =	vst v7;
	v23 =	vunpack.i.l.bf16.f32 v5;
	v32 =	vld.idx.msk [tilespmem:v12+s5+$0x0], $0xffff;
	v3 =	vadd.bf16 v3, v6  }
0x17c: {  	v9 =	vmul.bf16 v20, v4;
	v30 =	vmov s9;
	v5 =	vunpack.i.u.bf16.f32 v5;
	v35 =	vld.idx.msk [tilespmem:v12+s20+$0x0], $0xffff;
	[tilespmem:s13+$0xD420] =	vst v23  }
0x17d: {  	v33 =	vperm.xlane v2, v30;
	v37 =	vld.idx.msk [tilespmem:v12+s21+$0x0], $0xffff;
	[tilespmem:s13+$0xD460] =	vst v5;
	v26 =	vunpack.i.l.bf16.f32 v3;
	v3 =	vunpack.i.u.bf16.f32 v3  }
0x17e: {  	v31 =	vperm.xlane v1, v63;
	v10 =	vmul.bf16 v22, v4;
	[tilespmem:s13+$0xD470] =	vst v3;
	v3 =	vld.idx.msk [tilespmem:v15+s2+$0x0], $0xffff  }
0x17f: {  	s14 =	sand.u32 $0x3FFFFF80, s14;
	v28 =	vunpack.i.l.bf16.f32 v25;
	v9 =	vadd.bf16 v21, v9;
	v40 =	vld.idx.msk [tilespmem:v12+s22+$0x0], $0xffff;
	[tilespmem:s13+$0xD430] =	vst v26;
	v15 =	vadd.s32 v0, v33  }
0x180: {  	v4 =	vmul.bf16 v27, v4;
	v7 =	vunpack.i.u.bf16.f32 v25;
	v36 =	vld.idx.msk [tilespmem:v12+s30+$0x0], $0xffff;
	v6 =	vadd.bf16 v24, v10;
	[tilespmem:s14+$0xD400] =	vst v28  }
0x181: {  	v34 =	vunpack.i.l.bf16.f32 v9;
	v9 =	vunpack.i.u.bf16.f32 v9;
	v39 =	vld.idx.msk [tilespmem:v12+s31+$0x0], $0xffff;
	v5 =	vpack.i.f32.bf16 v31, v31;
	[tilespmem:s14+$0xD440] =	vst v7;
	s13 =	sor.u32 $0x5, s11  }
0x182: {  	v12 =	vld.idx.msk [tilespmem:v12+s2+$0x0], $0xffff;
	v38 =	vunpack.i.l.bf16.f32 v6;
	[tilespmem:s14+$0xD410] =	vst v34;
	v14 =	vmul.bf16 v29, v5;
	v45 =	vmov s13  }
0x183: {  	[tilespmem:s14+$0xD450] =	vst v9;
	v10 =	vmul.bf16 v35, v5;
	v16 =	vperm.xlane v2, v45;
	v3 =	vadd.bf16 v3, v4  }
0x184: {  	v6 =	vunpack.i.u.bf16.f32 v6;
	[tilespmem:s14+$0xD420] =	vst v38;
	v7 =	vmul.bf16 v37, v5;
	v5 =	vmul.bf16 v40, v5;
	v43 =	vld.idx.msk [tilespmem:v15+s0+$0x0], $0xffff  }
0x185: {  	s8 =	sor.u32 s23, s8;
	[tilespmem:s14+$0xD460] =	vst v6;
	v8 =	vadd.bf16 v32, v14;
	v50 =	vadd.s32 v0, v16;
	v44 =	vld.idx.msk [tilespmem:v15+s5+$0x0], $0xffff;
	v41 =	vunpack.i.l.bf16.f32 v3  }
0x186: {  	s8 =	sshll.u32 s8, $0x7;
	v47 =	vld.idx.msk [tilespmem:v15+s20+$0x0], $0xffff;
	v3 =	vunpack.i.u.bf16.f32 v3;
	[tilespmem:s14+$0xD430] =	vst v41  }
0x187: {  	v5 =	vadd.bf16 v12, v5;
	v42 =	vunpack.i.l.bf16.f32 v8;
	v49 =	vld.idx.msk [tilespmem:v15+s30+$0x0], $0xffff;
	[tilespmem:s14+$0xD470] =	vst v3;
	s14 =	sand.u32 $0x3FFFFF80, s8  }
0x188: {  	v46 =	vperm.xlane v1, v30;
	v8 =	vunpack.i.u.bf16.f32 v8;
	v51 =	vld.idx.msk [tilespmem:v15+s21+$0x0], $0xffff;
	[tilespmem:s14+$0xD400] =	vst v42  }
0x189: {  	v53 =	vunpack.i.l.bf16.f32 v5;
	v54 =	vld.idx.msk [tilespmem:v15+s22+$0x0], $0xffff;
	v3 =	vadd.bf16 v36, v10;
	[tilespmem:s14+$0xD440] =	vst v8  }
0x18a: {  	v6 =	vpack.i.f32.bf16 v46, v46;
	v11 =	vperm.xlane v1, v45;
	v5 =	vunpack.i.u.bf16.f32 v5;
	[tilespmem:s14+$0xD430] =	vst v53;
	v58 =	vld.idx.msk [tilespmem:v50+s0+$0x0], $0xffff  }
0x18b: {  	v4 =	vadd.bf16 v39, v7;
	s8 =	sor.u32 $0x6, s11;
	[tilespmem:s14+$0xD470] =	vst v5;
	v61 =	vld.idx.msk [tilespmem:v50+s5+$0x0], $0xffff;
	v48 =	vunpack.i.l.bf16.f32 v3;
	v52 =	vmul.bf16 v43, v6  }
0x18c: {  	v59 =	vmov s8;
	v16 =	vld.idx.msk [tilespmem:v50+s20+$0x0], $0xffff;
	v3 =	vunpack.i.u.bf16.f32 v3;
	v55 =	vmul.bf16 v47, v6;
	[tilespmem:s14+$0xD410] =	vst v48  }
0x18d: {  	s9 =	sor.u32 s23, s9;
	v56 =	vld.idx.msk [tilespmem:v15+s2+$0x0], $0xffff;
	v62 =	vperm.xlane v2, v59;
	[tilespmem:s14+$0xD450] =	vst v3;
	v3 =	vunpack.i.l.bf16.f32 v4;
	v10 =	vadd.bf16 v44, v52  }
0x18e: {  	s9 =	sshll.u32 s9, $0x7;
	v21 =	vpack.i.f32.bf16 v11, v11;
	v22 =	vld.idx.msk [tilespmem:v50+s30+$0x0], $0xffff;
	v4 =	vunpack.i.u.bf16.f32 v4;
	[tilespmem:s14+$0xD420] =	vst v3;
	v7 =	vadd.bf16 v49, v55  }
0x18f: {  	v19 =	vld.idx.msk [tilespmem:v50+s21+$0x0], $0xffff;
	[tilespmem:s14+$0xD460] =	vst v4;
	s14 =	sand.u32 $0x3FFFFF80, s9;
	v20 =	vadd.s32 v0, v62;
	v57 =	vunpack.i.l.bf16.f32 v10;
	v12 =	vmul.bf16 v58, v21  }
0x190: {  	v3 =	vld.idx.msk [tilespmem:v15+s31+$0x0], $0xffff;
	v10 =	vunpack.i.u.bf16.f32 v10;
	[tilespmem:s14+$0xD400] =	vst v57  }
0x191: {  	s13 =	sor.u32 s23, s13;
	v25 =	vld.idx.msk [tilespmem:v50+s22+$0x0], $0xffff;
	v63 =	vunpack.i.l.bf16.f32 v7;
	v26 =	vmul.bf16 v16, v21;
	[tilespmem:s14+$0xD440] =	vst v10;
	v9 =	vadd.bf16 v61, v12  }
0x192: {  	s13 =	sshll.u32 s13, $0x7;
	v24 =	vld.idx.msk [tilespmem:v50+s31+$0x0], $0xffff;
	v7 =	vunpack.i.u.bf16.f32 v7;
	[tilespmem:s14+$0xD410] =	vst v63  }
0x193: {  	v8 =	vld.idx.msk [tilespmem:v50+s2+$0x0], $0xffff;
	v60 =	vmul.bf16 v51, v6;
	s9 =	sor.u32 $0x7, s11;
	s11 =	sand.u32 $0x3FFFFF80, s13;
	[tilespmem:s14+$0xD450] =	vst v7;
	v11 =	vadd.bf16 v22, v26;
	v29 =	vunpack.i.l.bf16.f32 v9  }
0x194: {  	v18 =	vmul.bf16 v54, v6;
	v28 =	vmov s9;
	v27 =	vld.idx.msk [tilespmem:v20+s0+$0x0], $0xffff;
	v32 =	vunpack.i.u.bf16.f32 v9;
	[tilespmem:s11+$0xD400] =	vst v29  }
0x195: {  	v31 =	vperm.xlane v2, v28;
	v3 =	vadd.bf16 v3, v60;
	v30 =	vld.idx.msk [tilespmem:v20+s5+$0x0], $0xffff;
	v35 =	vunpack.i.l.bf16.f32 v11;
	[tilespmem:s11+$0xD440] =	vst v32  }
0x196: {  	v4 =	vadd.bf16 v56, v18;
	v7 =	vmul.bf16 v25, v21;
	v34 =	vld.idx.msk [tilespmem:v20+s20+$0x0], $0xffff;
	v11 =	vunpack.i.u.bf16.f32 v11;
	[tilespmem:s11+$0xD410] =	vst v35  }
0x197: {  	v37 =	vadd.s32 v0, v31;
	v36 =	vld.idx.msk [tilespmem:v20+s30+$0x0], $0xffff;
	v23 =	vunpack.i.l.bf16.f32 v3;
	v3 =	vunpack.i.u.bf16.f32 v3;
	[tilespmem:s11+$0xD450] =	vst v11  }
0x198: {  	v33 =	vperm.xlane v1, v59;
	v7 =	vadd.bf16 v8, v7;
	v42 =	vld.idx.msk [tilespmem:v20+s22+$0x0], $0xffff;
	[tilespmem:s14+$0xD460] =	vst v3;
	v3 =	vunpack.i.l.bf16.f32 v4  }
0x199: {  	v39 =	vld.idx.msk [tilespmem:v20+s21+$0x0], $0xffff;
	[tilespmem:s14+$0xD430] =	vst v3;
	v3 =	vmul.bf16 v19, v21  }
0x19a: {  	v38 =	vpack.i.f32.bf16 v33, v33;
	v44 =	vld.idx.msk [tilespmem:v20+s2+$0x0], $0xffff;
	v43 =	vunpack.i.l.bf16.f32 v7;
	[tilespmem:s14+$0xD420] =	vst v23  }
0x19b: {  	v41 =	vld.idx.msk [tilespmem:v20+s31+$0x0], $0xffff;
	v7 =	vunpack.i.u.bf16.f32 v7;
	[tilespmem:s11+$0xD430] =	vst v43;
	v9 =	vmul.bf16 v34, v38;
	v3 =	vadd.bf16 v24, v3  }
0x19c: {  	v4 =	vunpack.i.u.bf16.f32 v4;
	[tilespmem:s11+$0xD470] =	vst v7;
	v49 =	vld.idx.msk [tilespmem:v37+s20+$0x0], $0xffff  }
0x19d: {  	s8 =	sor.u32 s23, s8;
	[tilespmem:s14+$0xD470] =	vst v4;
	v53 =	vld.idx.msk [tilespmem:v37+s21+$0x0], $0xffff;
	v4 =	vmul.bf16 v42, v38;
	v9 =	vadd.bf16 v36, v9;
	v40 =	vunpack.i.l.bf16.f32 v3  }
0x19e: {  	s8 =	sshll.u32 s8, $0x7;
	v48 =	vperm.xlane v1, v28;
	v51 =	vld.idx.msk [tilespmem:v37+s30+$0x0], $0xffff;
	v3 =	vunpack.i.u.bf16.f32 v3;
	[tilespmem:s11+$0xD420] =	vst v40  }
0x19f: {  	s8 =	sand.u32 $0x3FFFFF80, s8;
	v55 =	vld.idx.msk [tilespmem:v37+s31+$0x0], $0xffff;
	v6 =	vmul.bf16 v27, v38;
	v4 =	vadd.bf16 v44, v4;
	[tilespmem:s11+$0xD460] =	vst v3;
	v50 =	vunpack.i.l.bf16.f32 v9  }
0x1a0: {  	v52 =	vpack.i.f32.bf16 v48, v48;
	v56 =	vld.idx.msk [tilespmem:v37+s22+$0x0], $0xffff;
	v9 =	vunpack.i.u.bf16.f32 v9;
	[tilespmem:s8+$0xD410] =	vst v50  }
0x1a1: {  	v45 =	vld.idx.msk [tilespmem:v37+s0+$0x0], $0xffff;
	v3 =	vadd.bf16 v30, v6;
	v57 =	vunpack.i.l.bf16.f32 v4;
	v58 =	vmul.bf16 v49, v52;
	[tilespmem:s8+$0xD450] =	vst v9  }
0x1a2: {  	v59 =	vld.idx.msk [tilespmem:v37+s2+$0x0], $0xffff;
	v4 =	vunpack.i.u.bf16.f32 v4;
	v7 =	vmul.bf16 v53, v52;
	[tilespmem:s8+$0xD430] =	vst v57  }
0x1a3: {  	s9 =	sor.u32 s23, s9;
	v47 =	vld.idx.msk [tilespmem:v37+s5+$0x0], $0xffff;
	v5 =	vmul.bf16 v39, v38;
	[tilespmem:s8+$0xD470] =	vst v4;
	v46 =	vunpack.i.l.bf16.f32 v3;
	v8 =	vadd.bf16 v51, v58  }
0x1a4: {  	s9 =	sshll.u32 s9, $0x7;
	v3 =	vunpack.i.u.bf16.f32 v3;
	v61 =	vadd.bf16 v55, v7;
	[tilespmem:s8+$0xD400] =	vst v46  }
0x1a5: {  	s14 =	sand.u32 $0x3FFFFF80, s9;
	[tilespmem:s8+$0xD440] =	vst v3;
	v3 =	vadd.bf16 v41, v5;
	v5 =	vmul.bf16 v56, v52;
	v62 =	vunpack.i.u.bf16.f32 v8  }
0x1a6: {  	v6 =	vmul.bf16 v45, v52;
	v4 =	vunpack.i.u.bf16.f32 v61;
	[tilespmem:s14+$0xD450] =	vst v62  }
0x1a7: {  	v54 =	vunpack.i.l.bf16.f32 v3;
	v3 =	vunpack.i.u.bf16.f32 v3;
	v5 =	vadd.bf16 v59, v5;
	[tilespmem:s14+$0xD460] =	vst v4  }
0x1a8: {  	[tilespmem:s8+$0xD460] =	vst v3;
	v3 =	vadd.bf16 v47, v6  }
0x1a9: {  	[tilespmem:s8+$0xD420] =	vst v54;
	v63 =	vunpack.i.u.bf16.f32 v5  }
0x1aa: {  	p3 =	por p2, p2;
	v60 =	vunpack.i.l.bf16.f32 v3;
	[tilespmem:s14+$0xD470] =	vst v63  }
.Ltmp6:
0x1ab: {  	v3 =	vunpack.i.u.bf16.f32 v3;
	[tilespmem:s14+$0xD400] =	vst v60;
	(pc) =	sbr.rel @p3 .LBB2_12-.Ltmp6, $4  }
0x1ac: {  	[tilespmem:s14+$0xD440] =	vst v3;
	v3 =	vunpack.i.l.bf16.f32 v8  }
0x1ad: {  	[tilespmem:s14+$0xD410] =	vst v3;
	v3 =	vunpack.i.l.bf16.f32 v61  }
0x1ae: {  	[tilespmem:s14+$0xD420] =	vst v3;
	v3 =	vunpack.i.l.bf16.f32 v5  }
0x1af: {  	p2 =	por $0x0, $0x0;
	s11 =	simm.s32 $0x8;
	[tilespmem:s14+$0xD430] =	vst v3  }
0x1b0: {  	s19 =	sadd.s32 $0x1, s19  }
0x1b1: {  	p2 =	sne.s32 s19, $0xA  }
.Ltmp7:
0x1b2: {  	_ = 	snop;
	(pc) =	sbr.rel @p2 .LBB2_11-.Ltmp7, $1  }
0x1b3: {  	_ =	sdelay $0x3  }
0x1b4: {  	s8 =	sshll.u32 s28, $0x4  }
0x1b5: {  	s9 =	simm.s32 $0xD400;
	s8 =	sadd.s32 s4, s8  }
0x1b6: {  	[hbm4b:s8+s5] =	stream.linear.scatter [tilespmem:s9], [sflag:$0x6], $0x5000, $0x38;
	[tilespmem:$0x1C400] =	vst v63  }
0x1b7: {  	s8 =	sadd.s32 @!p1 s26, s16  }
0x1b8: {  	s8 =	sshrl.u32 @!p1 s8, $0x3  }
0x1b9: {  	s11 =	simm.s32 @!p1 $0x8100;
	s9 =	simm.s32 @!p1 $0x0;
	s8 =	sadd.s32 @!p1 s1, s8  }
0x1ba: {  	[tilespmem:s11], [sflag:$0x2] =	stream.linear.gather @!p1 [hbm4b:s8+s9], $0xA0, $0x38;
	[tilespmem:$0x1C400] =	vst v63  }
0x1bb: {  	_ =	swait.ge [sflag:s10], $0xA0  }
0x1bc: {  	[sflag:s10] =	ssyncset.done $0x0  }
0x1bd: {  	s8 =	simm.s32 @!p0 $0x7;
	[sflag:s10] =	ssyncadd.s32 $0xFFFFFF60  }
0x1be: {  	_ =	swait.ge @!p0 [sflag:s8], $0x5000  }
0x1bf: {  	[sflag:s8] =	ssyncset.done @!p0 $0x0  }
0x1c0: {  	s28 =	sadd.s32 s26, s18;
	s19 =	simm.s32 $0x0;
	[sflag:s8] =	ssyncadd.s32 @!p0 $0xFFFFB000  }
.LBB2_15:
0x1c1: {  	s23 =	sshll.u32 s19, $0x4  }
0x1c2: {  	v1 =	vld [tilespmem:s23+$0x8200];
	_ =	sdelay $0x4  }
0x1c3: {  	v2 =	vtrunc.f32 v1  }
0x1c4: {  	v2 =	vcvt.f32.s32 v2;
	_ =	sdelay $0x1  }
0x1c5: {  	v3 =	vcvt.s32.f32 v2;
	_ =	sdelay $0x1  }
0x1c6: {  	p2 =	por $0x1, $0x1;
	s11 =	simm.s32 $0x0;
	v2 =	vshll.u32 v2, $0x6;
	v1 =	vsub.f32 v1, v3  }
.LBB2_16:
0x1c7: {  	v3 =	vmov s11  }
0x1c8: {  	v4 =	vperm.xlane v2, v3;
	_ =	sdelay $0x1  }
0x1c9: {  	v4 =	vadd.s32 v0, v4;
	_ =	sdelay $0x3  }
0x1ca: {  	s8 =	sor.u32 $0x1, s11  }
0x1cb: {  	v6 =	vmov s8;
	v5 =	vld.idx.msk [tilespmem:v4+s0+$0x0], $0xffff  }
0x1cc: {  	v8 =	vperm.xlane v2, v6;
	v7 =	vld.idx.msk [tilespmem:v4+s5+$0x0], $0xffff  }
0x1cd: {  	v9 =	vld.idx.msk [tilespmem:v4+s20+$0x0], $0xffff  }
0x1ce: {  	v8 =	vadd.s32 v0, v8;
	v10 =	vld.idx.msk [tilespmem:v4+s30+$0x0], $0xffff  }
0x1cf: {  	v11 =	vld.idx.msk [tilespmem:v4+s21+$0x0], $0xffff  }
0x1d0: {  	s9 =	sor.u32 s23, s11;
	v3 =	vperm.xlane v1, v3;
	v12 =	vld.idx.msk [tilespmem:v4+s31+$0x0], $0xffff  }
0x1d1: {  	s13 =	sshll.u32 s9, $0x7;
	s9 =	sor.u32 $0x2, s11;
	v47 =	vld.idx.msk [tilespmem:v4+s22+$0x0], $0xffff  }
0x1d2: {  	v49 =	vmov s9;
	v3 =	vpack.i.f32.bf16 v3, v3;
	v4 =	vld.idx.msk [tilespmem:v4+s2+$0x0], $0xffff  }
0x1d3: {  	v15 =	vperm.xlane v2, v49;
	v14 =	vld.idx.msk [tilespmem:v8+s0+$0x0], $0xffff;
	v5 =	vmul.bf16 v5, v3  }
0x1d4: {  	s8 =	sor.u32 s23, s8;
	v50 =	vld.idx.msk [tilespmem:v8+s5+$0x0], $0xffff  }
0x1d5: {  	s14 =	sshll.u32 s8, $0x7;
	s8 =	sor.u32 $0x3, s11;
	v15 =	vadd.s32 v0, v15;
	v52 =	vld.idx.msk [tilespmem:v8+s20+$0x0], $0xffff;
	v9 =	vmul.bf16 v9, v3;
	v5 =	vadd.bf16 v7, v5  }
0x1d6: {  	v6 =	vperm.xlane v1, v6;
	v63 =	vmov s8;
	v53 =	vld.idx.msk [tilespmem:v8+s30+$0x0], $0xffff  }
0x1d7: {  	s13 =	sand.u32 $0x3FFFFF80, s13;
	v54 =	vld.idx.msk [tilespmem:v8+s21+$0x0], $0xffff;
	v48 =	vmul.bf16 v11, v3;
	v9 =	vadd.bf16 v10, v9;
	v13 =	vunpack.i.l.bf16.f32 v5  }
0x1d8: {  	v16 =	vperm.xlane v1, v49;
	v57 =	vld.idx.msk [tilespmem:v8+s31+$0x0], $0xffff;
	v3 =	vmul.bf16 v47, v3;
	v5 =	vunpack.i.u.bf16.f32 v5;
	[tilespmem:s13+$0x12400] =	vst v13  }
0x1d9: {  	v6 =	vpack.i.f32.bf16 v6, v6;
	v60 =	vld.idx.msk [tilespmem:v8+s22+$0x0], $0xffff;
	v10 =	vadd.bf16 v12, v48;
	v51 =	vunpack.i.l.bf16.f32 v9;
	[tilespmem:s13+$0x12440] =	vst v5  }
0x1da: {  	v62 =	vld.idx.msk [tilespmem:v15+s0+$0x0], $0xffff;
	v14 =	vmul.bf16 v14, v6;
	v3 =	vadd.bf16 v4, v3;
	v9 =	vunpack.i.u.bf16.f32 v9;
	[tilespmem:s13+$0x12410] =	vst v51  }
0x1db: {  	v18 =	vperm.xlane v2, v63;
	v17 =	vld.idx.msk [tilespmem:v15+s5+$0x0], $0xffff;
	v12 =	vmul.bf16 v52, v6;
	v55 =	vunpack.i.l.bf16.f32 v10;
	[tilespmem:s13+$0x12450] =	vst v9  }
0x1dc: {  	v20 =	vld.idx.msk [tilespmem:v15+s20+$0x0], $0xffff;
	v58 =	vadd.bf16 v50, v14;
	v56 =	vunpack.i.u.bf16.f32 v10;
	v59 =	vunpack.i.l.bf16.f32 v3;
	[tilespmem:s13+$0x12420] =	vst v55  }
0x1dd: {  	v21 =	vld.idx.msk [tilespmem:v15+s30+$0x0], $0xffff;
	v3 =	vunpack.i.u.bf16.f32 v3;
	v7 =	vadd.bf16 v53, v12;
	v12 =	vadd.s32 v0, v18;
	[tilespmem:s13+$0x12460] =	vst v56  }
0x1de: {  	[tilespmem:s13+$0x12470] =	vst v3;
	v3 =	vld.idx.msk [tilespmem:v8+s2+$0x0], $0xffff  }
0x1df: {  	v22 =	vld.idx.msk [tilespmem:v15+s21+$0x0], $0xffff;
	v4 =	vpack.i.f32.bf16 v16, v16;
	[tilespmem:s13+$0x12430] =	vst v59;
	v61 =	vunpack.i.l.bf16.f32 v58;
	s13 =	sand.u32 $0x3FFFFF80, s14;
	v5 =	vmul.bf16 v54, v6  }
0x1e0: {  	v24 =	vld.idx.msk [tilespmem:v15+s31+$0x0], $0xffff;
	v14 =	vmul.bf16 v62, v4;
	v10 =	vunpack.i.u.bf16.f32 v58;
	[tilespmem:s13+$0x12400] =	vst v61  }
0x1e1: {  	v27 =	vld.idx.msk [tilespmem:v15+s22+$0x0], $0xffff;
	v6 =	vmul.bf16 v60, v6;
	[tilespmem:s13+$0x12440] =	vst v10;
	v19 =	vunpack.i.l.bf16.f32 v7;
	v5 =	vadd.bf16 v57, v5  }
0x1e2: {  	s9 =	sor.u32 s23, s9;
	v7 =	vunpack.i.u.bf16.f32 v7;
	[tilespmem:s13+$0x12410] =	vst v19;
	v29 =	vld.idx.msk [tilespmem:v12+s0+$0x0], $0xffff  }
0x1e3: {  	v25 =	vadd.bf16 v17, v14;
	s14 =	sshll.u32 s9, $0x7;
	s9 =	sor.u32 $0x4, s11;
	[tilespmem:s13+$0x12450] =	vst v7;
	v23 =	vunpack.i.l.bf16.f32 v5;
	v32 =	vld.idx.msk [tilespmem:v12+s5+$0x0], $0xffff;
	v3 =	vadd.bf16 v3, v6  }
0x1e4: {  	v9 =	vmul.bf16 v20, v4;
	v30 =	vmov s9;
	v5 =	vunpack.i.u.bf16.f32 v5;
	v35 =	vld.idx.msk [tilespmem:v12+s20+$0x0], $0xffff;
	[tilespmem:s13+$0x12420] =	vst v23  }
0x1e5: {  	v33 =	vperm.xlane v2, v30;
	v37 =	vld.idx.msk [tilespmem:v12+s21+$0x0], $0xffff;
	[tilespmem:s13+$0x12460] =	vst v5;
	v26 =	vunpack.i.l.bf16.f32 v3;
	v3 =	vunpack.i.u.bf16.f32 v3  }
0x1e6: {  	v31 =	vperm.xlane v1, v63;
	v10 =	vmul.bf16 v22, v4;
	[tilespmem:s13+$0x12470] =	vst v3;
	v3 =	vld.idx.msk [tilespmem:v15+s2+$0x0], $0xffff  }
0x1e7: {  	s14 =	sand.u32 $0x3FFFFF80, s14;
	v28 =	vunpack.i.l.bf16.f32 v25;
	v9 =	vadd.bf16 v21, v9;
	v40 =	vld.idx.msk [tilespmem:v12+s22+$0x0], $0xffff;
	[tilespmem:s13+$0x12430] =	vst v26;
	v15 =	vadd.s32 v0, v33  }
0x1e8: {  	v4 =	vmul.bf16 v27, v4;
	v7 =	vunpack.i.u.bf16.f32 v25;
	v36 =	vld.idx.msk [tilespmem:v12+s30+$0x0], $0xffff;
	v6 =	vadd.bf16 v24, v10;
	[tilespmem:s14+$0x12400] =	vst v28  }
0x1e9: {  	v34 =	vunpack.i.l.bf16.f32 v9;
	v9 =	vunpack.i.u.bf16.f32 v9;
	v39 =	vld.idx.msk [tilespmem:v12+s31+$0x0], $0xffff;
	v5 =	vpack.i.f32.bf16 v31, v31;
	[tilespmem:s14+$0x12440] =	vst v7;
	s13 =	sor.u32 $0x5, s11  }
0x1ea: {  	v12 =	vld.idx.msk [tilespmem:v12+s2+$0x0], $0xffff;
	v38 =	vunpack.i.l.bf16.f32 v6;
	[tilespmem:s14+$0x12410] =	vst v34;
	v14 =	vmul.bf16 v29, v5;
	v45 =	vmov s13  }
0x1eb: {  	[tilespmem:s14+$0x12450] =	vst v9;
	v10 =	vmul.bf16 v35, v5;
	v16 =	vperm.xlane v2, v45;
	v3 =	vadd.bf16 v3, v4  }
0x1ec: {  	v6 =	vunpack.i.u.bf16.f32 v6;
	[tilespmem:s14+$0x12420] =	vst v38;
	v7 =	vmul.bf16 v37, v5;
	v5 =	vmul.bf16 v40, v5;
	v43 =	vld.idx.msk [tilespmem:v15+s0+$0x0], $0xffff  }
0x1ed: {  	s8 =	sor.u32 s23, s8;
	[tilespmem:s14+$0x12460] =	vst v6;
	v8 =	vadd.bf16 v32, v14;
	v50 =	vadd.s32 v0, v16;
	v44 =	vld.idx.msk [tilespmem:v15+s5+$0x0], $0xffff;
	v41 =	vunpack.i.l.bf16.f32 v3  }
0x1ee: {  	s8 =	sshll.u32 s8, $0x7;
	v47 =	vld.idx.msk [tilespmem:v15+s20+$0x0], $0xffff;
	v3 =	vunpack.i.u.bf16.f32 v3;
	[tilespmem:s14+$0x12430] =	vst v41  }
0x1ef: {  	v5 =	vadd.bf16 v12, v5;
	v42 =	vunpack.i.l.bf16.f32 v8;
	v49 =	vld.idx.msk [tilespmem:v15+s30+$0x0], $0xffff;
	[tilespmem:s14+$0x12470] =	vst v3;
	s14 =	sand.u32 $0x3FFFFF80, s8  }
0x1f0: {  	v46 =	vperm.xlane v1, v30;
	v8 =	vunpack.i.u.bf16.f32 v8;
	v51 =	vld.idx.msk [tilespmem:v15+s21+$0x0], $0xffff;
	[tilespmem:s14+$0x12400] =	vst v42  }
0x1f1: {  	v53 =	vunpack.i.l.bf16.f32 v5;
	v54 =	vld.idx.msk [tilespmem:v15+s22+$0x0], $0xffff;
	v3 =	vadd.bf16 v36, v10;
	[tilespmem:s14+$0x12440] =	vst v8  }
0x1f2: {  	v6 =	vpack.i.f32.bf16 v46, v46;
	v11 =	vperm.xlane v1, v45;
	v5 =	vunpack.i.u.bf16.f32 v5;
	[tilespmem:s14+$0x12430] =	vst v53;
	v58 =	vld.idx.msk [tilespmem:v50+s0+$0x0], $0xffff  }
0x1f3: {  	v4 =	vadd.bf16 v39, v7;
	s8 =	sor.u32 $0x6, s11;
	[tilespmem:s14+$0x12470] =	vst v5;
	v61 =	vld.idx.msk [tilespmem:v50+s5+$0x0], $0xffff;
	v48 =	vunpack.i.l.bf16.f32 v3;
	v52 =	vmul.bf16 v43, v6  }
0x1f4: {  	v59 =	vmov s8;
	v16 =	vld.idx.msk [tilespmem:v50+s20+$0x0], $0xffff;
	v3 =	vunpack.i.u.bf16.f32 v3;
	v55 =	vmul.bf16 v47, v6;
	[tilespmem:s14+$0x12410] =	vst v48  }
0x1f5: {  	s9 =	sor.u32 s23, s9;
	v56 =	vld.idx.msk [tilespmem:v15+s2+$0x0], $0xffff;
	v62 =	vperm.xlane v2, v59;
	[tilespmem:s14+$0x12450] =	vst v3;
	v3 =	vunpack.i.l.bf16.f32 v4;
	v10 =	vadd.bf16 v44, v52  }
0x1f6: {  	s9 =	sshll.u32 s9, $0x7;
	v21 =	vpack.i.f32.bf16 v11, v11;
	v22 =	vld.idx.msk [tilespmem:v50+s30+$0x0], $0xffff;
	v4 =	vunpack.i.u.bf16.f32 v4;
	[tilespmem:s14+$0x12420] =	vst v3;
	v7 =	vadd.bf16 v49, v55  }
0x1f7: {  	v19 =	vld.idx.msk [tilespmem:v50+s21+$0x0], $0xffff;
	[tilespmem:s14+$0x12460] =	vst v4;
	s14 =	sand.u32 $0x3FFFFF80, s9;
	v20 =	vadd.s32 v0, v62;
	v57 =	vunpack.i.l.bf16.f32 v10;
	v12 =	vmul.bf16 v58, v21  }
0x1f8: {  	v3 =	vld.idx.msk [tilespmem:v15+s31+$0x0], $0xffff;
	v10 =	vunpack.i.u.bf16.f32 v10;
	[tilespmem:s14+$0x12400] =	vst v57  }
0x1f9: {  	s13 =	sor.u32 s23, s13;
	v25 =	vld.idx.msk [tilespmem:v50+s22+$0x0], $0xffff;
	v63 =	vunpack.i.l.bf16.f32 v7;
	v26 =	vmul.bf16 v16, v21;
	[tilespmem:s14+$0x12440] =	vst v10;
	v9 =	vadd.bf16 v61, v12  }
0x1fa: {  	s13 =	sshll.u32 s13, $0x7;
	v24 =	vld.idx.msk [tilespmem:v50+s31+$0x0], $0xffff;
	v7 =	vunpack.i.u.bf16.f32 v7;
	[tilespmem:s14+$0x12410] =	vst v63  }
0x1fb: {  	v8 =	vld.idx.msk [tilespmem:v50+s2+$0x0], $0xffff;
	v60 =	vmul.bf16 v51, v6;
	s9 =	sor.u32 $0x7, s11;
	s11 =	sand.u32 $0x3FFFFF80, s13;
	[tilespmem:s14+$0x12450] =	vst v7;
	v11 =	vadd.bf16 v22, v26;
	v29 =	vunpack.i.l.bf16.f32 v9  }
0x1fc: {  	v18 =	vmul.bf16 v54, v6;
	v28 =	vmov s9;
	v27 =	vld.idx.msk [tilespmem:v20+s0+$0x0], $0xffff;
	v32 =	vunpack.i.u.bf16.f32 v9;
	[tilespmem:s11+$0x12400] =	vst v29  }
0x1fd: {  	v31 =	vperm.xlane v2, v28;
	v3 =	vadd.bf16 v3, v60;
	v30 =	vld.idx.msk [tilespmem:v20+s5+$0x0], $0xffff;
	v35 =	vunpack.i.l.bf16.f32 v11;
	[tilespmem:s11+$0x12440] =	vst v32  }
0x1fe: {  	v4 =	vadd.bf16 v56, v18;
	v7 =	vmul.bf16 v25, v21;
	v34 =	vld.idx.msk [tilespmem:v20+s20+$0x0], $0xffff;
	v11 =	vunpack.i.u.bf16.f32 v11;
	[tilespmem:s11+$0x12410] =	vst v35  }
0x1ff: {  	v37 =	vadd.s32 v0, v31;
	v36 =	vld.idx.msk [tilespmem:v20+s30+$0x0], $0xffff;
	v23 =	vunpack.i.l.bf16.f32 v3;
	v3 =	vunpack.i.u.bf16.f32 v3;
	[tilespmem:s11+$0x12450] =	vst v11  }
0x200: {  	v33 =	vperm.xlane v1, v59;
	v7 =	vadd.bf16 v8, v7;
	v42 =	vld.idx.msk [tilespmem:v20+s22+$0x0], $0xffff;
	[tilespmem:s14+$0x12460] =	vst v3;
	v3 =	vunpack.i.l.bf16.f32 v4  }
0x201: {  	v39 =	vld.idx.msk [tilespmem:v20+s21+$0x0], $0xffff;
	[tilespmem:s14+$0x12430] =	vst v3;
	v3 =	vmul.bf16 v19, v21  }
0x202: {  	v38 =	vpack.i.f32.bf16 v33, v33;
	v44 =	vld.idx.msk [tilespmem:v20+s2+$0x0], $0xffff;
	v43 =	vunpack.i.l.bf16.f32 v7;
	[tilespmem:s14+$0x12420] =	vst v23  }
0x203: {  	v41 =	vld.idx.msk [tilespmem:v20+s31+$0x0], $0xffff;
	v7 =	vunpack.i.u.bf16.f32 v7;
	[tilespmem:s11+$0x12430] =	vst v43;
	v9 =	vmul.bf16 v34, v38;
	v3 =	vadd.bf16 v24, v3  }
0x204: {  	v4 =	vunpack.i.u.bf16.f32 v4;
	[tilespmem:s11+$0x12470] =	vst v7;
	v49 =	vld.idx.msk [tilespmem:v37+s20+$0x0], $0xffff  }
0x205: {  	s8 =	sor.u32 s23, s8;
	[tilespmem:s14+$0x12470] =	vst v4;
	v53 =	vld.idx.msk [tilespmem:v37+s21+$0x0], $0xffff;
	v4 =	vmul.bf16 v42, v38;
	v9 =	vadd.bf16 v36, v9;
	v40 =	vunpack.i.l.bf16.f32 v3  }
0x206: {  	s8 =	sshll.u32 s8, $0x7;
	v48 =	vperm.xlane v1, v28;
	v51 =	vld.idx.msk [tilespmem:v37+s30+$0x0], $0xffff;
	v3 =	vunpack.i.u.bf16.f32 v3;
	[tilespmem:s11+$0x12420] =	vst v40  }
0x207: {  	s8 =	sand.u32 $0x3FFFFF80, s8;
	v55 =	vld.idx.msk [tilespmem:v37+s31+$0x0], $0xffff;
	v6 =	vmul.bf16 v27, v38;
	v4 =	vadd.bf16 v44, v4;
	[tilespmem:s11+$0x12460] =	vst v3;
	v50 =	vunpack.i.l.bf16.f32 v9  }
0x208: {  	v52 =	vpack.i.f32.bf16 v48, v48;
	v56 =	vld.idx.msk [tilespmem:v37+s22+$0x0], $0xffff;
	v9 =	vunpack.i.u.bf16.f32 v9;
	[tilespmem:s8+$0x12410] =	vst v50  }
0x209: {  	v45 =	vld.idx.msk [tilespmem:v37+s0+$0x0], $0xffff;
	v3 =	vadd.bf16 v30, v6;
	v57 =	vunpack.i.l.bf16.f32 v4;
	v58 =	vmul.bf16 v49, v52;
	[tilespmem:s8+$0x12450] =	vst v9  }
0x20a: {  	v59 =	vld.idx.msk [tilespmem:v37+s2+$0x0], $0xffff;
	v4 =	vunpack.i.u.bf16.f32 v4;
	v7 =	vmul.bf16 v53, v52;
	[tilespmem:s8+$0x12430] =	vst v57  }
0x20b: {  	s9 =	sor.u32 s23, s9;
	v47 =	vld.idx.msk [tilespmem:v37+s5+$0x0], $0xffff;
	v5 =	vmul.bf16 v39, v38;
	[tilespmem:s8+$0x12470] =	vst v4;
	v46 =	vunpack.i.l.bf16.f32 v3;
	v8 =	vadd.bf16 v51, v58  }
0x20c: {  	s9 =	sshll.u32 s9, $0x7;
	v3 =	vunpack.i.u.bf16.f32 v3;
	v61 =	vadd.bf16 v55, v7;
	[tilespmem:s8+$0x12400] =	vst v46  }
0x20d: {  	s14 =	sand.u32 $0x3FFFFF80, s9;
	[tilespmem:s8+$0x12440] =	vst v3;
	v3 =	vadd.bf16 v41, v5;
	v5 =	vmul.bf16 v56, v52;
	v62 =	vunpack.i.u.bf16.f32 v8  }
0x20e: {  	v6 =	vmul.bf16 v45, v52;
	v4 =	vunpack.i.u.bf16.f32 v61;
	[tilespmem:s14+$0x12450] =	vst v62  }
0x20f: {  	v54 =	vunpack.i.l.bf16.f32 v3;
	v3 =	vunpack.i.u.bf16.f32 v3;
	v5 =	vadd.bf16 v59, v5;
	[tilespmem:s14+$0x12460] =	vst v4  }
0x210: {  	[tilespmem:s8+$0x12460] =	vst v3;
	v3 =	vadd.bf16 v47, v6  }
0x211: {  	[tilespmem:s8+$0x12420] =	vst v54;
	v63 =	vunpack.i.u.bf16.f32 v5  }
0x212: {  	p3 =	por p2, p2;
	v60 =	vunpack.i.l.bf16.f32 v3;
	[tilespmem:s14+$0x12470] =	vst v63  }
.Ltmp8:
0x213: {  	v3 =	vunpack.i.u.bf16.f32 v3;
	[tilespmem:s14+$0x12400] =	vst v60;
	(pc) =	sbr.rel @p3 .LBB2_16-.Ltmp8, $4  }
0x214: {  	[tilespmem:s14+$0x12440] =	vst v3;
	v3 =	vunpack.i.l.bf16.f32 v8  }
0x215: {  	[tilespmem:s14+$0x12410] =	vst v3;
	v3 =	vunpack.i.l.bf16.f32 v61  }
0x216: {  	[tilespmem:s14+$0x12420] =	vst v3;
	v3 =	vunpack.i.l.bf16.f32 v5  }
0x217: {  	p2 =	por $0x0, $0x0;
	s11 =	simm.s32 $0x8;
	[tilespmem:s14+$0x12430] =	vst v3  }
0x218: {  	s19 =	sadd.s32 $0x1, s19  }
0x219: {  	p2 =	sne.s32 s19, $0xA  }
.Ltmp9:
0x21a: {  	_ = 	snop;
	(pc) =	sbr.rel @p2 .LBB2_15-.Ltmp9, $1  }
0x21b: {  	_ =	sdelay $0x3  }
0x21c: {  	s8 =	sshll.u32 s28, $0x4  }
0x21d: {  	s9 =	simm.s32 $0x12400;
	s8 =	sadd.s32 s4, s8  }
0x21e: {  	[hbm4b:s8+s5] =	stream.linear.scatter [tilespmem:s9], [sflag:$0x7], $0x5000, $0x38;
	[tilespmem:$0x1C400] =	vst v63  }
0x21f: {  	s8 =	sadd.s32 @!p1 s26, s17  }
0x220: {  	s8 =	sshrl.u32 @!p1 s8, $0x3  }
0x221: {  	s11 =	simm.s32 @!p1 $0x8200;
	s9 =	simm.s32 @!p1 $0x0;
	s8 =	sadd.s32 @!p1 s1, s8  }
0x222: {  	[tilespmem:s11], [sflag:$0x3] =	stream.linear.gather @!p1 [hbm4b:s8+s9], $0xA0, $0x38;
	[tilespmem:$0x1C400] =	vst v63  }
0x223: {  	_ =	swait.ge [sflag:s12], $0xA0  }
0x224: {  	[sflag:s12] =	ssyncset.done $0x0  }
0x225: {  	s8 =	simm.s32 @!p0 $0x8;
	[sflag:s12] =	ssyncadd.s32 $0xFFFFFF60  }
0x226: {  	_ =	swait.ge @!p0 [sflag:s8], $0x5000  }
0x227: {  	[sflag:s8] =	ssyncset.done @!p0 $0x0  }
0x228: {  	s28 =	sadd.s32 s26, s24;
	s19 =	simm.s32 $0x0;
	[sflag:s8] =	ssyncadd.s32 @!p0 $0xFFFFB000  }
.LBB2_19:
0x229: {  	s23 =	sshll.u32 s19, $0x4  }
0x22a: {  	v1 =	vld [tilespmem:s23+$0x8300];
	_ =	sdelay $0x4  }
0x22b: {  	v2 =	vtrunc.f32 v1  }
0x22c: {  	v2 =	vcvt.f32.s32 v2;
	_ =	sdelay $0x1  }
0x22d: {  	v3 =	vcvt.s32.f32 v2;
	_ =	sdelay $0x1  }
0x22e: {  	p0 =	por $0x1, $0x1;
	s11 =	simm.s32 $0x0;
	v2 =	vshll.u32 v2, $0x6;
	v1 =	vsub.f32 v1, v3  }
.LBB2_20:
0x22f: {  	v3 =	vmov s11  }
0x230: {  	v4 =	vperm.xlane v2, v3;
	_ =	sdelay $0x1  }
0x231: {  	v4 =	vadd.s32 v0, v4;
	_ =	sdelay $0x3  }
0x232: {  	s8 =	sor.u32 $0x1, s11  }
0x233: {  	v6 =	vmov s8;
	v5 =	vld.idx.msk [tilespmem:v4+s0+$0x0], $0xffff  }
0x234: {  	v8 =	vperm.xlane v2, v6;
	v7 =	vld.idx.msk [tilespmem:v4+s5+$0x0], $0xffff  }
0x235: {  	v9 =	vld.idx.msk [tilespmem:v4+s20+$0x0], $0xffff  }
0x236: {  	v8 =	vadd.s32 v0, v8;
	v10 =	vld.idx.msk [tilespmem:v4+s30+$0x0], $0xffff  }
0x237: {  	v11 =	vld.idx.msk [tilespmem:v4+s21+$0x0], $0xffff  }
0x238: {  	s9 =	sor.u32 s23, s11;
	v3 =	vperm.xlane v1, v3;
	v12 =	vld.idx.msk [tilespmem:v4+s31+$0x0], $0xffff  }
0x239: {  	s13 =	sshll.u32 s9, $0x7;
	s9 =	sor.u32 $0x2, s11;
	v47 =	vld.idx.msk [tilespmem:v4+s22+$0x0], $0xffff  }
0x23a: {  	v49 =	vmov s9;
	v3 =	vpack.i.f32.bf16 v3, v3;
	v4 =	vld.idx.msk [tilespmem:v4+s2+$0x0], $0xffff  }
0x23b: {  	v15 =	vperm.xlane v2, v49;
	v14 =	vld.idx.msk [tilespmem:v8+s0+$0x0], $0xffff;
	v5 =	vmul.bf16 v5, v3  }
0x23c: {  	s8 =	sor.u32 s23, s8;
	v50 =	vld.idx.msk [tilespmem:v8+s5+$0x0], $0xffff  }
0x23d: {  	s14 =	sshll.u32 s8, $0x7;
	s8 =	sor.u32 $0x3, s11;
	v15 =	vadd.s32 v0, v15;
	v52 =	vld.idx.msk [tilespmem:v8+s20+$0x0], $0xffff;
	v9 =	vmul.bf16 v9, v3;
	v5 =	vadd.bf16 v7, v5  }
0x23e: {  	v6 =	vperm.xlane v1, v6;
	v63 =	vmov s8;
	v53 =	vld.idx.msk [tilespmem:v8+s30+$0x0], $0xffff  }
0x23f: {  	s13 =	sand.u32 $0x3FFFFF80, s13;
	v54 =	vld.idx.msk [tilespmem:v8+s21+$0x0], $0xffff;
	v48 =	vmul.bf16 v11, v3;
	v9 =	vadd.bf16 v10, v9;
	v13 =	vunpack.i.l.bf16.f32 v5  }
0x240: {  	v16 =	vperm.xlane v1, v49;
	v57 =	vld.idx.msk [tilespmem:v8+s31+$0x0], $0xffff;
	v3 =	vmul.bf16 v47, v3;
	v5 =	vunpack.i.u.bf16.f32 v5;
	[tilespmem:s13+$0x17400] =	vst v13  }
0x241: {  	v6 =	vpack.i.f32.bf16 v6, v6;
	v60 =	vld.idx.msk [tilespmem:v8+s22+$0x0], $0xffff;
	v10 =	vadd.bf16 v12, v48;
	v51 =	vunpack.i.l.bf16.f32 v9;
	[tilespmem:s13+$0x17440] =	vst v5  }
0x242: {  	v62 =	vld.idx.msk [tilespmem:v15+s0+$0x0], $0xffff;
	v14 =	vmul.bf16 v14, v6;
	v3 =	vadd.bf16 v4, v3;
	v9 =	vunpack.i.u.bf16.f32 v9;
	[tilespmem:s13+$0x17410] =	vst v51  }
0x243: {  	v18 =	vperm.xlane v2, v63;
	v17 =	vld.idx.msk [tilespmem:v15+s5+$0x0], $0xffff;
	v12 =	vmul.bf16 v52, v6;
	v55 =	vunpack.i.l.bf16.f32 v10;
	[tilespmem:s13+$0x17450] =	vst v9  }
0x244: {  	v20 =	vld.idx.msk [tilespmem:v15+s20+$0x0], $0xffff;
	v58 =	vadd.bf16 v50, v14;
	v56 =	vunpack.i.u.bf16.f32 v10;
	v59 =	vunpack.i.l.bf16.f32 v3;
	[tilespmem:s13+$0x17420] =	vst v55  }
0x245: {  	v21 =	vld.idx.msk [tilespmem:v15+s30+$0x0], $0xffff;
	v3 =	vunpack.i.u.bf16.f32 v3;
	v7 =	vadd.bf16 v53, v12;
	v12 =	vadd.s32 v0, v18;
	[tilespmem:s13+$0x17460] =	vst v56  }
0x246: {  	[tilespmem:s13+$0x17470] =	vst v3;
	v3 =	vld.idx.msk [tilespmem:v8+s2+$0x0], $0xffff  }
0x247: {  	v22 =	vld.idx.msk [tilespmem:v15+s21+$0x0], $0xffff;
	v4 =	vpack.i.f32.bf16 v16, v16;
	[tilespmem:s13+$0x17430] =	vst v59;
	v61 =	vunpack.i.l.bf16.f32 v58;
	s13 =	sand.u32 $0x3FFFFF80, s14;
	v5 =	vmul.bf16 v54, v6  }
0x248: {  	v24 =	vld.idx.msk [tilespmem:v15+s31+$0x0], $0xffff;
	v14 =	vmul.bf16 v62, v4;
	v10 =	vunpack.i.u.bf16.f32 v58;
	[tilespmem:s13+$0x17400] =	vst v61  }
0x249: {  	v27 =	vld.idx.msk [tilespmem:v15+s22+$0x0], $0xffff;
	v6 =	vmul.bf16 v60, v6;
	[tilespmem:s13+$0x17440] =	vst v10;
	v19 =	vunpack.i.l.bf16.f32 v7;
	v5 =	vadd.bf16 v57, v5  }
0x24a: {  	s9 =	sor.u32 s23, s9;
	v7 =	vunpack.i.u.bf16.f32 v7;
	[tilespmem:s13+$0x17410] =	vst v19;
	v29 =	vld.idx.msk [tilespmem:v12+s0+$0x0], $0xffff  }
0x24b: {  	v25 =	vadd.bf16 v17, v14;
	s14 =	sshll.u32 s9, $0x7;
	s9 =	sor.u32 $0x4, s11;
	[tilespmem:s13+$0x17450] =	vst v7;
	v23 =	vunpack.i.l.bf16.f32 v5;
	v32 =	vld.idx.msk [tilespmem:v12+s5+$0x0], $0xffff;
	v3 =	vadd.bf16 v3, v6  }
0x24c: {  	v9 =	vmul.bf16 v20, v4;
	v30 =	vmov s9;
	v5 =	vunpack.i.u.bf16.f32 v5;
	v35 =	vld.idx.msk [tilespmem:v12+s20+$0x0], $0xffff;
	[tilespmem:s13+$0x17420] =	vst v23  }
0x24d: {  	v33 =	vperm.xlane v2, v30;
	v37 =	vld.idx.msk [tilespmem:v12+s21+$0x0], $0xffff;
	[tilespmem:s13+$0x17460] =	vst v5;
	v26 =	vunpack.i.l.bf16.f32 v3;
	v3 =	vunpack.i.u.bf16.f32 v3  }
0x24e: {  	v31 =	vperm.xlane v1, v63;
	v10 =	vmul.bf16 v22, v4;
	[tilespmem:s13+$0x17470] =	vst v3;
	v3 =	vld.idx.msk [tilespmem:v15+s2+$0x0], $0xffff  }
0x24f: {  	s14 =	sand.u32 $0x3FFFFF80, s14;
	v28 =	vunpack.i.l.bf16.f32 v25;
	v9 =	vadd.bf16 v21, v9;
	v40 =	vld.idx.msk [tilespmem:v12+s22+$0x0], $0xffff;
	[tilespmem:s13+$0x17430] =	vst v26;
	v15 =	vadd.s32 v0, v33  }
0x250: {  	v4 =	vmul.bf16 v27, v4;
	v7 =	vunpack.i.u.bf16.f32 v25;
	v36 =	vld.idx.msk [tilespmem:v12+s30+$0x0], $0xffff;
	v6 =	vadd.bf16 v24, v10;
	[tilespmem:s14+$0x17400] =	vst v28  }
0x251: {  	v34 =	vunpack.i.l.bf16.f32 v9;
	v9 =	vunpack.i.u.bf16.f32 v9;
	v39 =	vld.idx.msk [tilespmem:v12+s31+$0x0], $0xffff;
	v5 =	vpack.i.f32.bf16 v31, v31;
	[tilespmem:s14+$0x17440] =	vst v7;
	s13 =	sor.u32 $0x5, s11  }
0x252: {  	v12 =	vld.idx.msk [tilespmem:v12+s2+$0x0], $0xffff;
	v38 =	vunpack.i.l.bf16.f32 v6;
	[tilespmem:s14+$0x17410] =	vst v34;
	v14 =	vmul.bf16 v29, v5;
	v45 =	vmov s13  }
0x253: {  	[tilespmem:s14+$0x17450] =	vst v9;
	v10 =	vmul.bf16 v35, v5;
	v16 =	vperm.xlane v2, v45;
	v3 =	vadd.bf16 v3, v4  }
0x254: {  	v6 =	vunpack.i.u.bf16.f32 v6;
	[tilespmem:s14+$0x17420] =	vst v38;
	v7 =	vmul.bf16 v37, v5;
	v5 =	vmul.bf16 v40, v5;
	v43 =	vld.idx.msk [tilespmem:v15+s0+$0x0], $0xffff  }
0x255: {  	s8 =	sor.u32 s23, s8;
	[tilespmem:s14+$0x17460] =	vst v6;
	v8 =	vadd.bf16 v32, v14;
	v50 =	vadd.s32 v0, v16;
	v44 =	vld.idx.msk [tilespmem:v15+s5+$0x0], $0xffff;
	v41 =	vunpack.i.l.bf16.f32 v3  }
0x256: {  	s8 =	sshll.u32 s8, $0x7;
	v47 =	vld.idx.msk [tilespmem:v15+s20+$0x0], $0xffff;
	v3 =	vunpack.i.u.bf16.f32 v3;
	[tilespmem:s14+$0x17430] =	vst v41  }
0x257: {  	v5 =	vadd.bf16 v12, v5;
	v42 =	vunpack.i.l.bf16.f32 v8;
	v49 =	vld.idx.msk [tilespmem:v15+s30+$0x0], $0xffff;
	[tilespmem:s14+$0x17470] =	vst v3;
	s14 =	sand.u32 $0x3FFFFF80, s8  }
0x258: {  	v46 =	vperm.xlane v1, v30;
	v8 =	vunpack.i.u.bf16.f32 v8;
	v51 =	vld.idx.msk [tilespmem:v15+s21+$0x0], $0xffff;
	[tilespmem:s14+$0x17400] =	vst v42  }
0x259: {  	v53 =	vunpack.i.l.bf16.f32 v5;
	v54 =	vld.idx.msk [tilespmem:v15+s22+$0x0], $0xffff;
	v3 =	vadd.bf16 v36, v10;
	[tilespmem:s14+$0x17440] =	vst v8  }
0x25a: {  	v6 =	vpack.i.f32.bf16 v46, v46;
	v11 =	vperm.xlane v1, v45;
	v5 =	vunpack.i.u.bf16.f32 v5;
	[tilespmem:s14+$0x17430] =	vst v53;
	v58 =	vld.idx.msk [tilespmem:v50+s0+$0x0], $0xffff  }
0x25b: {  	v4 =	vadd.bf16 v39, v7;
	s8 =	sor.u32 $0x6, s11;
	[tilespmem:s14+$0x17470] =	vst v5;
	v61 =	vld.idx.msk [tilespmem:v50+s5+$0x0], $0xffff;
	v48 =	vunpack.i.l.bf16.f32 v3;
	v52 =	vmul.bf16 v43, v6  }
0x25c: {  	v59 =	vmov s8;
	v16 =	vld.idx.msk [tilespmem:v50+s20+$0x0], $0xffff;
	v3 =	vunpack.i.u.bf16.f32 v3;
	v55 =	vmul.bf16 v47, v6;
	[tilespmem:s14+$0x17410] =	vst v48  }
0x25d: {  	s9 =	sor.u32 s23, s9;
	v56 =	vld.idx.msk [tilespmem:v15+s2+$0x0], $0xffff;
	v62 =	vperm.xlane v2, v59;
	[tilespmem:s14+$0x17450] =	vst v3;
	v3 =	vunpack.i.l.bf16.f32 v4;
	v10 =	vadd.bf16 v44, v52  }
0x25e: {  	s9 =	sshll.u32 s9, $0x7;
	v21 =	vpack.i.f32.bf16 v11, v11;
	v22 =	vld.idx.msk [tilespmem:v50+s30+$0x0], $0xffff;
	v4 =	vunpack.i.u.bf16.f32 v4;
	[tilespmem:s14+$0x17420] =	vst v3;
	v7 =	vadd.bf16 v49, v55  }
0x25f: {  	v19 =	vld.idx.msk [tilespmem:v50+s21+$0x0], $0xffff;
	[tilespmem:s14+$0x17460] =	vst v4;
	s14 =	sand.u32 $0x3FFFFF80, s9;
	v20 =	vadd.s32 v0, v62;
	v57 =	vunpack.i.l.bf16.f32 v10;
	v12 =	vmul.bf16 v58, v21  }
0x260: {  	v3 =	vld.idx.msk [tilespmem:v15+s31+$0x0], $0xffff;
	v10 =	vunpack.i.u.bf16.f32 v10;
	[tilespmem:s14+$0x17400] =	vst v57  }
0x261: {  	s13 =	sor.u32 s23, s13;
	v25 =	vld.idx.msk [tilespmem:v50+s22+$0x0], $0xffff;
	v63 =	vunpack.i.l.bf16.f32 v7;
	v26 =	vmul.bf16 v16, v21;
	[tilespmem:s14+$0x17440] =	vst v10;
	v9 =	vadd.bf16 v61, v12  }
0x262: {  	s13 =	sshll.u32 s13, $0x7;
	v24 =	vld.idx.msk [tilespmem:v50+s31+$0x0], $0xffff;
	v7 =	vunpack.i.u.bf16.f32 v7;
	[tilespmem:s14+$0x17410] =	vst v63  }
0x263: {  	v8 =	vld.idx.msk [tilespmem:v50+s2+$0x0], $0xffff;
	v60 =	vmul.bf16 v51, v6;
	s9 =	sor.u32 $0x7, s11;
	s11 =	sand.u32 $0x3FFFFF80, s13;
	[tilespmem:s14+$0x17450] =	vst v7;
	v11 =	vadd.bf16 v22, v26;
	v29 =	vunpack.i.l.bf16.f32 v9  }
0x264: {  	v18 =	vmul.bf16 v54, v6;
	v28 =	vmov s9;
	v27 =	vld.idx.msk [tilespmem:v20+s0+$0x0], $0xffff;
	v32 =	vunpack.i.u.bf16.f32 v9;
	[tilespmem:s11+$0x17400] =	vst v29  }
0x265: {  	v31 =	vperm.xlane v2, v28;
	v3 =	vadd.bf16 v3, v60;
	v30 =	vld.idx.msk [tilespmem:v20+s5+$0x0], $0xffff;
	v35 =	vunpack.i.l.bf16.f32 v11;
	[tilespmem:s11+$0x17440] =	vst v32  }
0x266: {  	v4 =	vadd.bf16 v56, v18;
	v7 =	vmul.bf16 v25, v21;
	v34 =	vld.idx.msk [tilespmem:v20+s20+$0x0], $0xffff;
	v11 =	vunpack.i.u.bf16.f32 v11;
	[tilespmem:s11+$0x17410] =	vst v35  }
0x267: {  	v37 =	vadd.s32 v0, v31;
	v36 =	vld.idx.msk [tilespmem:v20+s30+$0x0], $0xffff;
	v23 =	vunpack.i.l.bf16.f32 v3;
	v3 =	vunpack.i.u.bf16.f32 v3;
	[tilespmem:s11+$0x17450] =	vst v11  }
0x268: {  	v33 =	vperm.xlane v1, v59;
	v7 =	vadd.bf16 v8, v7;
	v42 =	vld.idx.msk [tilespmem:v20+s22+$0x0], $0xffff;
	[tilespmem:s14+$0x17460] =	vst v3;
	v3 =	vunpack.i.l.bf16.f32 v4  }
0x269: {  	v39 =	vld.idx.msk [tilespmem:v20+s21+$0x0], $0xffff;
	[tilespmem:s14+$0x17430] =	vst v3;
	v3 =	vmul.bf16 v19, v21  }
0x26a: {  	v38 =	vpack.i.f32.bf16 v33, v33;
	v44 =	vld.idx.msk [tilespmem:v20+s2+$0x0], $0xffff;
	v43 =	vunpack.i.l.bf16.f32 v7;
	[tilespmem:s14+$0x17420] =	vst v23  }
0x26b: {  	v41 =	vld.idx.msk [tilespmem:v20+s31+$0x0], $0xffff;
	v7 =	vunpack.i.u.bf16.f32 v7;
	[tilespmem:s11+$0x17430] =	vst v43;
	v9 =	vmul.bf16 v34, v38;
	v3 =	vadd.bf16 v24, v3  }
0x26c: {  	v4 =	vunpack.i.u.bf16.f32 v4;
	[tilespmem:s11+$0x17470] =	vst v7;
	v49 =	vld.idx.msk [tilespmem:v37+s20+$0x0], $0xffff  }
0x26d: {  	s8 =	sor.u32 s23, s8;
	[tilespmem:s14+$0x17470] =	vst v4;
	v53 =	vld.idx.msk [tilespmem:v37+s21+$0x0], $0xffff;
	v4 =	vmul.bf16 v42, v38;
	v9 =	vadd.bf16 v36, v9;
	v40 =	vunpack.i.l.bf16.f32 v3  }
0x26e: {  	s8 =	sshll.u32 s8, $0x7;
	v48 =	vperm.xlane v1, v28;
	v51 =	vld.idx.msk [tilespmem:v37+s30+$0x0], $0xffff;
	v3 =	vunpack.i.u.bf16.f32 v3;
	[tilespmem:s11+$0x17420] =	vst v40  }
0x26f: {  	s8 =	sand.u32 $0x3FFFFF80, s8;
	v55 =	vld.idx.msk [tilespmem:v37+s31+$0x0], $0xffff;
	v6 =	vmul.bf16 v27, v38;
	v4 =	vadd.bf16 v44, v4;
	[tilespmem:s11+$0x17460] =	vst v3;
	v50 =	vunpack.i.l.bf16.f32 v9  }
0x270: {  	v52 =	vpack.i.f32.bf16 v48, v48;
	v56 =	vld.idx.msk [tilespmem:v37+s22+$0x0], $0xffff;
	v9 =	vunpack.i.u.bf16.f32 v9;
	[tilespmem:s8+$0x17410] =	vst v50  }
0x271: {  	v45 =	vld.idx.msk [tilespmem:v37+s0+$0x0], $0xffff;
	v3 =	vadd.bf16 v30, v6;
	v57 =	vunpack.i.l.bf16.f32 v4;
	v58 =	vmul.bf16 v49, v52;
	[tilespmem:s8+$0x17450] =	vst v9  }
0x272: {  	v59 =	vld.idx.msk [tilespmem:v37+s2+$0x0], $0xffff;
	v4 =	vunpack.i.u.bf16.f32 v4;
	v7 =	vmul.bf16 v53, v52;
	[tilespmem:s8+$0x17430] =	vst v57  }
0x273: {  	s9 =	sor.u32 s23, s9;
	v47 =	vld.idx.msk [tilespmem:v37+s5+$0x0], $0xffff;
	v5 =	vmul.bf16 v39, v38;
	[tilespmem:s8+$0x17470] =	vst v4;
	v46 =	vunpack.i.l.bf16.f32 v3;
	v8 =	vadd.bf16 v51, v58  }
0x274: {  	s9 =	sshll.u32 s9, $0x7;
	v3 =	vunpack.i.u.bf16.f32 v3;
	v61 =	vadd.bf16 v55, v7;
	[tilespmem:s8+$0x17400] =	vst v46  }
0x275: {  	s14 =	sand.u32 $0x3FFFFF80, s9;
	[tilespmem:s8+$0x17440] =	vst v3;
	v3 =	vadd.bf16 v41, v5;
	v5 =	vmul.bf16 v56, v52;
	v62 =	vunpack.i.u.bf16.f32 v8  }
0x276: {  	v6 =	vmul.bf16 v45, v52;
	v4 =	vunpack.i.u.bf16.f32 v61;
	[tilespmem:s14+$0x17450] =	vst v62  }
0x277: {  	v54 =	vunpack.i.l.bf16.f32 v3;
	v3 =	vunpack.i.u.bf16.f32 v3;
	v5 =	vadd.bf16 v59, v5;
	[tilespmem:s14+$0x17460] =	vst v4  }
0x278: {  	[tilespmem:s8+$0x17460] =	vst v3;
	v3 =	vadd.bf16 v47, v6  }
0x279: {  	[tilespmem:s8+$0x17420] =	vst v54;
	v63 =	vunpack.i.u.bf16.f32 v5  }
0x27a: {  	p2 =	por p0, p0;
	v60 =	vunpack.i.l.bf16.f32 v3;
	[tilespmem:s14+$0x17470] =	vst v63  }
.Ltmp10:
0x27b: {  	v3 =	vunpack.i.u.bf16.f32 v3;
	[tilespmem:s14+$0x17400] =	vst v60;
	(pc) =	sbr.rel @p2 .LBB2_20-.Ltmp10, $4  }
0x27c: {  	[tilespmem:s14+$0x17440] =	vst v3;
	v3 =	vunpack.i.l.bf16.f32 v8  }
0x27d: {  	[tilespmem:s14+$0x17410] =	vst v3;
	v3 =	vunpack.i.l.bf16.f32 v61  }
0x27e: {  	[tilespmem:s14+$0x17420] =	vst v3;
	v3 =	vunpack.i.l.bf16.f32 v5  }
0x27f: {  	p0 =	por $0x0, $0x0;
	s11 =	simm.s32 $0x8;
	[tilespmem:s14+$0x17430] =	vst v3  }
0x280: {  	s19 =	sadd.s32 $0x1, s19  }
0x281: {  	p0 =	sne.s32 s19, $0xA  }
.Ltmp11:
0x282: {  	_ = 	snop;
	(pc) =	sbr.rel @p0 .LBB2_19-.Ltmp11, $1  }
0x283: {  	_ =	sdelay $0x3  }
.Ltmp12:
0x284: {  	(pc) =	sbr.rel @p1 .LBB2_24-.Ltmp12, $4  }
0x285: {  	_ = 	snop  }
0x286: {  	s8 =	sshll.u32 s28, $0x4  }
0x287: {  	s9 =	simm.s32 $0x17400;
	s8 =	sadd.s32 s4, s8  }
0x288: {  	[hbm4b:s8+s5] =	stream.linear.scatter [tilespmem:s9], [sflag:$0x8], $0x5000, $0x38;
	[tilespmem:$0x1C400] =	vst v63  }
.Ltmp13:
0x289: {  	s8 =	rddreg [dreg:$0xc];
	(pc) =	sbr.rel .LBB2_6-.Ltmp13, $4  }
0x28a: {  	s8 =	sadd.s32 s26, s8  }
0x28b: {  	s8 =	sshrl.u32 s8, $0x3  }
0x28c: {  	s9 =	simm.s32 $0x8300;
	s7 =	sadd.s32 $0x1, s7;
	s8 =	sadd.s32 s1, s8  }
0x28d: {  	[tilespmem:s9], [sflag:$0x4] =	stream.linear.gather [hbm4b:s8+s5], $0xA0, $0x38;
	[tilespmem:$0x1C400] =	vst v63  }
.LBB2_25:
0x28e: {  	_ =	sfence.sel $0x180000  }
0x28f: {  	[bflag:$0x0] =	sbarrier.arrive $0xFFFF  }
0x290: {  	_ =	strace $0x90000047  }
0x291: {  	s0 =	stileid.u32;
	[bflag:$0x2] =	sbarrier.arrive $0xFFFF  }
0x292: {  	p0 =	sne.s32 s0, $0x0;
	s0 =	rddreg [dreg:$0x3]  }
0x293: {  	s0 =	sadd.s32 @!p0 $0x100000, s0  }
0x294: {  	[sflag:s0] =	ssyncadd.tile.s32 @!p0 $0x1;
	_ =	shalt  }
.Lfunc_end2:
_tile_overlayer_lowered:
.L_overlay_start_2:
0x295: {  	(tag) =	ssettag $0x2  }
0x296: {  	s0 =	rddreg [dreg:$0x0];
	s2 =	stileid.u32  }
0x297: {  	s1 =	rddreg [dreg:$0x1];
	p0 =	sne.s32 s2, $0x0  }
0x298: {  	s3 =	rddreg [dreg:$0x2];
	[bflag:$0x3] =	sbarrier.arrive $0xFFFF;
	s2 =	simm.s32 @!p0 $0x1C09  }
0x299: {  	[timem:s3], [sflag:s2] =	dma.local @!p0 [hbm:s0], s1  }
0x29a: {  	s0 =	simm.s32 @!p0 $0x9  }
0x29b: {  	_ =	swait.ge @!p0 [sflag:s0], s1  }
0x29c: {  	s1 =	ssub.s32 @!p0 $0x0, s1;
	[sflag:s0] =	ssyncset.done @!p0 $0x0  }
0x29d: {  	[sflag:s0] =	ssyncadd.s32 @!p0 s1  }
0x29e: {  	[bflag:$0x3] =	sbarrier.arrive $0xFFFF  }
0x29f: {  	_ =	shalt  }

</sc_bundles>
